<compile_context>
chip_gen: v7x
topology: tpu7x:2x2x1
jax: 0.10.2.dev20260603
libtpu: 0.0.44.dev20260713+nightly
codegen_flags: <defaults>
</compile_context>

<pallas_src>
import functools

import jax
import jax.numpy as jnp
from jax import lax
from jax.experimental import pallas as pl
from jax.experimental.pallas import tpu as pltpu
from jax.experimental.pallas import tpu_sc as plsc

N = 10000
NPAD = 10240
F = 128
T = 20
IN_SZ = 16
HID = 64
E = 320000

NC = 2
NS = 16
NW = NC * NS
CH = 128
EPT = E // NW
FULL_CHUNKS = EPT // CH
CH_T = EPT - FULL_CHUNKS * CH
RPT = NPAD // NS

@functools.cache
def _sc_kernels():
    mesh = plsc.VectorSubcoreMesh(
        core_axis_name="c", subcore_axis_name="s",
        num_cores=NC, num_subcores=NS,
    )

    @functools.partial(
        pl.kernel,
        out_type=jax.ShapeDtypeStruct((NC, NPAD), jnp.float32),
        mesh=mesh,
        scratch_types=[
            pltpu.VMEM((CH,), jnp.int32),
            pltpu.VMEM((CH,), jnp.int32),
            pltpu.VMEM((CH,), jnp.float32),
            pltpu.VMEM((RPT,), jnp.float32),
            pltpu.VMEM((CH_T,), jnp.int32),
            pltpu.SemaphoreType.DMA,
            pltpu.SemaphoreType.DMA,
            pltpu.VMEM_SHARED((NPAD,), jnp.float32),
        ],
    )
    def _sc_degree_kernel(ei_hbm, deg_hbm, didx0, didx1, ones, zv,
                          didx_t, id0, id1, acc):
        c = lax.axis_index("c")
        s = lax.axis_index("s")
        wid = s * NC + c

        if True:
            def fill_z(i, _):
                zv[pl.ds(i * 16, 16)] = jnp.zeros((16,), jnp.float32)
                return 0

            lax.fori_loop(0, RPT // 16, fill_z, 0)

            def fill_ones(i, _):
                ones[pl.ds(i * 16, 16)] = jnp.ones((16,), jnp.float32)
                return 0

            lax.fori_loop(0, CH // 16, fill_ones, 0)

            r0 = s * RPT
            pltpu.sync_copy(zv, acc.at[pl.ds(r0, RPT)])
            plsc.subcore_barrier()

            base = wid * EPT
            half = FULL_CHUNKS // 2

            pltpu.sync_copy(ei_hbm.at[pl.ds(E + base, CH)], didx0)
            pltpu.async_copy(ei_hbm.at[pl.ds(E + base + CH, CH)], didx1, id1)

            def pair(i, _):
                pltpu.sync_copy(ones, acc.at[didx0], add=True)

                @pl.when(i < half - 1)
                def _():
                    pltpu.async_copy(
                        ei_hbm.at[pl.ds(E + base + (2 * i + 2) * CH, CH)],
                        didx0, id0)

                pltpu.make_async_copy(ei_hbm.at[pl.ds(0, CH)], didx1,
                                      id1).wait()
                pltpu.sync_copy(ones, acc.at[didx1], add=True)

                @pl.when(i < half - 1)
                def _():
                    pltpu.async_copy(
                        ei_hbm.at[pl.ds(E + base + (2 * i + 3) * CH, CH)],
                        didx1, id1)
                    pltpu.make_async_copy(ei_hbm.at[pl.ds(0, CH)], didx0,
                                          id0).wait()

                return 0

            lax.fori_loop(0, half, pair, 0)
            pltpu.sync_copy(
                ei_hbm.at[pl.ds(E + base + FULL_CHUNKS * CH, CH_T)], didx_t
            )
            pltpu.sync_copy(ones.at[pl.ds(0, CH_T)], acc.at[didx_t], add=True)
            plsc.subcore_barrier()
            pltpu.sync_copy(
                acc.at[pl.ds(r0, RPT)], deg_hbm.at[c, pl.ds(r0, RPT)]
            )


    @functools.partial(
        pl.kernel,
        out_type=jax.ShapeDtypeStruct((NC, NPAD, F), jnp.float32),
        mesh=mesh,
        scratch_types=[
            pltpu.VMEM((CH,), jnp.int32),
            pltpu.VMEM((CH,), jnp.int32),
            pltpu.VMEM((CH,), jnp.int32),
            pltpu.VMEM((CH,), jnp.int32),
            pltpu.VMEM((CH, F), jnp.float32),
            pltpu.VMEM((CH, F), jnp.float32),
            pltpu.VMEM((CH_T,), jnp.int32),
            pltpu.VMEM((CH_T,), jnp.int32),
            pltpu.VMEM((CH_T, F), jnp.float32),
            pltpu.SemaphoreType.DMA,
            pltpu.SemaphoreType.DMA,
            pltpu.SemaphoreType.DMA,
            pltpu.SemaphoreType.DMA,
            pltpu.SemaphoreType.DMA,
            pltpu.SemaphoreType.DMA,
            pltpu.VMEM_SHARED((NPAD, F), jnp.float32),
        ],
    )
    def _sc_agg_kernel(table_hbm, ei_hbm, out_hbm, sidx0, didx0,
                       sidx1, didx1, rows0, rows1, sidx_t, didx_t, rows_t,
                       is0, id0, is1, id1, g0, g1, acc):
        c = lax.axis_index("c")
        s = lax.axis_index("s")
        wid = s * NC + c

        if True:
            def zrow(r, _):
                for j in range(F // 16):
                    rows0[r, pl.ds(j * 16, 16)] = jnp.zeros((16,), jnp.float32)
                return 0

            lax.fori_loop(0, CH, zrow, 0)
            r0 = s * RPT
            for k in range(RPT // CH):
                pltpu.sync_copy(rows0, acc.at[pl.ds(r0 + k * CH, CH)])
            plsc.subcore_barrier()

            base = wid * EPT
            half = FULL_CHUNKS // 2

            pltpu.sync_copy(ei_hbm.at[pl.ds(base, CH)], sidx0)
            pltpu.sync_copy(ei_hbm.at[pl.ds(E + base, CH)], didx0)
            pltpu.async_copy(table_hbm.at[sidx0], rows0, g0)
            pltpu.async_copy(ei_hbm.at[pl.ds(base + CH, CH)], sidx1, is1)
            pltpu.async_copy(ei_hbm.at[pl.ds(E + base + CH, CH)], didx1, id1)

            def pair(i, _):
                off_a2 = base + (2 * i + 2) * CH
                off_b2 = base + (2 * i + 3) * CH
                pltpu.make_async_copy(ei_hbm.at[pl.ds(0, CH)], sidx1,
                                      is1).wait()
                pltpu.make_async_copy(ei_hbm.at[pl.ds(0, CH)], didx1,
                                      id1).wait()
                pltpu.async_copy(table_hbm.at[sidx1], rows1, g1)
                pltpu.make_async_copy(table_hbm.at[sidx0], rows0, g0).wait()
                pltpu.sync_copy(rows0, acc.at[didx0], add=True)

                @pl.when(i < half - 1)
                def _():
                    pltpu.async_copy(ei_hbm.at[pl.ds(off_a2, CH)], sidx0,
                                     is0)
                    pltpu.async_copy(ei_hbm.at[pl.ds(E + off_a2, CH)], didx0,
                                     id0)

                pltpu.make_async_copy(table_hbm.at[sidx1], rows1, g1).wait()
                pltpu.sync_copy(rows1, acc.at[didx1], add=True)

                @pl.when(i < half - 1)
                def _():
                    pltpu.make_async_copy(ei_hbm.at[pl.ds(0, CH)], sidx0,
                                          is0).wait()
                    pltpu.make_async_copy(ei_hbm.at[pl.ds(0, CH)], didx0,
                                          id0).wait()
                    pltpu.async_copy(table_hbm.at[sidx0], rows0, g0)
                    pltpu.async_copy(ei_hbm.at[pl.ds(off_b2, CH)], sidx1,
                                     is1)
                    pltpu.async_copy(ei_hbm.at[pl.ds(E + off_b2, CH)], didx1,
                                     id1)

                return 0

            lax.fori_loop(0, half, pair, 0)
            off_t = base + FULL_CHUNKS * CH
            pltpu.sync_copy(ei_hbm.at[pl.ds(off_t, CH_T)], sidx_t)
            pltpu.sync_copy(ei_hbm.at[pl.ds(E + off_t, CH_T)], didx_t)
            pltpu.async_copy(table_hbm.at[sidx_t], rows_t, g0).wait()
            pltpu.sync_copy(rows_t, acc.at[didx_t], add=True)
            plsc.subcore_barrier()
            pltpu.sync_copy(
                acc.at[pl.ds(r0, RPT)], out_hbm.at[c, pl.ds(r0, RPT)]
            )


    return _sc_degree_kernel, _sc_agg_kernel


_R = 1024


def _tc_a_body(xg_ref, w1_ref, degb_ref, t1_ref, dinv_ref):
    dinv = lax.rsqrt(degb_ref[...])
    xw = jnp.dot(xg_ref[...], w1_ref[...], preferred_element_type=jnp.float32)
    t1_ref[...] = xw * dinv
    dinv_ref[...] = dinv


def _tc_a(xgp, w1, degb):
    return pl.pallas_call(
        _tc_a_body,
        grid=(NPAD // _R,),
        in_specs=[
            pl.BlockSpec((_R, F), lambda i: (i, 0)),
            pl.BlockSpec((F, F), lambda i: (0, 0)),
            pl.BlockSpec((_R, F), lambda i: (i, 0)),
        ],
        out_specs=[
            pl.BlockSpec((_R, F), lambda i: (i, 0)),
            pl.BlockSpec((_R, F), lambda i: (i, 0)),
        ],
        out_shape=[
            jax.ShapeDtypeStruct((NPAD, F), jnp.float32),
            jax.ShapeDtypeStruct((NPAD, F), jnp.float32),
        ],
    )(xgp, w1, degb)


def _tc_b_body(acc_ref, t1_ref, dinv_ref, b1_ref, w2_ref, t2_ref):
    s = acc_ref[0] + acc_ref[1]
    xg1 = jax.nn.relu(dinv_ref[...] * (s + t1_ref[...]) + b1_ref[...])
    xw2 = jnp.dot(xg1, w2_ref[...], preferred_element_type=jnp.float32)
    t2_ref[...] = xw2 * dinv_ref[...]


def _tc_b(acc1, t1, dinv, b1r, w2):
    return pl.pallas_call(
        _tc_b_body,
        grid=(NPAD // _R,),
        in_specs=[
            pl.BlockSpec((NC, _R, F), lambda i: (0, i, 0)),
            pl.BlockSpec((_R, F), lambda i: (i, 0)),
            pl.BlockSpec((_R, F), lambda i: (i, 0)),
            pl.BlockSpec((1, F), lambda i: (0, 0)),
            pl.BlockSpec((F, F), lambda i: (0, 0)),
        ],
        out_specs=pl.BlockSpec((_R, F), lambda i: (i, 0)),
        out_shape=jax.ShapeDtypeStruct((NPAD, F), jnp.float32),
    )(acc1, t1, dinv, b1r, w2)


_P = 8
_NR = N // _P
_BR = 1250
_GD = 4 * HID * _P
_HP = HID * _P


def _lstm_body(x_ref, w0_ref, u0_ref, bb0_ref, w1_ref, u1_ref, bb1_ref,
               m_ref, out_ref):
    w0 = w0_ref[...]
    u0 = u0_ref[...]
    bb0 = bb0_ref[...]
    w1 = w1_ref[...]
    u1 = u1_ref[...]
    bb1 = bb1_ref[...]

    def cell(inp, w, h, u, bb, c):
        gates = (
            jnp.dot(inp, w, preferred_element_type=jnp.float32)
            + jnp.dot(h.astype(jnp.bfloat16), u,
                      preferred_element_type=jnp.float32)
            + bb
        )
        i = jax.nn.sigmoid(gates[:, 0:_HP])
        f = jax.nn.sigmoid(gates[:, _HP:2 * _HP])
        g = jnp.tanh(gates[:, 2 * _HP:3 * _HP])
        o = jax.nn.sigmoid(gates[:, 3 * _HP:4 * _HP])
        c = f * c + i * g
        h = o * jnp.tanh(c)
        return h, c

    def step(t, carry):
        h1, c1, h2, c2 = carry
        x_t = x_ref[t]
        h1, c1 = cell(x_t, w0, h1, u0, bb0, c1)
        h2, c2 = cell(h1, w1, h2, u1, bb1, c2)
        return (h1, c1, h2, c2)

    z = jnp.zeros((_BR, _HP), jnp.float32)
    h1, c1, h2, c2 = lax.fori_loop(0, T, step, (z, z, z, z))
    out_ref[...] = jnp.dot(h2, m_ref[...], preferred_element_type=jnp.float32)


def _lstm(xp, w0, u0, bb0, w1, u1, bb1, mp):
    return pl.pallas_call(
        _lstm_body,
        grid=(_NR // _BR,),
        in_specs=[
            pl.BlockSpec((T, _BR, F), lambda i: (0, i, 0)),
            pl.BlockSpec((F, _GD), lambda i: (0, 0)),
            pl.BlockSpec((_HP, _GD), lambda i: (0, 0)),
            pl.BlockSpec((1, _GD), lambda i: (0, 0)),
            pl.BlockSpec((_HP, _GD), lambda i: (0, 0)),
            pl.BlockSpec((_HP, _GD), lambda i: (0, 0)),
            pl.BlockSpec((1, _GD), lambda i: (0, 0)),
            pl.BlockSpec((_HP, F), lambda i: (0, 0)),
        ],
        out_specs=pl.BlockSpec((_BR, F), lambda i: (i, 0)),
        out_shape=jax.ShapeDtypeStruct((_NR, F), jnp.float32),
        compiler_params=pltpu.CompilerParams(
            vmem_limit_bytes=100 * 1024 * 1024
        ),
    )(xp, w0, u0, bb0, w1, u1, bb1, mp)


def _pack_w(wt, k):
    eye = jnp.eye(_P, dtype=wt.dtype)
    return jnp.concatenate(
        [jnp.kron(eye, wt[:, g * HID:(g + 1) * HID]) for g in range(4)],
        axis=1,
    )


def _pack_b(b):
    return jnp.concatenate(
        [jnp.tile(b[g * HID:(g + 1) * HID], _P) for g in range(4)]
    ).reshape(1, _GD)


def _tc_c_body(acc_ref, t2_ref, dinv_ref, b2_ref, side_ref, lw1g_ref,
               lw1s_ref, lb1_ref, lw2_ref, lb2_ref, lw3_ref, lb3_ref,
               out_ref):
    s = acc_ref[0] + acc_ref[1]
    xg2 = jax.nn.relu(dinv_ref[...] * (s + t2_ref[...]) + b2_ref[...])
    h1 = (
        jnp.dot(xg2, lw1g_ref[...], preferred_element_type=jnp.float32)
        + jnp.dot(jax.nn.relu(side_ref[...]), lw1s_ref[...],
                  preferred_element_type=jnp.float32)
        + lb1_ref[...]
    )
    h1 = jax.nn.relu(h1)
    h2 = jax.nn.relu(
        jnp.dot(h1, lw2_ref[...], preferred_element_type=jnp.float32)
        + lb2_ref[...]
    )
    out_ref[...] = (
        jnp.dot(h2, lw3_ref[...], preferred_element_type=jnp.float32)
        + lb3_ref[...]
    )


def _tc_c(acc2, t2, dinv, b2r, side, lw1g, lw1s, lb1r, lw2, lb2r, lw3p, lb3p):
    return pl.pallas_call(
        _tc_c_body,
        grid=(NPAD // _R,),
        in_specs=[
            pl.BlockSpec((NC, _R, F), lambda i: (0, i, 0)),
            pl.BlockSpec((_R, F), lambda i: (i, 0)),
            pl.BlockSpec((_R, F), lambda i: (i, 0)),
            pl.BlockSpec((1, F), lambda i: (0, 0)),
            pl.BlockSpec((_R, F), lambda i: (i, 0)),
            pl.BlockSpec((F, HID), lambda i: (0, 0)),
            pl.BlockSpec((F, HID), lambda i: (0, 0)),
            pl.BlockSpec((1, HID), lambda i: (0, 0)),
            pl.BlockSpec((HID, HID), lambda i: (0, 0)),
            pl.BlockSpec((1, HID), lambda i: (0, 0)),
            pl.BlockSpec((HID, F), lambda i: (0, 0)),
            pl.BlockSpec((1, F), lambda i: (0, 0)),
        ],
        out_specs=pl.BlockSpec((_R, F), lambda i: (i, 0)),
        out_shape=jax.ShapeDtypeStruct((NPAD, F), jnp.float32),
    )(acc2, t2, dinv, b2r, side, lw1g, lw1s, lb1r, lw2, lb2r, lw3p, lb3p)


@jax.jit
def kernel(x, edge_index, lstm_data, W1, b1, W2, b2, Wih0, Whh0, bih0, bhh0,
           Wih1, Whh1, bih1, bhh1, lw1, lb1, lw2, lb2, lw3, lb3):
    ei = edge_index.astype(jnp.int32).reshape(2 * E)

    external = x[:, 0:2]
    xgp = jnp.pad(x[:, 2:], ((0, NPAD - N), (0, 0)))

    sc_degree, sc_agg = _sc_kernels()

    deg2 = sc_degree(ei)
    degb = jnp.broadcast_to(
        (deg2[0] + deg2[1] + 1.0).reshape(NPAD, 1), (NPAD, F)
    )

    t1, dinv = _tc_a(xgp, W1, degb)
    acc1 = sc_agg(t1, ei)
    t2 = _tc_b(acc1, t1, dinv, b1.reshape(1, F), W2)

    acc2 = sc_agg(t2, ei)

    xp = jnp.swapaxes(lstm_data, 0, 1).reshape(T, _NR, F).astype(jnp.bfloat16)
    w0 = _pack_w(Wih0.T, IN_SZ).astype(jnp.bfloat16)
    u0 = _pack_w(Whh0.T, HID).astype(jnp.bfloat16)
    w1 = _pack_w(Wih1.T, HID).astype(jnp.bfloat16)
    u1 = _pack_w(Whh1.T, HID).astype(jnp.bfloat16)
    bb0 = _pack_b(bih0 + bhh0)
    bb1 = _pack_b(bih1 + bhh1)
    mp = jnp.pad(
        jnp.kron(jnp.eye(_P, dtype=jnp.float32),
                 jnp.full((HID, 1), 1.0 / HID, jnp.float32)),
        ((0, 0), (0, F - _P)),
    )
    lstm_out = _lstm(xp, w0, u0, bb0, w1, u1, bb1, mp)
    xt = lstm_out[:, 0:_P].reshape(N, 1)

    side = jnp.pad(
        jnp.concatenate([xt, external], axis=1),
        ((0, NPAD - N), (0, F - 3)),
    )
    lw1g = lw1[0:F]
    lw1s = jnp.pad(lw1[F:], ((0, F - 3), (0, 0)))
    lw3p = jnp.pad(lw3, ((0, 0), (0, F - 1)))
    lb3p = jnp.pad(lb3.reshape(1, 1), ((0, 0), (0, F - 1)))

    out = _tc_c(
        acc2, t2, dinv, b2.reshape(1, F), side, lw1g, lw1s,
        lb1.reshape(1, HID), lw2, lb2.reshape(1, HID), lw3p, lb3p
    )
    return out[:N, 0:1]

# --- scband reference (transcript-rebuilt; emitter-appended) ---
"""Pipeline reference for scband-my-net-16338055594085 (READ-ONLY COPY).

The authoritative reference and input builder live on the scoring server;
editing this copy changes nothing except your own understanding.
"""

import jax, jax.numpy as jnp
import numpy as np

N = 10000
E = 320000
F_IN = 128
HC = 128
T = 20
IN_SZ = 16
HID = 64


def _gcn_conv(x, src, dst, W, b, n_nodes):
    # PyG GCNConv: add self-loops, symmetric normalization, x @ W then aggregate
    sl = jnp.arange(n_nodes, dtype=src.dtype)
    src_sl = jnp.concatenate([src, sl])
    dst_sl = jnp.concatenate([dst, sl])
    deg = jnp.zeros((n_nodes,), dtype=x.dtype).at[dst_sl].add(1.0)
    dinv = jax.lax.rsqrt(deg)
    norm = dinv[src_sl] * dinv[dst_sl]
    xw = x @ W
    msgs = xw[src_sl] * norm[:, None]
    out = jax.ops.segment_sum(msgs, dst_sl, num_segments=n_nodes)
    return out + b


def _lstm_layer(xs, Wih, Whh, bih, bhh):
    # xs: [N, T, in]; PyTorch gate order i, f, g, o
    n = xs.shape[0]
    h_dim = Whh.shape[1]
    h0 = jnp.zeros((n, h_dim), dtype=xs.dtype)
    c0 = jnp.zeros((n, h_dim), dtype=xs.dtype)

    def step(carry, x_t):
        h, c = carry
        gates = x_t @ Wih.T + h @ Whh.T + bih + bhh
        i, f, g, o = jnp.split(gates, 4, axis=-1)
        i = jax.nn.sigmoid(i)
        f = jax.nn.sigmoid(f)
        g = jnp.tanh(g)
        o = jax.nn.sigmoid(o)
        c = f * c + i * g
        h = o * jnp.tanh(c)
        return (h, c), h

    (_, _), hs = jax.lax.scan(step, (h0, c0), jnp.swapaxes(xs, 0, 1))
    return jnp.swapaxes(hs, 0, 1)


def setup_inputs(seed: int = 0) -> dict:
    key = jax.random.key(seed)
    ks = jax.random.split(key, 20)
    s = 0.05
    inp = {}
    inp["x"] = jax.random.normal(ks[0], (N, F_IN + 2), dtype=jnp.float32)
    inp["edge_index"] = jax.random.randint(ks[1], (2, E), 0, N)
    inp["lstm_data"] = jax.random.normal(ks[2], (N, T, IN_SZ), dtype=jnp.float32)
    inp["W1"] = s * jax.random.normal(ks[3], (F_IN, HC), dtype=jnp.float32)
    inp["b1"] = jnp.zeros((HC,), dtype=jnp.float32)
    inp["W2"] = s * jax.random.normal(ks[4], (HC, HC), dtype=jnp.float32)
    inp["b2"] = jnp.zeros((HC,), dtype=jnp.float32)
    inp["Wih0"] = s * jax.random.normal(ks[5], (4 * HID, IN_SZ), dtype=jnp.float32)
    inp["Whh0"] = s * jax.random.normal(ks[6], (4 * HID, HID), dtype=jnp.float32)
    inp["bih0"] = jnp.zeros((4 * HID,), dtype=jnp.float32)
    inp["bhh0"] = jnp.zeros((4 * HID,), dtype=jnp.float32)
    inp["Wih1"] = s * jax.random.normal(ks[7], (4 * HID, HID), dtype=jnp.float32)
    inp["Whh1"] = s * jax.random.normal(ks[8], (4 * HID, HID), dtype=jnp.float32)
    inp["bih1"] = jnp.zeros((4 * HID,), dtype=jnp.float32)
    inp["bhh1"] = jnp.zeros((4 * HID,), dtype=jnp.float32)
    inp["lw1"] = s * jax.random.normal(ks[9], (HC + 3, 64), dtype=jnp.float32)
    inp["lb1"] = jnp.zeros((64,), dtype=jnp.float32)
    inp["lw2"] = s * jax.random.normal(ks[10], (64, 64), dtype=jnp.float32)
    inp["lb2"] = jnp.zeros((64,), dtype=jnp.float32)
    inp["lw3"] = s * jax.random.normal(ks[11], (64, 1), dtype=jnp.float32)
    inp["lb3"] = jnp.zeros((1,), dtype=jnp.float32)
    return inp


def reference(x, edge_index, lstm_data, W1, b1, W2, b2, Wih0, Whh0, bih0, bhh0, Wih1, Whh1, bih1, bhh1, lw1, lb1, lw2, lb2, lw3, lb3):
    src, dst = edge_index[0], edge_index[1]
    external_data = x[:, 0:2]
    xg = x[:, 2:]
    # temporal branch: 2-layer LSTM, take last timestep, reduce to scalar per node
    h = _lstm_layer(lstm_data, Wih0, Whh0, bih0, bhh0)
    h = _lstm_layer(h, Wih1, Whh1, bih1, bhh1)
    x_temporal = h[:, -1, :]
    # data_process.process_lstm_output: reduce hidden vector to one value per node
    x_temporal = jnp.mean(x_temporal, axis=-1)
    x_temporal = x_temporal.reshape(-1, 1)
    # GNN branch
    xg = _gcn_conv(xg, src, dst, W1, b1, N)
    xg = jax.nn.relu(xg)
    xg = _gcn_conv(xg, src, dst, W2, b2, N)
    xg = jax.nn.relu(xg)
    x_merge = jnp.concatenate((xg, x_temporal, external_data), axis=1)
    x_merge = jax.nn.relu(x_merge)
    x_merge = jax.nn.relu(x_merge @ lw1 + lb1)
    x_merge = jax.nn.relu(x_merge @ lw2 + lb2)
    x_merge = x_merge @ lw3 + lb3
    return x_merge

if __name__ == "__main__":
    import jax
    _d = setup_inputs()
    print(jax.jit(kernel)(*tuple(_d.values())))

</pallas_src>

<mosaic_0001>
#map = affine_map<(d0, d1) -> (0)>
#map1 = affine_map<(d0, d1) -> (0, 0)>
module attributes {stable_mosaic.version = 14 : i64} {
  func.func @_sc_degree_kernel(%arg0: i32, %arg1: i32, %arg2: memref<640000xi32, #tpu.memory_space<hbm>>, %arg3: memref<2x10240xf32, #tpu.memory_space<hbm>>, %arg4: memref<128xi32, #tpu.memory_space<vmem>>, %arg5: memref<128xi32, #tpu.memory_space<vmem>>, %arg6: memref<128xf32, #tpu.memory_space<vmem>>, %arg7: memref<640xf32, #tpu.memory_space<vmem>>, %arg8: memref<16xi32, #tpu.memory_space<vmem>>, %arg9: memref<!tpu.dma_semaphore, #tpu.memory_space<semaphore_mem>>, %arg10: memref<!tpu.dma_semaphore, #tpu.memory_space<semaphore_mem>>, %arg11: memref<10240xf32, #tpu.memory_space<vmem_shared>>) attributes {dimension_semantics = [#tpu.dimension_semantics<core_parallel>, #tpu.dimension_semantics<subcore_parallel>], iteration_bounds = array<i64: 2, 16>, scalar_prefetch = 0 : i64, scratch_operands = 8 : i64, tpu.core_type = #tpu.core_type<sc_vector_subcore>, window_params = [{transform_indices = #map}, {transform_indices = #map1}]} {
    %mul3A = arith.constant 2 : i32
    %mul3A_0 = arith.muli %arg1, %mul3A : i32
    %add3A = arith.addi %mul3A_0, %arg0 : i32
    %scan3A = arith.constant 0 : i32
    %scan3A_1 = arith.constant 0 : i32
    %scan3A_2 = arith.constant 40 : i32
    %scan3A_3 = arith.addi %scan3A_1, %scan3A_2 : i32
    %scan3A_4 = arith.constant 1 : i32
    %scan3A_5 = scf.for %scan3A_37 = %scan3A_1 to %scan3A_3 step %scan3A_4 iter_args(%scan3A_38 = %scan3A) -> (i32)  : i32 {
      %broadcast_in_dim3A = arith.constant 0.000000e+00 : f32
      %broadcast_in_dim3A_39 = vector.broadcast %broadcast_in_dim3A : f32 to vector<16xf32>
      %mul3A_40 = arith.constant 16 : i32
      %mul3A_41 = arith.muli %scan3A_37, %mul3A_40 : i32
      %swap3A = arith.index_cast %mul3A_41 : i32 to index
      %swap3A_42 = tpu.vector_load %arg7[%swap3A] {strides = array<i32>} : memref<640xf32, #tpu.memory_space<vmem>>, vector<16xf32>,
      %swap3A_43 = vector.shape_cast %swap3A_42 : vector<16xf32> to vector<16xf32>
      %swap3A_44 = vector.shape_cast %broadcast_in_dim3A_39 : vector<16xf32> to vector<16xf32>
      tpu.vector_store %arg7[%swap3A], %swap3A_44 {strides = array<i32>} : memref<640xf32, #tpu.memory_space<vmem>>, vector<16xf32>,
      %scan3A_45 = arith.constant 0 : i32
      scf.yield %scan3A_45 : i32
    }
    %scan3A_6 = arith.constant 40 : i32
    %scan3A_7 = arith.constant 0 : i32
    %scan3A_8 = arith.constant 0 : i32
    %scan3A_9 = arith.constant 8 : i32
    %scan3A_10 = arith.addi %scan3A_8, %scan3A_9 : i32
    %scan3A_11 = arith.constant 1 : i32
    %scan3A_12 = scf.for %scan3A_37 = %scan3A_8 to %scan3A_10 step %scan3A_11 iter_args(%scan3A_38 = %scan3A_7) -> (i32)  : i32 {
      %broadcast_in_dim3A = arith.constant 1.000000e+00 : f32
      %broadcast_in_dim3A_39 = vector.broadcast %broadcast_in_dim3A : f32 to vector<16xf32>
      %mul3A_40 = arith.constant 16 : i32
      %mul3A_41 = arith.muli %scan3A_37, %mul3A_40 : i32
      %swap3A = arith.index_cast %mul3A_41 : i32 to index
      %swap3A_42 = tpu.vector_load %arg6[%swap3A] {strides = array<i32>} : memref<128xf32, #tpu.memory_space<vmem>>, vector<16xf32>,
      %swap3A_43 = vector.shape_cast %swap3A_42 : vector<16xf32> to vector<16xf32>
      %swap3A_44 = vector.shape_cast %broadcast_in_dim3A_39 : vector<16xf32> to vector<16xf32>
      tpu.vector_store %arg6[%swap3A], %swap3A_44 {strides = array<i32>} : memref<128xf32, #tpu.memory_space<vmem>>, vector<16xf32>,
      %scan3A_45 = arith.constant 0 : i32
      scf.yield %scan3A_45 : i32
    }
    %scan3A_13 = arith.constant 8 : i32
    %mul3A_14 = arith.constant 640 : i32
    %mul3A_15 = arith.muli %arg1, %mul3A_14 : i32
    "tpu.region"() ({
      %run_scoped3A = tpu.sem_alloc : memref<!tpu.dma_semaphore, #tpu.memory_space<semaphore_mem>>
      %dma_start3A_37 = tpu.memref_slice %arg11[%mul3A_15] : memref<10240xf32, #tpu.memory_space<vmem_shared>> -> memref<640xf32, #tpu.memory_space<vmem_shared>>
      %dma_start3A_38 = tpu.memref_slice %arg11[%mul3A_15] : memref<10240xf32, #tpu.memory_space<vmem_shared>> -> memref<640xf32, #tpu.memory_space<vmem_shared>>
      tpu.enqueue_dma source(%arg7 : memref<640xf32, #tpu.memory_space<vmem>>) target(%dma_start3A_38 : memref<640xf32, #tpu.memory_space<vmem_shared>>) target_semaphore(%run_scoped3A : memref<!tpu.dma_semaphore, #tpu.memory_space<semaphore_mem>>)
      %dma_wait3A = tpu.memref_slice %arg11[%mul3A_15] : memref<10240xf32, #tpu.memory_space<vmem_shared>> -> memref<640xf32, #tpu.memory_space<vmem_shared>>
      %dma_wait3A_39 = tpu.memref_slice %arg11[%mul3A_15] : memref<10240xf32, #tpu.memory_space<vmem_shared>> -> memref<640xf32, #tpu.memory_space<vmem_shared>>
      tpu.wait_dma2 semaphore(%run_scoped3A : memref<!tpu.dma_semaphore, #tpu.memory_space<semaphore_mem>>) src(%arg7 : memref<640xf32, #tpu.memory_space<vmem>>) dst(%dma_wait3A_39 : memref<640xf32, #tpu.memory_space<vmem_shared>>)
      tpu.yield
    }) : () -> ()
    %barrier3A = arith.constant 0 : index
    tpu.barrier barrier_id(%barrier3A)
    %mul3A_16 = arith.constant 10000 : i32
    %mul3A_17 = arith.muli %add3A, %mul3A_16 : i32
    %add3A_18 = arith.constant 320000 : i32
    %add3A_19 = arith.addi %add3A_18, %mul3A_17 : i32
    "tpu.region"() ({
      %run_scoped3A = tpu.sem_alloc : memref<!tpu.dma_semaphore, #tpu.memory_space<semaphore_mem>>
      %dma_start3A_37 = tpu.memref_slice %arg2[%add3A_19] : memref<640000xi32, #tpu.memory_space<hbm>> -> memref<128xi32, #tpu.memory_space<hbm>>
      %dma_start3A_38 = tpu.memref_slice %arg2[%add3A_19] : memref<640000xi32, #tpu.memory_space<hbm>> -> memref<128xi32, #tpu.memory_space<hbm>>
      tpu.enqueue_dma source(%dma_start3A_38 : memref<128xi32, #tpu.memory_space<hbm>>) target(%arg4 : memref<128xi32, #tpu.memory_space<vmem>>) target_semaphore(%run_scoped3A : memref<!tpu.dma_semaphore, #tpu.memory_space<semaphore_mem>>)
      %dma_wait3A = tpu.memref_slice %arg2[%add3A_19] : memref<640000xi32, #tpu.memory_space<hbm>> -> memref<128xi32, #tpu.memory_space<hbm>>
      %dma_wait3A_39 = tpu.memref_slice %arg2[%add3A_19] : memref<640000xi32, #tpu.memory_space<hbm>> -> memref<128xi32, #tpu.memory_space<hbm>>
      tpu.wait_dma2 semaphore(%run_scoped3A : memref<!tpu.dma_semaphore, #tpu.memory_space<semaphore_mem>>) src(%dma_wait3A_39 : memref<128xi32, #tpu.memory_space<hbm>>) dst(%arg4 : memref<128xi32, #tpu.memory_space<vmem>>)
      tpu.yield
    }) : () -> ()
    %add3A_20 = arith.constant 320000 : i32
    %add3A_21 = arith.addi %add3A_20, %mul3A_17 : i32
    %add3A_22 = arith.constant 128 : i32
    %add3A_23 = arith.addi %add3A_21, %add3A_22 : i32
    %dma_start3A = tpu.memref_slice %arg2[%add3A_23] : memref<640000xi32, #tpu.memory_space<hbm>> -> memref<128xi32, #tpu.memory_space<hbm>>
    %dma_start3A_24 = tpu.memref_slice %arg2[%add3A_23] : memref<640000xi32, #tpu.memory_space<hbm>> -> memref<128xi32, #tpu.memory_space<hbm>>
    tpu.enqueue_dma source(%dma_start3A_24 : memref<128xi32, #tpu.memory_space<hbm>>) target(%arg5 : memref<128xi32, #tpu.memory_space<vmem>>) target_semaphore(%arg10 : memref<!tpu.dma_semaphore, #tpu.memory_space<semaphore_mem>>)
    %scan3A_25 = arith.constant 0 : i32
    %scan3A_26 = arith.constant 0 : i32
    %scan3A_27 = arith.constant 39 : i32
    %scan3A_28 = arith.addi %scan3A_26, %scan3A_27 : i32
    %scan3A_29 = arith.constant 1 : i32
    %scan3A_30 = scf.for %scan3A_37 = %scan3A_26 to %scan3A_28 step %scan3A_29 iter_args(%scan3A_38 = %scan3A_25) -> (i32)  : i32 {
      "tpu.region"() ({
        %run_scoped3A = tpu.sem_alloc : memref<!tpu.dma_semaphore, #tpu.memory_space<semaphore_mem>>
        %dma_start3A_50 = arith.constant 0 : i32
        %dma_start3A_51 = tpu.memref_slice %arg11[%dma_start3A_50] : memref<10240xf32, #tpu.memory_space<vmem_shared>> -> memref<10240xf32, #tpu.memory_space<vmem_shared>>
        tpu.enqueue_indirect_dma source(%arg6 : memref<128xf32, #tpu.memory_space<vmem>>) target(%dma_start3A_51 : memref<10240xf32, #tpu.memory_space<vmem_shared>>) offsets(%arg4 : memref<128xi32, #tpu.memory_space<vmem>>) semaphore(%run_scoped3A : memref<!tpu.dma_semaphore, #tpu.memory_space<semaphore_mem>>) {add = true}
        %dma_wait3A_52 = arith.constant 0 : i32
        %dma_wait3A_53 = tpu.memref_slice %arg11[%dma_wait3A_52] : memref<10240xf32, #tpu.memory_space<vmem_shared>> -> memref<10240xf32, #tpu.memory_space<vmem_shared>>
        tpu.wait_indirect_dma semaphore(%run_scoped3A : memref<!tpu.dma_semaphore, #tpu.memory_space<semaphore_mem>>) src(%arg6 : memref<128xf32, #tpu.memory_space<vmem>>) dst(%dma_wait3A_53 : memref<10240xf32, #tpu.memory_space<vmem_shared>>)
        tpu.yield
      }) : () -> ()
      %lt3A = arith.constant 38 : i32
      %lt3A_39 = arith.cmpi slt, %scan3A_37, %lt3A : i32
      %convert_element_type3A = arith.extui %lt3A_39 : i1 to i32
      %cond3A = arith.constant 0 : i32
      %cond3A_40 = arith.cmpi ne, %convert_element_type3A, %cond3A : i32
      scf.if %cond3A_40 {
        %add3A_50 = arith.constant 320000 : i32
        %add3A_51 = arith.addi %add3A_50, %mul3A_17 : i32
        %mul3A_52 = arith.constant 2 : i32
        %mul3A_53 = arith.muli %mul3A_52, %scan3A_37 : i32
        %add3A_54 = arith.constant 2 : i32
        %add3A_55 = arith.addi %mul3A_53, %add3A_54 : i32
        %mul3A_56 = arith.constant 128 : i32
        %mul3A_57 = arith.muli %add3A_55, %mul3A_56 : i32
        %add3A_58 = arith.addi %add3A_51, %mul3A_57 : i32
        %dma_start3A_59 = tpu.memref_slice %arg2[%add3A_58] : memref<640000xi32, #tpu.memory_space<hbm>> -> memref<128xi32, #tpu.memory_space<hbm>>
        %dma_start3A_60 = tpu.memref_slice %arg2[%add3A_58] : memref<640000xi32, #tpu.memory_space<hbm>> -> memref<128xi32, #tpu.memory_space<hbm>>
        tpu.enqueue_dma source(%dma_start3A_60 : memref<128xi32, #tpu.memory_space<hbm>>) target(%arg4 : memref<128xi32, #tpu.memory_space<vmem>>) target_semaphore(%arg9 : memref<!tpu.dma_semaphore, #tpu.memory_space<semaphore_mem>>)
      } else {
      }
      %dma_wait3A = arith.constant 0 : i32
      %dma_wait3A_41 = tpu.memref_slice %arg2[%dma_wait3A] : memref<640000xi32, #tpu.memory_space<hbm>> -> memref<128xi32, #tpu.memory_space<hbm>>
      %dma_wait3A_42 = arith.constant 0 : i32
      %dma_wait3A_43 = tpu.memref_slice %arg2[%dma_wait3A_42] : memref<640000xi32, #tpu.memory_space<hbm>> -> memref<128xi32, #tpu.memory_space<hbm>>
      tpu.wait_dma2 semaphore(%arg10 : memref<!tpu.dma_semaphore, #tpu.memory_space<semaphore_mem>>) src(%dma_wait3A_43 : memref<128xi32, #tpu.memory_space<hbm>>) dst(%arg5 : memref<128xi32, #tpu.memory_space<vmem>>)
      "tpu.region"() ({
        %run_scoped3A = tpu.sem_alloc : memref<!tpu.dma_semaphore, #tpu.memory_space<semaphore_mem>>
        %dma_start3A_50 = arith.constant 0 : i32
        %dma_start3A_51 = tpu.memref_slice %arg11[%dma_start3A_50] : memref<10240xf32, #tpu.memory_space<vmem_shared>> -> memref<10240xf32, #tpu.memory_space<vmem_shared>>
        tpu.enqueue_indirect_dma source(%arg6 : memref<128xf32, #tpu.memory_space<vmem>>) target(%dma_start3A_51 : memref<10240xf32, #tpu.memory_space<vmem_shared>>) offsets(%arg5 : memref<128xi32, #tpu.memory_space<vmem>>) semaphore(%run_scoped3A : memref<!tpu.dma_semaphore, #tpu.memory_space<semaphore_mem>>) {add = true}
        %dma_wait3A_52 = arith.constant 0 : i32
        %dma_wait3A_53 = tpu.memref_slice %arg11[%dma_wait3A_52] : memref<10240xf32, #tpu.memory_space<vmem_shared>> -> memref<10240xf32, #tpu.memory_space<vmem_shared>>
        tpu.wait_indirect_dma semaphore(%run_scoped3A : memref<!tpu.dma_semaphore, #tpu.memory_space<semaphore_mem>>) src(%arg6 : memref<128xf32, #tpu.memory_space<vmem>>) dst(%dma_wait3A_53 : memref<10240xf32, #tpu.memory_space<vmem_shared>>)
        tpu.yield
      }) : () -> ()
      %lt3A_44 = arith.constant 38 : i32
      %lt3A_45 = arith.cmpi slt, %scan3A_37, %lt3A_44 : i32
      %convert_element_type3A_46 = arith.extui %lt3A_45 : i1 to i32
      %cond3A_47 = arith.constant 0 : i32
      %cond3A_48 = arith.cmpi ne, %convert_element_type3A_46, %cond3A_47 : i32
      scf.if %cond3A_48 {
        %add3A_50 = arith.constant 320000 : i32
        %add3A_51 = arith.addi %add3A_50, %mul3A_17 : i32
        %mul3A_52 = arith.constant 2 : i32
        %mul3A_53 = arith.muli %mul3A_52, %scan3A_37 : i32
        %add3A_54 = arith.constant 3 : i32
        %add3A_55 = arith.addi %mul3A_53, %add3A_54 : i32
        %mul3A_56 = arith.constant 128 : i32
        %mul3A_57 = arith.muli %add3A_55, %mul3A_56 : i32
        %add3A_58 = arith.addi %add3A_51, %mul3A_57 : i32
        %dma_start3A_59 = tpu.memref_slice %arg2[%add3A_58] : memref<640000xi32, #tpu.memory_space<hbm>> -> memref<128xi32, #tpu.memory_space<hbm>>
        %dma_start3A_60 = tpu.memref_slice %arg2[%add3A_58] : memref<640000xi32, #tpu.memory_space<hbm>> -> memref<128xi32, #tpu.memory_space<hbm>>
        tpu.enqueue_dma source(%dma_start3A_60 : memref<128xi32, #tpu.memory_space<hbm>>) target(%arg5 : memref<128xi32, #tpu.memory_space<vmem>>) target_semaphore(%arg10 : memref<!tpu.dma_semaphore, #tpu.memory_space<semaphore_mem>>)
        %dma_wait3A_61 = arith.constant 0 : i32
        %dma_wait3A_62 = tpu.memref_slice %arg2[%dma_wait3A_61] : memref<640000xi32, #tpu.memory_space<hbm>> -> memref<128xi32, #tpu.memory_space<hbm>>
        %dma_wait3A_63 = arith.constant 0 : i32
        %dma_wait3A_64 = tpu.memref_slice %arg2[%dma_wait3A_63] : memref<640000xi32, #tpu.memory_space<hbm>> -> memref<128xi32, #tpu.memory_space<hbm>>
        tpu.wait_dma2 semaphore(%arg9 : memref<!tpu.dma_semaphore, #tpu.memory_space<semaphore_mem>>) src(%dma_wait3A_64 : memref<128xi32, #tpu.memory_space<hbm>>) dst(%arg4 : memref<128xi32, #tpu.memory_space<vmem>>)
      } else {
      }
      %scan3A_49 = arith.constant 0 : i32
      scf.yield %scan3A_49 : i32
    }
    %scan3A_31 = arith.constant 39 : i32
    %add3A_32 = arith.constant 320000 : i32
    %add3A_33 = arith.addi %add3A_32, %mul3A_17 : i32
    %add3A_34 = arith.constant 9984 : i32
    %add3A_35 = arith.addi %add3A_33, %add3A_34 : i32
    "tpu.region"() ({
      %run_scoped3A = tpu.sem_alloc : memref<!tpu.dma_semaphore, #tpu.memory_space<semaphore_mem>>
      %dma_start3A_37 = tpu.memref_slice %arg2[%add3A_35] : memref<640000xi32, #tpu.memory_space<hbm>> -> memref<16xi32, #tpu.memory_space<hbm>>
      %dma_start3A_38 = tpu.memref_slice %arg2[%add3A_35] : memref<640000xi32, #tpu.memory_space<hbm>> -> memref<16xi32, #tpu.memory_space<hbm>>
      tpu.enqueue_dma source(%dma_start3A_38 : memref<16xi32, #tpu.memory_space<hbm>>) target(%arg8 : memref<16xi32, #tpu.memory_space<vmem>>) target_semaphore(%run_scoped3A : memref<!tpu.dma_semaphore, #tpu.memory_space<semaphore_mem>>)
      %dma_wait3A = tpu.memref_slice %arg2[%add3A_35] : memref<640000xi32, #tpu.memory_space<hbm>> -> memref<16xi32, #tpu.memory_space<hbm>>
      %dma_wait3A_39 = tpu.memref_slice %arg2[%add3A_35] : memref<640000xi32, #tpu.memory_space<hbm>> -> memref<16xi32, #tpu.memory_space<hbm>>
      tpu.wait_dma2 semaphore(%run_scoped3A : memref<!tpu.dma_semaphore, #tpu.memory_space<semaphore_mem>>) src(%dma_wait3A_39 : memref<16xi32, #tpu.memory_space<hbm>>) dst(%arg8 : memref<16xi32, #tpu.memory_space<vmem>>)
      tpu.yield
    }) : () -> ()
    "tpu.region"() ({
      %run_scoped3A = tpu.sem_alloc : memref<!tpu.dma_semaphore, #tpu.memory_space<semaphore_mem>>
      %dma_start3A_37 = arith.constant 0 : i32
      %dma_start3A_38 = tpu.memref_slice %arg6[%dma_start3A_37] : memref<128xf32, #tpu.memory_space<vmem>> -> memref<16xf32, #tpu.memory_space<vmem>>
      %dma_start3A_39 = arith.constant 0 : i32
      %dma_start3A_40 = tpu.memref_slice %arg11[%dma_start3A_39] : memref<10240xf32, #tpu.memory_space<vmem_shared>> -> memref<10240xf32, #tpu.memory_space<vmem_shared>>
      tpu.enqueue_indirect_dma source(%dma_start3A_38 : memref<16xf32, #tpu.memory_space<vmem>>) target(%dma_start3A_40 : memref<10240xf32, #tpu.memory_space<vmem_shared>>) offsets(%arg8 : memref<16xi32, #tpu.memory_space<vmem>>) semaphore(%run_scoped3A : memref<!tpu.dma_semaphore, #tpu.memory_space<semaphore_mem>>) {add = true}
      %dma_wait3A = arith.constant 0 : i32
      %dma_wait3A_41 = tpu.memref_slice %arg6[%dma_wait3A] : memref<128xf32, #tpu.memory_space<vmem>> -> memref<16xf32, #tpu.memory_space<vmem>>
      %dma_wait3A_42 = arith.constant 0 : i32
      %dma_wait3A_43 = tpu.memref_slice %arg11[%dma_wait3A_42] : memref<10240xf32, #tpu.memory_space<vmem_shared>> -> memref<10240xf32, #tpu.memory_space<vmem_shared>>
      tpu.wait_indirect_dma semaphore(%run_scoped3A : memref<!tpu.dma_semaphore, #tpu.memory_space<semaphore_mem>>) src(%dma_wait3A_41 : memref<16xf32, #tpu.memory_space<vmem>>) dst(%dma_wait3A_43 : memref<10240xf32, #tpu.memory_space<vmem_shared>>)
      tpu.yield
    }) : () -> ()
    %barrier3A_36 = arith.constant 0 : index
    tpu.barrier barrier_id(%barrier3A_36)
    "tpu.region"() ({
      %run_scoped3A = tpu.sem_alloc : memref<!tpu.dma_semaphore, #tpu.memory_space<semaphore_mem>>
      %dma_start3A_37 = tpu.memref_slice %arg3[%arg0, %mul3A_15] : memref<2x10240xf32, #tpu.memory_space<hbm>> -> memref<1x640xf32, #tpu.memory_space<hbm>>
      %dma_start3A_38 = tpu.memref_squeeze %dma_start3A_37 : memref<1x640xf32, #tpu.memory_space<hbm>> -> memref<640xf32, #tpu.memory_space<hbm>>
      %dma_start3A_39 = tpu.memref_slice %arg11[%mul3A_15] : memref<10240xf32, #tpu.memory_space<vmem_shared>> -> memref<640xf32, #tpu.memory_space<vmem_shared>>
      tpu.enqueue_dma source(%dma_start3A_39 : memref<640xf32, #tpu.memory_space<vmem_shared>>) target(%dma_start3A_38 : memref<640xf32, #tpu.memory_space<hbm>>) target_semaphore(%run_scoped3A : memref<!tpu.dma_semaphore, #tpu.memory_space<semaphore_mem>>)
      %dma_wait3A = tpu.memref_slice %arg3[%arg0, %mul3A_15] : memref<2x10240xf32, #tpu.memory_space<hbm>> -> memref<1x640xf32, #tpu.memory_space<hbm>>
      %dma_wait3A_40 = tpu.memref_squeeze %dma_wait3A : memref<1x640xf32, #tpu.memory_space<hbm>> -> memref<640xf32, #tpu.memory_space<hbm>>
      %dma_wait3A_41 = tpu.memref_slice %arg11[%mul3A_15] : memref<10240xf32, #tpu.memory_space<vmem_shared>> -> memref<640xf32, #tpu.memory_space<vmem_shared>>
      tpu.wait_dma2 semaphore(%run_scoped3A : memref<!tpu.dma_semaphore, #tpu.memory_space<semaphore_mem>>) src(%dma_wait3A_41 : memref<640xf32, #tpu.memory_space<vmem_shared>>) dst(%dma_wait3A_40 : memref<640xf32, #tpu.memory_space<hbm>>)
      tpu.yield
    }) : () -> ()
    return
  }
}

#map = affine_map<(d0, d1) -> (0, 0)>
#map1 = affine_map<(d0, d1) -> (0)>
#map2 = affine_map<(d0, d1) -> (0, 0, 0)>
module attributes {stable_mosaic.version = 14 : i64} {
  func.func @_sc_agg_kernel(%arg0: i32, %arg1: i32, %arg2: memref<10240x128xf32, #tpu.memory_space<hbm>>, %arg3: memref<640000xi32, #tpu.memory_space<hbm>>, %arg4: memref<2x10240x128xf32, #tpu.memory_space<hbm>>, %arg5: memref<128xi32, #tpu.memory_space<vmem>>, %arg6: memref<128xi32, #tpu.memory_space<vmem>>, %arg7: memref<128xi32, #tpu.memory_space<vmem>>, %arg8: memref<128xi32, #tpu.memory_space<vmem>>, %arg9: memref<128x128xf32, #tpu.memory_space<vmem>>, %arg10: memref<128x128xf32, #tpu.memory_space<vmem>>, %arg11: memref<16xi32, #tpu.memory_space<vmem>>, %arg12: memref<16xi32, #tpu.memory_space<vmem>>, %arg13: memref<16x128xf32, #tpu.memory_space<vmem>>, %arg14: memref<!tpu.dma_semaphore, #tpu.memory_space<semaphore_mem>>, %arg15: memref<!tpu.dma_semaphore, #tpu.memory_space<semaphore_mem>>, %arg16: memref<!tpu.dma_semaphore, #tpu.memory_space<semaphore_mem>>, %arg17: memref<!tpu.dma_semaphore, #tpu.memory_space<semaphore_mem>>, %arg18: memref<!tpu.dma_semaphore, #tpu.memory_space<semaphore_mem>>, %arg19: memref<!tpu.dma_semaphore, #tpu.memory_space<semaphore_mem>>, %arg20: memref<10240x128xf32, #tpu.memory_space<vmem_shared>>) attributes {dimension_semantics = [#tpu.dimension_semantics<core_parallel>, #tpu.dimension_semantics<subcore_parallel>], iteration_bounds = array<i64: 2, 16>, scalar_prefetch = 0 : i64, scratch_operands = 16 : i64, tpu.core_type = #tpu.core_type<sc_vector_subcore>, window_params = [{transform_indices = #map}, {transform_indices = #map1}, {transform_indices = #map2}]} {
    %mul3A = arith.constant 2 : i32
    %mul3A_0 = arith.muli %arg1, %mul3A : i32
    %add3A = arith.addi %mul3A_0, %arg0 : i32
    %scan3A = arith.constant 0 : i32
    %scan3A_1 = arith.constant 0 : i32
    %scan3A_2 = arith.constant 128 : i32
    %scan3A_3 = arith.addi %scan3A_1, %scan3A_2 : i32
    %scan3A_4 = arith.constant 1 : i32
    %scan3A_5 = scf.for %scan3A_52 = %scan3A_1 to %scan3A_3 step %scan3A_4 iter_args(%scan3A_53 = %scan3A) -> (i32)  : i32 {
      %broadcast_in_dim3A = arith.constant 0.000000e+00 : f32
      %broadcast_in_dim3A_54 = vector.broadcast %broadcast_in_dim3A : f32 to vector<16xf32>
      %swap3A = arith.index_cast %scan3A_52 : i32 to index
      %swap3A_55 = arith.constant 0 : index
      %swap3A_56 = tpu.vector_load %arg9[%swap3A, %swap3A_55] {strides = array<i32>} : memref<128x128xf32, #tpu.memory_space<vmem>>, vector<1x16xf32>,
      %swap3A_57 = vector.shape_cast %swap3A_56 : vector<1x16xf32> to vector<16xf32>
      %swap3A_58 = vector.shape_cast %broadcast_in_dim3A_54 : vector<16xf32> to vector<1x16xf32>
      tpu.vector_store %arg9[%swap3A, %swap3A_55], %swap3A_58 {strides = array<i32>} : memref<128x128xf32, #tpu.memory_space<vmem>>, vector<1x16xf32>,
      %broadcast_in_dim3A_59 = arith.constant 0.000000e+00 : f32
      %broadcast_in_dim3A_60 = vector.broadcast %broadcast_in_dim3A_59 : f32 to vector<16xf32>
      %swap3A_61 = arith.index_cast %scan3A_52 : i32 to index
      %swap3A_62 = arith.constant 16 : index
      %swap3A_63 = tpu.vector_load %arg9[%swap3A_61, %swap3A_62] {strides = array<i32>} : memref<128x128xf32, #tpu.memory_space<vmem>>, vector<1x16xf32>,
      %swap3A_64 = vector.shape_cast %swap3A_63 : vector<1x16xf32> to vector<16xf32>
      %swap3A_65 = vector.shape_cast %broadcast_in_dim3A_60 : vector<16xf32> to vector<1x16xf32>
      tpu.vector_store %arg9[%swap3A_61, %swap3A_62], %swap3A_65 {strides = array<i32>} : memref<128x128xf32, #tpu.memory_space<vmem>>, vector<1x16xf32>,
      %broadcast_in_dim3A_66 = arith.constant 0.000000e+00 : f32
      %broadcast_in_dim3A_67 = vector.broadcast %broadcast_in_dim3A_66 : f32 to vector<16xf32>
      %swap3A_68 = arith.index_cast %scan3A_52 : i32 to index
      %swap3A_69 = arith.constant 32 : index
      %swap3A_70 = tpu.vector_load %arg9[%swap3A_68, %swap3A_69] {strides = array<i32>} : memref<128x128xf32, #tpu.memory_space<vmem>>, vector<1x16xf32>,
      %swap3A_71 = vector.shape_cast %swap3A_70 : vector<1x16xf32> to vector<16xf32>
      %swap3A_72 = vector.shape_cast %broadcast_in_dim3A_67 : vector<16xf32> to vector<1x16xf32>
      tpu.vector_store %arg9[%swap3A_68, %swap3A_69], %swap3A_72 {strides = array<i32>} : memref<128x128xf32, #tpu.memory_space<vmem>>, vector<1x16xf32>,
      %broadcast_in_dim3A_73 = arith.constant 0.000000e+00 : f32
      %broadcast_in_dim3A_74 = vector.broadcast %broadcast_in_dim3A_73 : f32 to vector<16xf32>
      %swap3A_75 = arith.index_cast %scan3A_52 : i32 to index
      %swap3A_76 = arith.constant 48 : index
      %swap3A_77 = tpu.vector_load %arg9[%swap3A_75, %swap3A_76] {strides = array<i32>} : memref<128x128xf32, #tpu.memory_space<vmem>>, vector<1x16xf32>,
      %swap3A_78 = vector.shape_cast %swap3A_77 : vector<1x16xf32> to vector<16xf32>
      %swap3A_79 = vector.shape_cast %broadcast_in_dim3A_74 : vector<16xf32> to vector<1x16xf32>
      tpu.vector_store %arg9[%swap3A_75, %swap3A_76], %swap3A_79 {strides = array<i32>} : memref<128x128xf32, #tpu.memory_space<vmem>>, vector<1x16xf32>,
      %broadcast_in_dim3A_80 = arith.constant 0.000000e+00 : f32
      %broadcast_in_dim3A_81 = vector.broadcast %broadcast_in_dim3A_80 : f32 to vector<16xf32>
      %swap3A_82 = arith.index_cast %scan3A_52 : i32 to index
      %swap3A_83 = arith.constant 64 : index
      %swap3A_84 = tpu.vector_load %arg9[%swap3A_82, %swap3A_83] {strides = array<i32>} : memref<128x128xf32, #tpu.memory_space<vmem>>, vector<1x16xf32>,
      %swap3A_85 = vector.shape_cast %swap3A_84 : vector<1x16xf32> to vector<16xf32>
      %swap3A_86 = vector.shape_cast %broadcast_in_dim3A_81 : vector<16xf32> to vector<1x16xf32>
      tpu.vector_store %arg9[%swap3A_82, %swap3A_83], %swap3A_86 {strides = array<i32>} : memref<128x128xf32, #tpu.memory_space<vmem>>, vector<1x16xf32>,
      %broadcast_in_dim3A_87 = arith.constant 0.000000e+00 : f32
      %broadcast_in_dim3A_88 = vector.broadcast %broadcast_in_dim3A_87 : f32 to vector<16xf32>
      %swap3A_89 = arith.index_cast %scan3A_52 : i32 to index
      %swap3A_90 = arith.constant 80 : index
      %swap3A_91 = tpu.vector_load %arg9[%swap3A_89, %swap3A_90] {strides = array<i32>} : memref<128x128xf32, #tpu.memory_space<vmem>>, vector<1x16xf32>,
      %swap3A_92 = vector.shape_cast %swap3A_91 : vector<1x16xf32> to vector<16xf32>
      %swap3A_93 = vector.shape_cast %broadcast_in_dim3A_88 : vector<16xf32> to vector<1x16xf32>
      tpu.vector_store %arg9[%swap3A_89, %swap3A_90], %swap3A_93 {strides = array<i32>} : memref<128x128xf32, #tpu.memory_space<vmem>>, vector<1x16xf32>,
      %broadcast_in_dim3A_94 = arith.constant 0.000000e+00 : f32
      %broadcast_in_dim3A_95 = vector.broadcast %broadcast_in_dim3A_94 : f32 to vector<16xf32>
      %swap3A_96 = arith.index_cast %scan3A_52 : i32 to index
      %swap3A_97 = arith.constant 96 : index
      %swap3A_98 = tpu.vector_load %arg9[%swap3A_96, %swap3A_97] {strides = array<i32>} : memref<128x128xf32, #tpu.memory_space<vmem>>, vector<1x16xf32>,
      %swap3A_99 = vector.shape_cast %swap3A_98 : vector<1x16xf32> to vector<16xf32>
      %swap3A_100 = vector.shape_cast %broadcast_in_dim3A_95 : vector<16xf32> to vector<1x16xf32>
      tpu.vector_store %arg9[%swap3A_96, %swap3A_97], %swap3A_100 {strides = array<i32>} : memref<128x128xf32, #tpu.memory_space<vmem>>, vector<1x16xf32>,
      %broadcast_in_dim3A_101 = arith.constant 0.000000e+00 : f32
      %broadcast_in_dim3A_102 = vector.broadcast %broadcast_in_dim3A_101 : f32 to vector<16xf32>
      %swap3A_103 = arith.index_cast %scan3A_52 : i32 to index
      %swap3A_104 = arith.constant 112 : index
      %swap3A_105 = tpu.vector_load %arg9[%swap3A_103, %swap3A_104] {strides = array<i32>} : memref<128x128xf32, #tpu.memory_space<vmem>>, vector<1x16xf32>,
      %swap3A_106 = vector.shape_cast %swap3A_105 : vector<1x16xf32> to vector<16xf32>
      %swap3A_107 = vector.shape_cast %broadcast_in_dim3A_102 : vector<16xf32> to vector<1x16xf32>
      tpu.vector_store %arg9[%swap3A_103, %swap3A_104], %swap3A_107 {strides = array<i32>} : memref<128x128xf32, #tpu.memory_space<vmem>>, vector<1x16xf32>,
      %scan3A_108 = arith.constant 0 : i32
      scf.yield %scan3A_108 : i32
    }
    %scan3A_6 = arith.constant 128 : i32
    %mul3A_7 = arith.constant 640 : i32
    %mul3A_8 = arith.muli %arg1, %mul3A_7 : i32
    %add3A_9 = arith.constant 0 : i32
    %add3A_10 = arith.addi %mul3A_8, %add3A_9 : i32
    "tpu.region"() ({
      %run_scoped3A = tpu.sem_alloc : memref<!tpu.dma_semaphore, #tpu.memory_space<semaphore_mem>>
      %dma_start3A_52 = arith.constant 0 : i32
      %dma_start3A_53 = tpu.memref_slice %arg20[%add3A_10, %dma_start3A_52] : memref<10240x128xf32, #tpu.memory_space<vmem_shared>> -> memref<128x128xf32, #tpu.memory_space<vmem_shared>>
      %dma_start3A_54 = arith.constant 0 : i32
      %dma_start3A_55 = tpu.memref_slice %arg20[%add3A_10, %dma_start3A_54] : memref<10240x128xf32, #tpu.memory_space<vmem_shared>> -> memref<128x128xf32, #tpu.memory_space<vmem_shared>>
      tpu.enqueue_dma source(%arg9 : memref<128x128xf32, #tpu.memory_space<vmem>>) target(%dma_start3A_55 : memref<128x128xf32, #tpu.memory_space<vmem_shared>>) target_semaphore(%run_scoped3A : memref<!tpu.dma_semaphore, #tpu.memory_space<semaphore_mem>>)
      %dma_wait3A_56 = arith.constant 0 : i32
      %dma_wait3A_57 = tpu.memref_slice %arg20[%add3A_10, %dma_wait3A_56] : memref<10240x128xf32, #tpu.memory_space<vmem_shared>> -> memref<128x128xf32, #tpu.memory_space<vmem_shared>>
      %dma_wait3A_58 = arith.constant 0 : i32
      %dma_wait3A_59 = tpu.memref_slice %arg20[%add3A_10, %dma_wait3A_58] : memref<10240x128xf32, #tpu.memory_space<vmem_shared>> -> memref<128x128xf32, #tpu.memory_space<vmem_shared>>
      tpu.wait_dma2 semaphore(%run_scoped3A : memref<!tpu.dma_semaphore, #tpu.memory_space<semaphore_mem>>) src(%arg9 : memref<128x128xf32, #tpu.memory_space<vmem>>) dst(%dma_wait3A_59 : memref<128x128xf32, #tpu.memory_space<vmem_shared>>)
      tpu.yield
    }) : () -> ()
    %add3A_11 = arith.constant 128 : i32
    %add3A_12 = arith.addi %mul3A_8, %add3A_11 : i32
    "tpu.region"() ({
      %run_scoped3A = tpu.sem_alloc : memref<!tpu.dma_semaphore, #tpu.memory_space<semaphore_mem>>
      %dma_start3A_52 = arith.constant 0 : i32
      %dma_start3A_53 = tpu.memref_slice %arg20[%add3A_12, %dma_start3A_52] : memref<10240x128xf32, #tpu.memory_space<vmem_shared>> -> memref<128x128xf32, #tpu.memory_space<vmem_shared>>
      %dma_start3A_54 = arith.constant 0 : i32
      %dma_start3A_55 = tpu.memref_slice %arg20[%add3A_12, %dma_start3A_54] : memref<10240x128xf32, #tpu.memory_space<vmem_shared>> -> memref<128x128xf32, #tpu.memory_space<vmem_shared>>
      tpu.enqueue_dma source(%arg9 : memref<128x128xf32, #tpu.memory_space<vmem>>) target(%dma_start3A_55 : memref<128x128xf32, #tpu.memory_space<vmem_shared>>) target_semaphore(%run_scoped3A : memref<!tpu.dma_semaphore, #tpu.memory_space<semaphore_mem>>)
      %dma_wait3A_56 = arith.constant 0 : i32
      %dma_wait3A_57 = tpu.memref_slice %arg20[%add3A_12, %dma_wait3A_56] : memref<10240x128xf32, #tpu.memory_space<vmem_shared>> -> memref<128x128xf32, #tpu.memory_space<vmem_shared>>
      %dma_wait3A_58 = arith.constant 0 : i32
      %dma_wait3A_59 = tpu.memref_slice %arg20[%add3A_12, %dma_wait3A_58] : memref<10240x128xf32, #tpu.memory_space<vmem_shared>> -> memref<128x128xf32, #tpu.memory_space<vmem_shared>>
      tpu.wait_dma2 semaphore(%run_scoped3A : memref<!tpu.dma_semaphore, #tpu.memory_space<semaphore_mem>>) src(%arg9 : memref<128x128xf32, #tpu.memory_space<vmem>>) dst(%dma_wait3A_59 : memref<128x128xf32, #tpu.memory_space<vmem_shared>>)
      tpu.yield
    }) : () -> ()
    %add3A_13 = arith.constant 256 : i32
    %add3A_14 = arith.addi %mul3A_8, %add3A_13 : i32
    "tpu.region"() ({
      %run_scoped3A = tpu.sem_alloc : memref<!tpu.dma_semaphore, #tpu.memory_space<semaphore_mem>>
      %dma_start3A_52 = arith.constant 0 : i32
      %dma_start3A_53 = tpu.memref_slice %arg20[%add3A_14, %dma_start3A_52] : memref<10240x128xf32, #tpu.memory_space<vmem_shared>> -> memref<128x128xf32, #tpu.memory_space<vmem_shared>>
      %dma_start3A_54 = arith.constant 0 : i32
      %dma_start3A_55 = tpu.memref_slice %arg20[%add3A_14, %dma_start3A_54] : memref<10240x128xf32, #tpu.memory_space<vmem_shared>> -> memref<128x128xf32, #tpu.memory_space<vmem_shared>>
      tpu.enqueue_dma source(%arg9 : memref<128x128xf32, #tpu.memory_space<vmem>>) target(%dma_start3A_55 : memref<128x128xf32, #tpu.memory_space<vmem_shared>>) target_semaphore(%run_scoped3A : memref<!tpu.dma_semaphore, #tpu.memory_space<semaphore_mem>>)
      %dma_wait3A_56 = arith.constant 0 : i32
      %dma_wait3A_57 = tpu.memref_slice %arg20[%add3A_14, %dma_wait3A_56] : memref<10240x128xf32, #tpu.memory_space<vmem_shared>> -> memref<128x128xf32, #tpu.memory_space<vmem_shared>>
      %dma_wait3A_58 = arith.constant 0 : i32
      %dma_wait3A_59 = tpu.memref_slice %arg20[%add3A_14, %dma_wait3A_58] : memref<10240x128xf32, #tpu.memory_space<vmem_shared>> -> memref<128x128xf32, #tpu.memory_space<vmem_shared>>
      tpu.wait_dma2 semaphore(%run_scoped3A : memref<!tpu.dma_semaphore, #tpu.memory_space<semaphore_mem>>) src(%arg9 : memref<128x128xf32, #tpu.memory_space<vmem>>) dst(%dma_wait3A_59 : memref<128x128xf32, #tpu.memory_space<vmem_shared>>)
      tpu.yield
    }) : () -> ()
    %add3A_15 = arith.constant 384 : i32
    %add3A_16 = arith.addi %mul3A_8, %add3A_15 : i32
    "tpu.region"() ({
      %run_scoped3A = tpu.sem_alloc : memref<!tpu.dma_semaphore, #tpu.memory_space<semaphore_mem>>
      %dma_start3A_52 = arith.constant 0 : i32
      %dma_start3A_53 = tpu.memref_slice %arg20[%add3A_16, %dma_start3A_52] : memref<10240x128xf32, #tpu.memory_space<vmem_shared>> -> memref<128x128xf32, #tpu.memory_space<vmem_shared>>
      %dma_start3A_54 = arith.constant 0 : i32
      %dma_start3A_55 = tpu.memref_slice %arg20[%add3A_16, %dma_start3A_54] : memref<10240x128xf32, #tpu.memory_space<vmem_shared>> -> memref<128x128xf32, #tpu.memory_space<vmem_shared>>
      tpu.enqueue_dma source(%arg9 : memref<128x128xf32, #tpu.memory_space<vmem>>) target(%dma_start3A_55 : memref<128x128xf32, #tpu.memory_space<vmem_shared>>) target_semaphore(%run_scoped3A : memref<!tpu.dma_semaphore, #tpu.memory_space<semaphore_mem>>)
      %dma_wait3A_56 = arith.constant 0 : i32
      %dma_wait3A_57 = tpu.memref_slice %arg20[%add3A_16, %dma_wait3A_56] : memref<10240x128xf32, #tpu.memory_space<vmem_shared>> -> memref<128x128xf32, #tpu.memory_space<vmem_shared>>
      %dma_wait3A_58 = arith.constant 0 : i32
      %dma_wait3A_59 = tpu.memref_slice %arg20[%add3A_16, %dma_wait3A_58] : memref<10240x128xf32, #tpu.memory_space<vmem_shared>> -> memref<128x128xf32, #tpu.memory_space<vmem_shared>>
      tpu.wait_dma2 semaphore(%run_scoped3A : memref<!tpu.dma_semaphore, #tpu.memory_space<semaphore_mem>>) src(%arg9 : memref<128x128xf32, #tpu.memory_space<vmem>>) dst(%dma_wait3A_59 : memref<128x128xf32, #tpu.memory_space<vmem_shared>>)
      tpu.yield
    }) : () -> ()
    %add3A_17 = arith.constant 512 : i32
    %add3A_18 = arith.addi %mul3A_8, %add3A_17 : i32
    "tpu.region"() ({
      %run_scoped3A = tpu.sem_alloc : memref<!tpu.dma_semaphore, #tpu.memory_space<semaphore_mem>>
      %dma_start3A_52 = arith.constant 0 : i32
      %dma_start3A_53 = tpu.memref_slice %arg20[%add3A_18, %dma_start3A_52] : memref<10240x128xf32, #tpu.memory_space<vmem_shared>> -> memref<128x128xf32, #tpu.memory_space<vmem_shared>>
      %dma_start3A_54 = arith.constant 0 : i32
      %dma_start3A_55 = tpu.memref_slice %arg20[%add3A_18, %dma_start3A_54] : memref<10240x128xf32, #tpu.memory_space<vmem_shared>> -> memref<128x128xf32, #tpu.memory_space<vmem_shared>>
      tpu.enqueue_dma source(%arg9 : memref<128x128xf32, #tpu.memory_space<vmem>>) target(%dma_start3A_55 : memref<128x128xf32, #tpu.memory_space<vmem_shared>>) target_semaphore(%run_scoped3A : memref<!tpu.dma_semaphore, #tpu.memory_space<semaphore_mem>>)
      %dma_wait3A_56 = arith.constant 0 : i32
      %dma_wait3A_57 = tpu.memref_slice %arg20[%add3A_18, %dma_wait3A_56] : memref<10240x128xf32, #tpu.memory_space<vmem_shared>> -> memref<128x128xf32, #tpu.memory_space<vmem_shared>>
      %dma_wait3A_58 = arith.constant 0 : i32
      %dma_wait3A_59 = tpu.memref_slice %arg20[%add3A_18, %dma_wait3A_58] : memref<10240x128xf32, #tpu.memory_space<vmem_shared>> -> memref<128x128xf32, #tpu.memory_space<vmem_shared>>
      tpu.wait_dma2 semaphore(%run_scoped3A : memref<!tpu.dma_semaphore, #tpu.memory_space<semaphore_mem>>) src(%arg9 : memref<128x128xf32, #tpu.memory_space<vmem>>) dst(%dma_wait3A_59 : memref<128x128xf32, #tpu.memory_space<vmem_shared>>)
      tpu.yield
    }) : () -> ()
    %barrier3A = arith.constant 0 : index
    tpu.barrier barrier_id(%barrier3A)
    %mul3A_19 = arith.constant 10000 : i32
    %mul3A_20 = arith.muli %add3A, %mul3A_19 : i32
    "tpu.region"() ({
      %run_scoped3A = tpu.sem_alloc : memref<!tpu.dma_semaphore, #tpu.memory_space<semaphore_mem>>
      %dma_start3A_52 = tpu.memref_slice %arg3[%mul3A_20] : memref<640000xi32, #tpu.memory_space<hbm>> -> memref<128xi32, #tpu.memory_space<hbm>>
      %dma_start3A_53 = tpu.memref_slice %arg3[%mul3A_20] : memref<640000xi32, #tpu.memory_space<hbm>> -> memref<128xi32, #tpu.memory_space<hbm>>
      tpu.enqueue_dma source(%dma_start3A_53 : memref<128xi32, #tpu.memory_space<hbm>>) target(%arg5 : memref<128xi32, #tpu.memory_space<vmem>>) target_semaphore(%run_scoped3A : memref<!tpu.dma_semaphore, #tpu.memory_space<semaphore_mem>>)
      %dma_wait3A_54 = tpu.memref_slice %arg3[%mul3A_20] : memref<640000xi32, #tpu.memory_space<hbm>> -> memref<128xi32, #tpu.memory_space<hbm>>
      %dma_wait3A_55 = tpu.memref_slice %arg3[%mul3A_20] : memref<640000xi32, #tpu.memory_space<hbm>> -> memref<128xi32, #tpu.memory_space<hbm>>
      tpu.wait_dma2 semaphore(%run_scoped3A : memref<!tpu.dma_semaphore, #tpu.memory_space<semaphore_mem>>) src(%dma_wait3A_55 : memref<128xi32, #tpu.memory_space<hbm>>) dst(%arg5 : memref<128xi32, #tpu.memory_space<vmem>>)
      tpu.yield
    }) : () -> ()
    %add3A_21 = arith.constant 320000 : i32
    %add3A_22 = arith.addi %add3A_21, %mul3A_20 : i32
    "tpu.region"() ({
      %run_scoped3A = tpu.sem_alloc : memref<!tpu.dma_semaphore, #tpu.memory_space<semaphore_mem>>
      %dma_start3A_52 = tpu.memref_slice %arg3[%add3A_22] : memref<640000xi32, #tpu.memory_space<hbm>> -> memref<128xi32, #tpu.memory_space<hbm>>
      %dma_start3A_53 = tpu.memref_slice %arg3[%add3A_22] : memref<640000xi32, #tpu.memory_space<hbm>> -> memref<128xi32, #tpu.memory_space<hbm>>
      tpu.enqueue_dma source(%dma_start3A_53 : memref<128xi32, #tpu.memory_space<hbm>>) target(%arg6 : memref<128xi32, #tpu.memory_space<vmem>>) target_semaphore(%run_scoped3A : memref<!tpu.dma_semaphore, #tpu.memory_space<semaphore_mem>>)
      %dma_wait3A_54 = tpu.memref_slice %arg3[%add3A_22] : memref<640000xi32, #tpu.memory_space<hbm>> -> memref<128xi32, #tpu.memory_space<hbm>>
      %dma_wait3A_55 = tpu.memref_slice %arg3[%add3A_22] : memref<640000xi32, #tpu.memory_space<hbm>> -> memref<128xi32, #tpu.memory_space<hbm>>
      tpu.wait_dma2 semaphore(%run_scoped3A : memref<!tpu.dma_semaphore, #tpu.memory_space<semaphore_mem>>) src(%dma_wait3A_55 : memref<128xi32, #tpu.memory_space<hbm>>) dst(%arg6 : memref<128xi32, #tpu.memory_space<vmem>>)
      tpu.yield
    }) : () -> ()
    %dma_start3A = arith.constant 0 : i32
    %dma_start3A_23 = arith.constant 0 : i32
    %dma_start3A_24 = tpu.memref_slice %arg2[%dma_start3A, %dma_start3A_23] : memref<10240x128xf32, #tpu.memory_space<hbm>> -> memref<10240x128xf32, #tpu.memory_space<hbm>>
    tpu.enqueue_indirect_dma source(%dma_start3A_24 : memref<10240x128xf32, #tpu.memory_space<hbm>>) target(%arg9 : memref<128x128xf32, #tpu.memory_space<vmem>>) offsets(%arg5 : memref<128xi32, #tpu.memory_space<vmem>>) semaphore(%arg18 : memref<!tpu.dma_semaphore, #tpu.memory_space<semaphore_mem>>)
    %add3A_25 = arith.constant 128 : i32
    %add3A_26 = arith.addi %mul3A_20, %add3A_25 : i32
    %dma_start3A_27 = tpu.memref_slice %arg3[%add3A_26] : memref<640000xi32, #tpu.memory_space<hbm>> -> memref<128xi32, #tpu.memory_space<hbm>>
    %dma_start3A_28 = tpu.memref_slice %arg3[%add3A_26] : memref<640000xi32, #tpu.memory_space<hbm>> -> memref<128xi32, #tpu.memory_space<hbm>>
    tpu.enqueue_dma source(%dma_start3A_28 : memref<128xi32, #tpu.memory_space<hbm>>) target(%arg7 : memref<128xi32, #tpu.memory_space<vmem>>) target_semaphore(%arg16 : memref<!tpu.dma_semaphore, #tpu.memory_space<semaphore_mem>>)
    %add3A_29 = arith.constant 320000 : i32
    %add3A_30 = arith.addi %add3A_29, %mul3A_20 : i32
    %add3A_31 = arith.constant 128 : i32
    %add3A_32 = arith.addi %add3A_30, %add3A_31 : i32
    %dma_start3A_33 = tpu.memref_slice %arg3[%add3A_32] : memref<640000xi32, #tpu.memory_space<hbm>> -> memref<128xi32, #tpu.memory_space<hbm>>
    %dma_start3A_34 = tpu.memref_slice %arg3[%add3A_32] : memref<640000xi32, #tpu.memory_space<hbm>> -> memref<128xi32, #tpu.memory_space<hbm>>
    tpu.enqueue_dma source(%dma_start3A_34 : memref<128xi32, #tpu.memory_space<hbm>>) target(%arg8 : memref<128xi32, #tpu.memory_space<vmem>>) target_semaphore(%arg17 : memref<!tpu.dma_semaphore, #tpu.memory_space<semaphore_mem>>)
    %scan3A_35 = arith.constant 0 : i32
    %scan3A_36 = arith.constant 0 : i32
    %scan3A_37 = arith.constant 39 : i32
    %scan3A_38 = arith.addi %scan3A_36, %scan3A_37 : i32
    %scan3A_39 = arith.constant 1 : i32
    %scan3A_40 = scf.for %scan3A_52 = %scan3A_36 to %scan3A_38 step %scan3A_39 iter_args(%scan3A_53 = %scan3A_35) -> (i32)  : i32 {
      %mul3A_54 = arith.constant 2 : i32
      %mul3A_55 = arith.muli %mul3A_54, %scan3A_52 : i32
      %add3A_56 = arith.constant 2 : i32
      %add3A_57 = arith.addi %mul3A_55, %add3A_56 : i32
      %mul3A_58 = arith.constant 128 : i32
      %mul3A_59 = arith.muli %add3A_57, %mul3A_58 : i32
      %add3A_60 = arith.addi %mul3A_20, %mul3A_59 : i32
      %mul3A_61 = arith.constant 2 : i32
      %mul3A_62 = arith.muli %mul3A_61, %scan3A_52 : i32
      %add3A_63 = arith.constant 3 : i32
      %add3A_64 = arith.addi %mul3A_62, %add3A_63 : i32
      %mul3A_65 = arith.constant 128 : i32
      %mul3A_66 = arith.muli %add3A_64, %mul3A_65 : i32
      %add3A_67 = arith.addi %mul3A_20, %mul3A_66 : i32
      %dma_wait3A_68 = arith.constant 0 : i32
      %dma_wait3A_69 = tpu.memref_slice %arg3[%dma_wait3A_68] : memref<640000xi32, #tpu.memory_space<hbm>> -> memref<128xi32, #tpu.memory_space<hbm>>
      %dma_wait3A_70 = arith.constant 0 : i32
      %dma_wait3A_71 = tpu.memref_slice %arg3[%dma_wait3A_70] : memref<640000xi32, #tpu.memory_space<hbm>> -> memref<128xi32, #tpu.memory_space<hbm>>
      tpu.wait_dma2 semaphore(%arg16 : memref<!tpu.dma_semaphore, #tpu.memory_space<semaphore_mem>>) src(%dma_wait3A_71 : memref<128xi32, #tpu.memory_space<hbm>>) dst(%arg7 : memref<128xi32, #tpu.memory_space<vmem>>)
      %dma_wait3A_72 = arith.constant 0 : i32
      %dma_wait3A_73 = tpu.memref_slice %arg3[%dma_wait3A_72] : memref<640000xi32, #tpu.memory_space<hbm>> -> memref<128xi32, #tpu.memory_space<hbm>>
      %dma_wait3A_74 = arith.constant 0 : i32
      %dma_wait3A_75 = tpu.memref_slice %arg3[%dma_wait3A_74] : memref<640000xi32, #tpu.memory_space<hbm>> -> memref<128xi32, #tpu.memory_space<hbm>>
      tpu.wait_dma2 semaphore(%arg17 : memref<!tpu.dma_semaphore, #tpu.memory_space<semaphore_mem>>) src(%dma_wait3A_75 : memref<128xi32, #tpu.memory_space<hbm>>) dst(%arg8 : memref<128xi32, #tpu.memory_space<vmem>>)
      %dma_start3A_76 = arith.constant 0 : i32
      %dma_start3A_77 = arith.constant 0 : i32
      %dma_start3A_78 = tpu.memref_slice %arg2[%dma_start3A_76, %dma_start3A_77] : memref<10240x128xf32, #tpu.memory_space<hbm>> -> memref<10240x128xf32, #tpu.memory_space<hbm>>
      tpu.enqueue_indirect_dma source(%dma_start3A_78 : memref<10240x128xf32, #tpu.memory_space<hbm>>) target(%arg10 : memref<128x128xf32, #tpu.memory_space<vmem>>) offsets(%arg7 : memref<128xi32, #tpu.memory_space<vmem>>) semaphore(%arg19 : memref<!tpu.dma_semaphore, #tpu.memory_space<semaphore_mem>>)
      %dma_wait3A_79 = arith.constant 0 : i32
      %dma_wait3A_80 = arith.constant 0 : i32
      %dma_wait3A_81 = tpu.memref_slice %arg2[%dma_wait3A_79, %dma_wait3A_80] : memref<10240x128xf32, #tpu.memory_space<hbm>> -> memref<10240x128xf32, #tpu.memory_space<hbm>>
      tpu.wait_indirect_dma semaphore(%arg18 : memref<!tpu.dma_semaphore, #tpu.memory_space<semaphore_mem>>) src(%dma_wait3A_81 : memref<10240x128xf32, #tpu.memory_space<hbm>>) dst(%arg9 : memref<128x128xf32, #tpu.memory_space<vmem>>)
      "tpu.region"() ({
        %run_scoped3A = tpu.sem_alloc : memref<!tpu.dma_semaphore, #tpu.memory_space<semaphore_mem>>
        %dma_start3A_93 = arith.constant 0 : i32
        %dma_start3A_94 = arith.constant 0 : i32
        %dma_start3A_95 = tpu.memref_slice %arg20[%dma_start3A_93, %dma_start3A_94] : memref<10240x128xf32, #tpu.memory_space<vmem_shared>> -> memref<10240x128xf32, #tpu.memory_space<vmem_shared>>
        tpu.enqueue_indirect_dma source(%arg9 : memref<128x128xf32, #tpu.memory_space<vmem>>) target(%dma_start3A_95 : memref<10240x128xf32, #tpu.memory_space<vmem_shared>>) offsets(%arg6 : memref<128xi32, #tpu.memory_space<vmem>>) semaphore(%run_scoped3A : memref<!tpu.dma_semaphore, #tpu.memory_space<semaphore_mem>>) {add = true}
        %dma_wait3A_96 = arith.constant 0 : i32
        %dma_wait3A_97 = arith.constant 0 : i32
        %dma_wait3A_98 = tpu.memref_slice %arg20[%dma_wait3A_96, %dma_wait3A_97] : memref<10240x128xf32, #tpu.memory_space<vmem_shared>> -> memref<10240x128xf32, #tpu.memory_space<vmem_shared>>
        tpu.wait_indirect_dma semaphore(%run_scoped3A : memref<!tpu.dma_semaphore, #tpu.memory_space<semaphore_mem>>) src(%arg9 : memref<128x128xf32, #tpu.memory_space<vmem>>) dst(%dma_wait3A_98 : memref<10240x128xf32, #tpu.memory_space<vmem_shared>>)
        tpu.yield
      }) : () -> ()
      %lt3A = arith.constant 38 : i32
      %lt3A_82 = arith.cmpi slt, %scan3A_52, %lt3A : i32
      %convert_element_type3A = arith.extui %lt3A_82 : i1 to i32
      %cond3A = arith.constant 0 : i32
      %cond3A_83 = arith.cmpi ne, %convert_element_type3A, %cond3A : i32
      scf.if %cond3A_83 {
        %dma_start3A_93 = tpu.memref_slice %arg3[%add3A_60] : memref<640000xi32, #tpu.memory_space<hbm>> -> memref<128xi32, #tpu.memory_space<hbm>>
        %dma_start3A_94 = tpu.memref_slice %arg3[%add3A_60] : memref<640000xi32, #tpu.memory_space<hbm>> -> memref<128xi32, #tpu.memory_space<hbm>>
        tpu.enqueue_dma source(%dma_start3A_94 : memref<128xi32, #tpu.memory_space<hbm>>) target(%arg5 : memref<128xi32, #tpu.memory_space<vmem>>) target_semaphore(%arg14 : memref<!tpu.dma_semaphore, #tpu.memory_space<semaphore_mem>>)
        %add3A_95 = arith.constant 320000 : i32
        %add3A_96 = arith.addi %add3A_95, %add3A_60 : i32
        %dma_start3A_97 = tpu.memref_slice %arg3[%add3A_96] : memref<640000xi32, #tpu.memory_space<hbm>> -> memref<128xi32, #tpu.memory_space<hbm>>
        %dma_start3A_98 = tpu.memref_slice %arg3[%add3A_96] : memref<640000xi32, #tpu.memory_space<hbm>> -> memref<128xi32, #tpu.memory_space<hbm>>
        tpu.enqueue_dma source(%dma_start3A_98 : memref<128xi32, #tpu.memory_space<hbm>>) target(%arg6 : memref<128xi32, #tpu.memory_space<vmem>>) target_semaphore(%arg15 : memref<!tpu.dma_semaphore, #tpu.memory_space<semaphore_mem>>)
      } else {
      }
      %dma_wait3A_84 = arith.constant 0 : i32
      %dma_wait3A_85 = arith.constant 0 : i32
      %dma_wait3A_86 = tpu.memref_slice %arg2[%dma_wait3A_84, %dma_wait3A_85] : memref<10240x128xf32, #tpu.memory_space<hbm>> -> memref<10240x128xf32, #tpu.memory_space<hbm>>
      tpu.wait_indirect_dma semaphore(%arg19 : memref<!tpu.dma_semaphore, #tpu.memory_space<semaphore_mem>>) src(%dma_wait3A_86 : memref<10240x128xf32, #tpu.memory_space<hbm>>) dst(%arg10 : memref<128x128xf32, #tpu.memory_space<vmem>>)
      "tpu.region"() ({
        %run_scoped3A = tpu.sem_alloc : memref<!tpu.dma_semaphore, #tpu.memory_space<semaphore_mem>>
        %dma_start3A_93 = arith.constant 0 : i32
        %dma_start3A_94 = arith.constant 0 : i32
        %dma_start3A_95 = tpu.memref_slice %arg20[%dma_start3A_93, %dma_start3A_94] : memref<10240x128xf32, #tpu.memory_space<vmem_shared>> -> memref<10240x128xf32, #tpu.memory_space<vmem_shared>>
        tpu.enqueue_indirect_dma source(%arg10 : memref<128x128xf32, #tpu.memory_space<vmem>>) target(%dma_start3A_95 : memref<10240x128xf32, #tpu.memory_space<vmem_shared>>) offsets(%arg8 : memref<128xi32, #tpu.memory_space<vmem>>) semaphore(%run_scoped3A : memref<!tpu.dma_semaphore, #tpu.memory_space<semaphore_mem>>) {add = true}
        %dma_wait3A_96 = arith.constant 0 : i32
        %dma_wait3A_97 = arith.constant 0 : i32
        %dma_wait3A_98 = tpu.memref_slice %arg20[%dma_wait3A_96, %dma_wait3A_97] : memref<10240x128xf32, #tpu.memory_space<vmem_shared>> -> memref<10240x128xf32, #tpu.memory_space<vmem_shared>>
        tpu.wait_indirect_dma semaphore(%run_scoped3A : memref<!tpu.dma_semaphore, #tpu.memory_space<semaphore_mem>>) src(%arg10 : memref<128x128xf32, #tpu.memory_space<vmem>>) dst(%dma_wait3A_98 : memref<10240x128xf32, #tpu.memory_space<vmem_shared>>)
        tpu.yield
      }) : () -> ()
      %lt3A_87 = arith.constant 38 : i32
      %lt3A_88 = arith.cmpi slt, %scan3A_52, %lt3A_87 : i32
      %convert_element_type3A_89 = arith.extui %lt3A_88 : i1 to i32
      %cond3A_90 = arith.constant 0 : i32
      %cond3A_91 = arith.cmpi ne, %convert_element_type3A_89, %cond3A_90 : i32
      scf.if %cond3A_91 {
        %dma_wait3A_93 = arith.constant 0 : i32
        %dma_wait3A_94 = tpu.memref_slice %arg3[%dma_wait3A_93] : memref<640000xi32, #tpu.memory_space<hbm>> -> memref<128xi32, #tpu.memory_space<hbm>>
        %dma_wait3A_95 = arith.constant 0 : i32
        %dma_wait3A_96 = tpu.memref_slice %arg3[%dma_wait3A_95] : memref<640000xi32, #tpu.memory_space<hbm>> -> memref<128xi32, #tpu.memory_space<hbm>>
        tpu.wait_dma2 semaphore(%arg14 : memref<!tpu.dma_semaphore, #tpu.memory_space<semaphore_mem>>) src(%dma_wait3A_96 : memref<128xi32, #tpu.memory_space<hbm>>) dst(%arg5 : memref<128xi32, #tpu.memory_space<vmem>>)
        %dma_wait3A_97 = arith.constant 0 : i32
        %dma_wait3A_98 = tpu.memref_slice %arg3[%dma_wait3A_97] : memref<640000xi32, #tpu.memory_space<hbm>> -> memref<128xi32, #tpu.memory_space<hbm>>
        %dma_wait3A_99 = arith.constant 0 : i32
        %dma_wait3A_100 = tpu.memref_slice %arg3[%dma_wait3A_99] : memref<640000xi32, #tpu.memory_space<hbm>> -> memref<128xi32, #tpu.memory_space<hbm>>
        tpu.wait_dma2 semaphore(%arg15 : memref<!tpu.dma_semaphore, #tpu.memory_space<semaphore_mem>>) src(%dma_wait3A_100 : memref<128xi32, #tpu.memory_space<hbm>>) dst(%arg6 : memref<128xi32, #tpu.memory_space<vmem>>)
        %dma_start3A_101 = arith.constant 0 : i32
        %dma_start3A_102 = arith.constant 0 : i32
        %dma_start3A_103 = tpu.memref_slice %arg2[%dma_start3A_101, %dma_start3A_102] : memref<10240x128xf32, #tpu.memory_space<hbm>> -> memref<10240x128xf32, #tpu.memory_space<hbm>>
        tpu.enqueue_indirect_dma source(%dma_start3A_103 : memref<10240x128xf32, #tpu.memory_space<hbm>>) target(%arg9 : memref<128x128xf32, #tpu.memory_space<vmem>>) offsets(%arg5 : memref<128xi32, #tpu.memory_space<vmem>>) semaphore(%arg18 : memref<!tpu.dma_semaphore, #tpu.memory_space<semaphore_mem>>)
        %dma_start3A_104 = tpu.memref_slice %arg3[%add3A_67] : memref<640000xi32, #tpu.memory_space<hbm>> -> memref<128xi32, #tpu.memory_space<hbm>>
        %dma_start3A_105 = tpu.memref_slice %arg3[%add3A_67] : memref<640000xi32, #tpu.memory_space<hbm>> -> memref<128xi32, #tpu.memory_space<hbm>>
        tpu.enqueue_dma source(%dma_start3A_105 : memref<128xi32, #tpu.memory_space<hbm>>) target(%arg7 : memref<128xi32, #tpu.memory_space<vmem>>) target_semaphore(%arg16 : memref<!tpu.dma_semaphore, #tpu.memory_space<semaphore_mem>>)
        %add3A_106 = arith.constant 320000 : i32
        %add3A_107 = arith.addi %add3A_106, %add3A_67 : i32
        %dma_start3A_108 = tpu.memref_slice %arg3[%add3A_107] : memref<640000xi32, #tpu.memory_space<hbm>> -> memref<128xi32, #tpu.memory_space<hbm>>
        %dma_start3A_109 = tpu.memref_slice %arg3[%add3A_107] : memref<640000xi32, #tpu.memory_space<hbm>> -> memref<128xi32, #tpu.memory_space<hbm>>
        tpu.enqueue_dma source(%dma_start3A_109 : memref<128xi32, #tpu.memory_space<hbm>>) target(%arg8 : memref<128xi32, #tpu.memory_space<vmem>>) target_semaphore(%arg17 : memref<!tpu.dma_semaphore, #tpu.memory_space<semaphore_mem>>)
      } else {
      }
      %scan3A_92 = arith.constant 0 : i32
      scf.yield %scan3A_92 : i32
    }
    %scan3A_41 = arith.constant 39 : i32
    %add3A_42 = arith.constant 9984 : i32
    %add3A_43 = arith.addi %mul3A_20, %add3A_42 : i32
    "tpu.region"() ({
      %run_scoped3A = tpu.sem_alloc : memref<!tpu.dma_semaphore, #tpu.memory_space<semaphore_mem>>
      %dma_start3A_52 = tpu.memref_slice %arg3[%add3A_43] : memref<640000xi32, #tpu.memory_space<hbm>> -> memref<16xi32, #tpu.memory_space<hbm>>
      %dma_start3A_53 = tpu.memref_slice %arg3[%add3A_43] : memref<640000xi32, #tpu.memory_space<hbm>> -> memref<16xi32, #tpu.memory_space<hbm>>
      tpu.enqueue_dma source(%dma_start3A_53 : memref<16xi32, #tpu.memory_space<hbm>>) target(%arg11 : memref<16xi32, #tpu.memory_space<vmem>>) target_semaphore(%run_scoped3A : memref<!tpu.dma_semaphore, #tpu.memory_space<semaphore_mem>>)
      %dma_wait3A_54 = tpu.memref_slice %arg3[%add3A_43] : memref<640000xi32, #tpu.memory_space<hbm>> -> memref<16xi32, #tpu.memory_space<hbm>>
      %dma_wait3A_55 = tpu.memref_slice %arg3[%add3A_43] : memref<640000xi32, #tpu.memory_space<hbm>> -> memref<16xi32, #tpu.memory_space<hbm>>
      tpu.wait_dma2 semaphore(%run_scoped3A : memref<!tpu.dma_semaphore, #tpu.memory_space<semaphore_mem>>) src(%dma_wait3A_55 : memref<16xi32, #tpu.memory_space<hbm>>) dst(%arg11 : memref<16xi32, #tpu.memory_space<vmem>>)
      tpu.yield
    }) : () -> ()
    %add3A_44 = arith.constant 320000 : i32
    %add3A_45 = arith.addi %add3A_44, %add3A_43 : i32
    "tpu.region"() ({
      %run_scoped3A = tpu.sem_alloc : memref<!tpu.dma_semaphore, #tpu.memory_space<semaphore_mem>>
      %dma_start3A_52 = tpu.memref_slice %arg3[%add3A_45] : memref<640000xi32, #tpu.memory_space<hbm>> -> memref<16xi32, #tpu.memory_space<hbm>>
      %dma_start3A_53 = tpu.memref_slice %arg3[%add3A_45] : memref<640000xi32, #tpu.memory_space<hbm>> -> memref<16xi32, #tpu.memory_space<hbm>>
      tpu.enqueue_dma source(%dma_start3A_53 : memref<16xi32, #tpu.memory_space<hbm>>) target(%arg12 : memref<16xi32, #tpu.memory_space<vmem>>) target_semaphore(%run_scoped3A : memref<!tpu.dma_semaphore, #tpu.memory_space<semaphore_mem>>)
      %dma_wait3A_54 = tpu.memref_slice %arg3[%add3A_45] : memref<640000xi32, #tpu.memory_space<hbm>> -> memref<16xi32, #tpu.memory_space<hbm>>
      %dma_wait3A_55 = tpu.memref_slice %arg3[%add3A_45] : memref<640000xi32, #tpu.memory_space<hbm>> -> memref<16xi32, #tpu.memory_space<hbm>>
      tpu.wait_dma2 semaphore(%run_scoped3A : memref<!tpu.dma_semaphore, #tpu.memory_space<semaphore_mem>>) src(%dma_wait3A_55 : memref<16xi32, #tpu.memory_space<hbm>>) dst(%arg12 : memref<16xi32, #tpu.memory_space<vmem>>)
      tpu.yield
    }) : () -> ()
    %dma_start3A_46 = arith.constant 0 : i32
    %dma_start3A_47 = arith.constant 0 : i32
    %dma_start3A_48 = tpu.memref_slice %arg2[%dma_start3A_46, %dma_start3A_47] : memref<10240x128xf32, #tpu.memory_space<hbm>> -> memref<10240x128xf32, #tpu.memory_space<hbm>>
    tpu.enqueue_indirect_dma source(%dma_start3A_48 : memref<10240x128xf32, #tpu.memory_space<hbm>>) target(%arg13 : memref<16x128xf32, #tpu.memory_space<vmem>>) offsets(%arg11 : memref<16xi32, #tpu.memory_space<vmem>>) semaphore(%arg18 : memref<!tpu.dma_semaphore, #tpu.memory_space<semaphore_mem>>)
    %dma_wait3A = arith.constant 0 : i32
    %dma_wait3A_49 = arith.constant 0 : i32
    %dma_wait3A_50 = tpu.memref_slice %arg2[%dma_wait3A, %dma_wait3A_49] : memref<10240x128xf32, #tpu.memory_space<hbm>> -> memref<10240x128xf32, #tpu.memory_space<hbm>>
    tpu.wait_indirect_dma semaphore(%arg18 : memref<!tpu.dma_semaphore, #tpu.memory_space<semaphore_mem>>) src(%dma_wait3A_50 : memref<10240x128xf32, #tpu.memory_space<hbm>>) dst(%arg13 : memref<16x128xf32, #tpu.memory_space<vmem>>)
    "tpu.region"() ({
      %run_scoped3A = tpu.sem_alloc : memref<!tpu.dma_semaphore, #tpu.memory_space<semaphore_mem>>
      %dma_start3A_52 = arith.constant 0 : i32
      %dma_start3A_53 = arith.constant 0 : i32
      %dma_start3A_54 = tpu.memref_slice %arg20[%dma_start3A_52, %dma_start3A_53] : memref<10240x128xf32, #tpu.memory_space<vmem_shared>> -> memref<10240x128xf32, #tpu.memory_space<vmem_shared>>
      tpu.enqueue_indirect_dma source(%arg13 : memref<16x128xf32, #tpu.memory_space<vmem>>) target(%dma_start3A_54 : memref<10240x128xf32, #tpu.memory_space<vmem_shared>>) offsets(%arg12 : memref<16xi32, #tpu.memory_space<vmem>>) semaphore(%run_scoped3A : memref<!tpu.dma_semaphore, #tpu.memory_space<semaphore_mem>>) {add = true}
      %dma_wait3A_55 = arith.constant 0 : i32
      %dma_wait3A_56 = arith.constant 0 : i32
      %dma_wait3A_57 = tpu.memref_slice %arg20[%dma_wait3A_55, %dma_wait3A_56] : memref<10240x128xf32, #tpu.memory_space<vmem_shared>> -> memref<10240x128xf32, #tpu.memory_space<vmem_shared>>
      tpu.wait_indirect_dma semaphore(%run_scoped3A : memref<!tpu.dma_semaphore, #tpu.memory_space<semaphore_mem>>) src(%arg13 : memref<16x128xf32, #tpu.memory_space<vmem>>) dst(%dma_wait3A_57 : memref<10240x128xf32, #tpu.memory_space<vmem_shared>>)
      tpu.yield
    }) : () -> ()
    %barrier3A_51 = arith.constant 0 : index
    tpu.barrier barrier_id(%barrier3A_51)
    "tpu.region"() ({
      %run_scoped3A = tpu.sem_alloc : memref<!tpu.dma_semaphore, #tpu.memory_space<semaphore_mem>>
      %dma_start3A_52 = arith.constant 0 : i32
      %dma_start3A_53 = tpu.memref_slice %arg4[%arg0, %mul3A_8, %dma_start3A_52] : memref<2x10240x128xf32, #tpu.memory_space<hbm>> -> memref<1x640x128xf32, #tpu.memory_space<hbm>>
      %dma_start3A_54 = tpu.memref_squeeze %dma_start3A_53 : memref<1x640x128xf32, #tpu.memory_space<hbm>> -> memref<640x128xf32, #tpu.memory_space<hbm>>
      %dma_start3A_55 = arith.constant 0 : i32
      %dma_start3A_56 = tpu.memref_slice %arg20[%mul3A_8, %dma_start3A_55] : memref<10240x128xf32, #tpu.memory_space<vmem_shared>> -> memref<640x128xf32, #tpu.memory_space<vmem_shared>>
      tpu.enqueue_dma source(%dma_start3A_56 : memref<640x128xf32, #tpu.memory_space<vmem_shared>>) target(%dma_start3A_54 : memref<640x128xf32, #tpu.memory_space<hbm>>) target_semaphore(%run_scoped3A : memref<!tpu.dma_semaphore, #tpu.memory_space<semaphore_mem>>)
      %dma_wait3A_57 = arith.constant 0 : i32
      %dma_wait3A_58 = tpu.memref_slice %arg4[%arg0, %mul3A_8, %dma_wait3A_57] : memref<2x10240x128xf32, #tpu.memory_space<hbm>> -> memref<1x640x128xf32, #tpu.memory_space<hbm>>
      %dma_wait3A_59 = tpu.memref_squeeze %dma_wait3A_58 : memref<1x640x128xf32, #tpu.memory_space<hbm>> -> memref<640x128xf32, #tpu.memory_space<hbm>>
      %dma_wait3A_60 = arith.constant 0 : i32
      %dma_wait3A_61 = tpu.memref_slice %arg20[%mul3A_8, %dma_wait3A_60] : memref<10240x128xf32, #tpu.memory_space<vmem_shared>> -> memref<640x128xf32, #tpu.memory_space<vmem_shared>>
      tpu.wait_dma2 semaphore(%run_scoped3A : memref<!tpu.dma_semaphore, #tpu.memory_space<semaphore_mem>>) src(%dma_wait3A_61 : memref<640x128xf32, #tpu.memory_space<vmem_shared>>) dst(%dma_wait3A_59 : memref<640x128xf32, #tpu.memory_space<hbm>>)
      tpu.yield
    }) : () -> ()
    return
  }
}

#map = affine_map<(d0, d1) -> (0, 0)>
#map1 = affine_map<(d0, d1) -> (0)>
#map2 = affine_map<(d0, d1) -> (0, 0, 0)>
module attributes {stable_mosaic.version = 14 : i64} {
  func.func @_sc_agg_kernel(%arg0: i32, %arg1: i32, %arg2: memref<10240x128xf32, #tpu.memory_space<hbm>>, %arg3: memref<640000xi32, #tpu.memory_space<hbm>>, %arg4: memref<2x10240x128xf32, #tpu.memory_space<hbm>>, %arg5: memref<128xi32, #tpu.memory_space<vmem>>, %arg6: memref<128xi32, #tpu.memory_space<vmem>>, %arg7: memref<128xi32, #tpu.memory_space<vmem>>, %arg8: memref<128xi32, #tpu.memory_space<vmem>>, %arg9: memref<128x128xf32, #tpu.memory_space<vmem>>, %arg10: memref<128x128xf32, #tpu.memory_space<vmem>>, %arg11: memref<16xi32, #tpu.memory_space<vmem>>, %arg12: memref<16xi32, #tpu.memory_space<vmem>>, %arg13: memref<16x128xf32, #tpu.memory_space<vmem>>, %arg14: memref<!tpu.dma_semaphore, #tpu.memory_space<semaphore_mem>>, %arg15: memref<!tpu.dma_semaphore, #tpu.memory_space<semaphore_mem>>, %arg16: memref<!tpu.dma_semaphore, #tpu.memory_space<semaphore_mem>>, %arg17: memref<!tpu.dma_semaphore, #tpu.memory_space<semaphore_mem>>, %arg18: memref<!tpu.dma_semaphore, #tpu.memory_space<semaphore_mem>>, %arg19: memref<!tpu.dma_semaphore, #tpu.memory_space<semaphore_mem>>, %arg20: memref<10240x128xf32, #tpu.memory_space<vmem_shared>>) attributes {dimension_semantics = [#tpu.dimension_semantics<core_parallel>, #tpu.dimension_semantics<subcore_parallel>], iteration_bounds = array<i64: 2, 16>, scalar_prefetch = 0 : i64, scratch_operands = 16 : i64, tpu.core_type = #tpu.core_type<sc_vector_subcore>, window_params = [{transform_indices = #map}, {transform_indices = #map1}, {transform_indices = #map2}]} {
    %mul3A = arith.constant 2 : i32
    %mul3A_0 = arith.muli %arg1, %mul3A : i32
    %add3A = arith.addi %mul3A_0, %arg0 : i32
    %scan3A = arith.constant 0 : i32
    %scan3A_1 = arith.constant 0 : i32
    %scan3A_2 = arith.constant 128 : i32
    %scan3A_3 = arith.addi %scan3A_1, %scan3A_2 : i32
    %scan3A_4 = arith.constant 1 : i32
    %scan3A_5 = scf.for %scan3A_52 = %scan3A_1 to %scan3A_3 step %scan3A_4 iter_args(%scan3A_53 = %scan3A) -> (i32)  : i32 {
      %broadcast_in_dim3A = arith.constant 0.000000e+00 : f32
      %broadcast_in_dim3A_54 = vector.broadcast %broadcast_in_dim3A : f32 to vector<16xf32>
      %swap3A = arith.index_cast %scan3A_52 : i32 to index
      %swap3A_55 = arith.constant 0 : index
      %swap3A_56 = tpu.vector_load %arg9[%swap3A, %swap3A_55] {strides = array<i32>} : memref<128x128xf32, #tpu.memory_space<vmem>>, vector<1x16xf32>,
      %swap3A_57 = vector.shape_cast %swap3A_56 : vector<1x16xf32> to vector<16xf32>
      %swap3A_58 = vector.shape_cast %broadcast_in_dim3A_54 : vector<16xf32> to vector<1x16xf32>
      tpu.vector_store %arg9[%swap3A, %swap3A_55], %swap3A_58 {strides = array<i32>} : memref<128x128xf32, #tpu.memory_space<vmem>>, vector<1x16xf32>,
      %broadcast_in_dim3A_59 = arith.constant 0.000000e+00 : f32
      %broadcast_in_dim3A_60 = vector.broadcast %broadcast_in_dim3A_59 : f32 to vector<16xf32>
      %swap3A_61 = arith.index_cast %scan3A_52 : i32 to index
      %swap3A_62 = arith.constant 16 : index
      %swap3A_63 = tpu.vector_load %arg9[%swap3A_61, %swap3A_62] {strides = array<i32>} : memref<128x128xf32, #tpu.memory_space<vmem>>, vector<1x16xf32>,
      %swap3A_64 = vector.shape_cast %swap3A_63 : vector<1x16xf32> to vector<16xf32>
      %swap3A_65 = vector.shape_cast %broadcast_in_dim3A_60 : vector<16xf32> to vector<1x16xf32>
      tpu.vector_store %arg9[%swap3A_61, %swap3A_62], %swap3A_65 {strides = array<i32>} : memref<128x128xf32, #tpu.memory_space<vmem>>, vector<1x16xf32>,
      %broadcast_in_dim3A_66 = arith.constant 0.000000e+00 : f32
      %broadcast_in_dim3A_67 = vector.broadcast %broadcast_in_dim3A_66 : f32 to vector<16xf32>
      %swap3A_68 = arith.index_cast %scan3A_52 : i32 to index
      %swap3A_69 = arith.constant 32 : index
      %swap3A_70 = tpu.vector_load %arg9[%swap3A_68, %swap3A_69] {strides = array<i32>} : memref<128x128xf32, #tpu.memory_space<vmem>>, vector<1x16xf32>,
      %swap3A_71 = vector.shape_cast %swap3A_70 : vector<1x16xf32> to vector<16xf32>
      %swap3A_72 = vector.shape_cast %broadcast_in_dim3A_67 : vector<16xf32> to vector<1x16xf32>
      tpu.vector_store %arg9[%swap3A_68, %swap3A_69], %swap3A_72 {strides = array<i32>} : memref<128x128xf32, #tpu.memory_space<vmem>>, vector<1x16xf32>,
      %broadcast_in_dim3A_73 = arith.constant 0.000000e+00 : f32
      %broadcast_in_dim3A_74 = vector.broadcast %broadcast_in_dim3A_73 : f32 to vector<16xf32>
      %swap3A_75 = arith.index_cast %scan3A_52 : i32 to index
      %swap3A_76 = arith.constant 48 : index
      %swap3A_77 = tpu.vector_load %arg9[%swap3A_75, %swap3A_76] {strides = array<i32>} : memref<128x128xf32, #tpu.memory_space<vmem>>, vector<1x16xf32>,
      %swap3A_78 = vector.shape_cast %swap3A_77 : vector<1x16xf32> to vector<16xf32>
      %swap3A_79 = vector.shape_cast %broadcast_in_dim3A_74 : vector<16xf32> to vector<1x16xf32>
      tpu.vector_store %arg9[%swap3A_75, %swap3A_76], %swap3A_79 {strides = array<i32>} : memref<128x128xf32, #tpu.memory_space<vmem>>, vector<1x16xf32>,
      %broadcast_in_dim3A_80 = arith.constant 0.000000e+00 : f32
      %broadcast_in_dim3A_81 = vector.broadcast %broadcast_in_dim3A_80 : f32 to vector<16xf32>
      %swap3A_82 = arith.index_cast %scan3A_52 : i32 to index
      %swap3A_83 = arith.constant 64 : index
      %swap3A_84 = tpu.vector_load %arg9[%swap3A_82, %swap3A_83] {strides = array<i32>} : memref<128x128xf32, #tpu.memory_space<vmem>>, vector<1x16xf32>,
      %swap3A_85 = vector.shape_cast %swap3A_84 : vector<1x16xf32> to vector<16xf32>
      %swap3A_86 = vector.shape_cast %broadcast_in_dim3A_81 : vector<16xf32> to vector<1x16xf32>
      tpu.vector_store %arg9[%swap3A_82, %swap3A_83], %swap3A_86 {strides = array<i32>} : memref<128x128xf32, #tpu.memory_space<vmem>>, vector<1x16xf32>,
      %broadcast_in_dim3A_87 = arith.constant 0.000000e+00 : f32
      %broadcast_in_dim3A_88 = vector.broadcast %broadcast_in_dim3A_87 : f32 to vector<16xf32>
      %swap3A_89 = arith.index_cast %scan3A_52 : i32 to index
      %swap3A_90 = arith.constant 80 : index
      %swap3A_91 = tpu.vector_load %arg9[%swap3A_89, %swap3A_90] {strides = array<i32>} : memref<128x128xf32, #tpu.memory_space<vmem>>, vector<1x16xf32>,
      %swap3A_92 = vector.shape_cast %swap3A_91 : vector<1x16xf32> to vector<16xf32>
      %swap3A_93 = vector.shape_cast %broadcast_in_dim3A_88 : vector<16xf32> to vector<1x16xf32>
      tpu.vector_store %arg9[%swap3A_89, %swap3A_90], %swap3A_93 {strides = array<i32>} : memref<128x128xf32, #tpu.memory_space<vmem>>, vector<1x16xf32>,
      %broadcast_in_dim3A_94 = arith.constant 0.000000e+00 : f32
      %broadcast_in_dim3A_95 = vector.broadcast %broadcast_in_dim3A_94 : f32 to vector<16xf32>
      %swap3A_96 = arith.index_cast %scan3A_52 : i32 to index
      %swap3A_97 = arith.constant 96 : index
      %swap3A_98 = tpu.vector_load %arg9[%swap3A_96, %swap3A_97] {strides = array<i32>} : memref<128x128xf32, #tpu.memory_space<vmem>>, vector<1x16xf32>,
      %swap3A_99 = vector.shape_cast %swap3A_98 : vector<1x16xf32> to vector<16xf32>
      %swap3A_100 = vector.shape_cast %broadcast_in_dim3A_95 : vector<16xf32> to vector<1x16xf32>
      tpu.vector_store %arg9[%swap3A_96, %swap3A_97], %swap3A_100 {strides = array<i32>} : memref<128x128xf32, #tpu.memory_space<vmem>>, vector<1x16xf32>,
      %broadcast_in_dim3A_101 = arith.constant 0.000000e+00 : f32
      %broadcast_in_dim3A_102 = vector.broadcast %broadcast_in_dim3A_101 : f32 to vector<16xf32>
      %swap3A_103 = arith.index_cast %scan3A_52 : i32 to index
      %swap3A_104 = arith.constant 112 : index
      %swap3A_105 = tpu.vector_load %arg9[%swap3A_103, %swap3A_104] {strides = array<i32>} : memref<128x128xf32, #tpu.memory_space<vmem>>, vector<1x16xf32>,
      %swap3A_106 = vector.shape_cast %swap3A_105 : vector<1x16xf32> to vector<16xf32>
      %swap3A_107 = vector.shape_cast %broadcast_in_dim3A_102 : vector<16xf32> to vector<1x16xf32>
      tpu.vector_store %arg9[%swap3A_103, %swap3A_104], %swap3A_107 {strides = array<i32>} : memref<128x128xf32, #tpu.memory_space<vmem>>, vector<1x16xf32>,
      %scan3A_108 = arith.constant 0 : i32
      scf.yield %scan3A_108 : i32
    }
    %scan3A_6 = arith.constant 128 : i32
    %mul3A_7 = arith.constant 640 : i32
    %mul3A_8 = arith.muli %arg1, %mul3A_7 : i32
    %add3A_9 = arith.constant 0 : i32
    %add3A_10 = arith.addi %mul3A_8, %add3A_9 : i32
    "tpu.region"() ({
      %run_scoped3A = tpu.sem_alloc : memref<!tpu.dma_semaphore, #tpu.memory_space<semaphore_mem>>
      %dma_start3A_52 = arith.constant 0 : i32
      %dma_start3A_53 = tpu.memref_slice %arg20[%add3A_10, %dma_start3A_52] : memref<10240x128xf32, #tpu.memory_space<vmem_shared>> -> memref<128x128xf32, #tpu.memory_space<vmem_shared>>
      %dma_start3A_54 = arith.constant 0 : i32
      %dma_start3A_55 = tpu.memref_slice %arg20[%add3A_10, %dma_start3A_54] : memref<10240x128xf32, #tpu.memory_space<vmem_shared>> -> memref<128x128xf32, #tpu.memory_space<vmem_shared>>
      tpu.enqueue_dma source(%arg9 : memref<128x128xf32, #tpu.memory_space<vmem>>) target(%dma_start3A_55 : memref<128x128xf32, #tpu.memory_space<vmem_shared>>) target_semaphore(%run_scoped3A : memref<!tpu.dma_semaphore, #tpu.memory_space<semaphore_mem>>)
      %dma_wait3A_56 = arith.constant 0 : i32
      %dma_wait3A_57 = tpu.memref_slice %arg20[%add3A_10, %dma_wait3A_56] : memref<10240x128xf32, #tpu.memory_space<vmem_shared>> -> memref<128x128xf32, #tpu.memory_space<vmem_shared>>
      %dma_wait3A_58 = arith.constant 0 : i32
      %dma_wait3A_59 = tpu.memref_slice %arg20[%add3A_10, %dma_wait3A_58] : memref<10240x128xf32, #tpu.memory_space<vmem_shared>> -> memref<128x128xf32, #tpu.memory_space<vmem_shared>>
      tpu.wait_dma2 semaphore(%run_scoped3A : memref<!tpu.dma_semaphore, #tpu.memory_space<semaphore_mem>>) src(%arg9 : memref<128x128xf32, #tpu.memory_space<vmem>>) dst(%dma_wait3A_59 : memref<128x128xf32, #tpu.memory_space<vmem_shared>>)
      tpu.yield
    }) : () -> ()
    %add3A_11 = arith.constant 128 : i32
    %add3A_12 = arith.addi %mul3A_8, %add3A_11 : i32
    "tpu.region"() ({
      %run_scoped3A = tpu.sem_alloc : memref<!tpu.dma_semaphore, #tpu.memory_space<semaphore_mem>>
      %dma_start3A_52 = arith.constant 0 : i32
      %dma_start3A_53 = tpu.memref_slice %arg20[%add3A_12, %dma_start3A_52] : memref<10240x128xf32, #tpu.memory_space<vmem_shared>> -> memref<128x128xf32, #tpu.memory_space<vmem_shared>>
      %dma_start3A_54 = arith.constant 0 : i32
      %dma_start3A_55 = tpu.memref_slice %arg20[%add3A_12, %dma_start3A_54] : memref<10240x128xf32, #tpu.memory_space<vmem_shared>> -> memref<128x128xf32, #tpu.memory_space<vmem_shared>>
      tpu.enqueue_dma source(%arg9 : memref<128x128xf32, #tpu.memory_space<vmem>>) target(%dma_start3A_55 : memref<128x128xf32, #tpu.memory_space<vmem_shared>>) target_semaphore(%run_scoped3A : memref<!tpu.dma_semaphore, #tpu.memory_space<semaphore_mem>>)
      %dma_wait3A_56 = arith.constant 0 : i32
      %dma_wait3A_57 = tpu.memref_slice %arg20[%add3A_12, %dma_wait3A_56] : memref<10240x128xf32, #tpu.memory_space<vmem_shared>> -> memref<128x128xf32, #tpu.memory_space<vmem_shared>>
      %dma_wait3A_58 = arith.constant 0 : i32
      %dma_wait3A_59 = tpu.memref_slice %arg20[%add3A_12, %dma_wait3A_58] : memref<10240x128xf32, #tpu.memory_space<vmem_shared>> -> memref<128x128xf32, #tpu.memory_space<vmem_shared>>
      tpu.wait_dma2 semaphore(%run_scoped3A : memref<!tpu.dma_semaphore, #tpu.memory_space<semaphore_mem>>) src(%arg9 : memref<128x128xf32, #tpu.memory_space<vmem>>) dst(%dma_wait3A_59 : memref<128x128xf32, #tpu.memory_space<vmem_shared>>)
      tpu.yield
    }) : () -> ()
    %add3A_13 = arith.constant 256 : i32
    %add3A_14 = arith.addi %mul3A_8, %add3A_13 : i32
    "tpu.region"() ({
      %run_scoped3A = tpu.sem_alloc : memref<!tpu.dma_semaphore, #tpu.memory_space<semaphore_mem>>
      %dma_start3A_52 = arith.constant 0 : i32
      %dma_start3A_53 = tpu.memref_slice %arg20[%add3A_14, %dma_start3A_52] : memref<10240x128xf32, #tpu.memory_space<vmem_shared>> -> memref<128x128xf32, #tpu.memory_space<vmem_shared>>
      %dma_start3A_54 = arith.constant 0 : i32
      %dma_start3A_55 = tpu.memref_slice %arg20[%add3A_14, %dma_start3A_54] : memref<10240x128xf32, #tpu.memory_space<vmem_shared>> -> memref<128x128xf32, #tpu.memory_space<vmem_shared>>
      tpu.enqueue_dma source(%arg9 : memref<128x128xf32, #tpu.memory_space<vmem>>) target(%dma_start3A_55 : memref<128x128xf32, #tpu.memory_space<vmem_shared>>) target_semaphore(%run_scoped3A : memref<!tpu.dma_semaphore, #tpu.memory_space<semaphore_mem>>)
      %dma_wait3A_56 = arith.constant 0 : i32
      %dma_wait3A_57 = tpu.memref_slice %arg20[%add3A_14, %dma_wait3A_56] : memref<10240x128xf32, #tpu.memory_space<vmem_shared>> -> memref<128x128xf32, #tpu.memory_space<vmem_shared>>
      %dma_wait3A_58 = arith.constant 0 : i32
      %dma_wait3A_59 = tpu.memref_slice %arg20[%add3A_14, %dma_wait3A_58] : memref<10240x128xf32, #tpu.memory_space<vmem_shared>> -> memref<128x128xf32, #tpu.memory_space<vmem_shared>>
      tpu.wait_dma2 semaphore(%run_scoped3A : memref<!tpu.dma_semaphore, #tpu.memory_space<semaphore_mem>>) src(%arg9 : memref<128x128xf32, #tpu.memory_space<vmem>>) dst(%dma_wait3A_59 : memref<128x128xf32, #tpu.memory_space<vmem_shared>>)
      tpu.yield
    }) : () -> ()
    %add3A_15 = arith.constant 384 : i32
    %add3A_16 = arith.addi %mul3A_8, %add3A_15 : i32
    "tpu.region"() ({
      %run_scoped3A = tpu.sem_alloc : memref<!tpu.dma_semaphore, #tpu.memory_space<semaphore_mem>>
      %dma_start3A_52 = arith.constant 0 : i32
      %dma_start3A_53 = tpu.memref_slice %arg20[%add3A_16, %dma_start3A_52] : memref<10240x128xf32, #tpu.memory_space<vmem_shared>> -> memref<128x128xf32, #tpu.memory_space<vmem_shared>>
      %dma_start3A_54 = arith.constant 0 : i32
      %dma_start3A_55 = tpu.memref_slice %arg20[%add3A_16, %dma_start3A_54] : memref<10240x128xf32, #tpu.memory_space<vmem_shared>> -> memref<128x128xf32, #tpu.memory_space<vmem_shared>>
      tpu.enqueue_dma source(%arg9 : memref<128x128xf32, #tpu.memory_space<vmem>>) target(%dma_start3A_55 : memref<128x128xf32, #tpu.memory_space<vmem_shared>>) target_semaphore(%run_scoped3A : memref<!tpu.dma_semaphore, #tpu.memory_space<semaphore_mem>>)
      %dma_wait3A_56 = arith.constant 0 : i32
      %dma_wait3A_57 = tpu.memref_slice %arg20[%add3A_16, %dma_wait3A_56] : memref<10240x128xf32, #tpu.memory_space<vmem_shared>> -> memref<128x128xf32, #tpu.memory_space<vmem_shared>>
      %dma_wait3A_58 = arith.constant 0 : i32
      %dma_wait3A_59 = tpu.memref_slice %arg20[%add3A_16, %dma_wait3A_58] : memref<10240x128xf32, #tpu.memory_space<vmem_shared>> -> memref<128x128xf32, #tpu.memory_space<vmem_shared>>
      tpu.wait_dma2 semaphore(%run_scoped3A : memref<!tpu.dma_semaphore, #tpu.memory_space<semaphore_mem>>) src(%arg9 : memref<128x128xf32, #tpu.memory_space<vmem>>) dst(%dma_wait3A_59 : memref<128x128xf32, #tpu.memory_space<vmem_shared>>)
      tpu.yield
    }) : () -> ()
    %add3A_17 = arith.constant 512 : i32
    %add3A_18 = arith.addi %mul3A_8, %add3A_17 : i32
    "tpu.region"() ({
      %run_scoped3A = tpu.sem_alloc : memref<!tpu.dma_semaphore, #tpu.memory_space<semaphore_mem>>
      %dma_start3A_52 = arith.constant 0 : i32
      %dma_start3A_53 = tpu.memref_slice %arg20[%add3A_18, %dma_start3A_52] : memref<10240x128xf32, #tpu.memory_space<vmem_shared>> -> memref<128x128xf32, #tpu.memory_space<vmem_shared>>
      %dma_start3A_54 = arith.constant 0 : i32
      %dma_start3A_55 = tpu.memref_slice %arg20[%add3A_18, %dma_start3A_54] : memref<10240x128xf32, #tpu.memory_space<vmem_shared>> -> memref<128x128xf32, #tpu.memory_space<vmem_shared>>
      tpu.enqueue_dma source(%arg9 : memref<128x128xf32, #tpu.memory_space<vmem>>) target(%dma_start3A_55 : memref<128x128xf32, #tpu.memory_space<vmem_shared>>) target_semaphore(%run_scoped3A : memref<!tpu.dma_semaphore, #tpu.memory_space<semaphore_mem>>)
      %dma_wait3A_56 = arith.constant 0 : i32
      %dma_wait3A_57 = tpu.memref_slice %arg20[%add3A_18, %dma_wait3A_56] : memref<10240x128xf32, #tpu.memory_space<vmem_shared>> -> memref<128x128xf32, #tpu.memory_space<vmem_shared>>
      %dma_wait3A_58 = arith.constant 0 : i32
      %dma_wait3A_59 = tpu.memref_slice %arg20[%add3A_18, %dma_wait3A_58] : memref<10240x128xf32, #tpu.memory_space<vmem_shared>> -> memref<128x128xf32, #tpu.memory_space<vmem_shared>>
      tpu.wait_dma2 semaphore(%run_scoped3A : memref<!tpu.dma_semaphore, #tpu.memory_space<semaphore_mem>>) src(%arg9 : memref<128x128xf32, #tpu.memory_space<vmem>>) dst(%dma_wait3A_59 : memref<128x128xf32, #tpu.memory_space<vmem_shared>>)
      tpu.yield
    }) : () -> ()
    %barrier3A = arith.constant 0 : index
    tpu.barrier barrier_id(%barrier3A)
    %mul3A_19 = arith.constant 10000 : i32
    %mul3A_20 = arith.muli %add3A, %mul3A_19 : i32
    "tpu.region"() ({
      %run_scoped3A = tpu.sem_alloc : memref<!tpu.dma_semaphore, #tpu.memory_space<semaphore_mem>>
      %dma_start3A_52 = tpu.memref_slice %arg3[%mul3A_20] : memref<640000xi32, #tpu.memory_space<hbm>> -> memref<128xi32, #tpu.memory_space<hbm>>
      %dma_start3A_53 = tpu.memref_slice %arg3[%mul3A_20] : memref<640000xi32, #tpu.memory_space<hbm>> -> memref<128xi32, #tpu.memory_space<hbm>>
      tpu.enqueue_dma source(%dma_start3A_53 : memref<128xi32, #tpu.memory_space<hbm>>) target(%arg5 : memref<128xi32, #tpu.memory_space<vmem>>) target_semaphore(%run_scoped3A : memref<!tpu.dma_semaphore, #tpu.memory_space<semaphore_mem>>)
      %dma_wait3A_54 = tpu.memref_slice %arg3[%mul3A_20] : memref<640000xi32, #tpu.memory_space<hbm>> -> memref<128xi32, #tpu.memory_space<hbm>>
      %dma_wait3A_55 = tpu.memref_slice %arg3[%mul3A_20] : memref<640000xi32, #tpu.memory_space<hbm>> -> memref<128xi32, #tpu.memory_space<hbm>>
      tpu.wait_dma2 semaphore(%run_scoped3A : memref<!tpu.dma_semaphore, #tpu.memory_space<semaphore_mem>>) src(%dma_wait3A_55 : memref<128xi32, #tpu.memory_space<hbm>>) dst(%arg5 : memref<128xi32, #tpu.memory_space<vmem>>)
      tpu.yield
    }) : () -> ()
    %add3A_21 = arith.constant 320000 : i32
    %add3A_22 = arith.addi %add3A_21, %mul3A_20 : i32
    "tpu.region"() ({
      %run_scoped3A = tpu.sem_alloc : memref<!tpu.dma_semaphore, #tpu.memory_space<semaphore_mem>>
      %dma_start3A_52 = tpu.memref_slice %arg3[%add3A_22] : memref<640000xi32, #tpu.memory_space<hbm>> -> memref<128xi32, #tpu.memory_space<hbm>>
      %dma_start3A_53 = tpu.memref_slice %arg3[%add3A_22] : memref<640000xi32, #tpu.memory_space<hbm>> -> memref<128xi32, #tpu.memory_space<hbm>>
      tpu.enqueue_dma source(%dma_start3A_53 : memref<128xi32, #tpu.memory_space<hbm>>) target(%arg6 : memref<128xi32, #tpu.memory_space<vmem>>) target_semaphore(%run_scoped3A : memref<!tpu.dma_semaphore, #tpu.memory_space<semaphore_mem>>)
      %dma_wait3A_54 = tpu.memref_slice %arg3[%add3A_22] : memref<640000xi32, #tpu.memory_space<hbm>> -> memref<128xi32, #tpu.memory_space<hbm>>
      %dma_wait3A_55 = tpu.memref_slice %arg3[%add3A_22] : memref<640000xi32, #tpu.memory_space<hbm>> -> memref<128xi32, #tpu.memory_space<hbm>>
      tpu.wait_dma2 semaphore(%run_scoped3A : memref<!tpu.dma_semaphore, #tpu.memory_space<semaphore_mem>>) src(%dma_wait3A_55 : memref<128xi32, #tpu.memory_space<hbm>>) dst(%arg6 : memref<128xi32, #tpu.memory_space<vmem>>)
      tpu.yield
    }) : () -> ()
    %dma_start3A = arith.constant 0 : i32
    %dma_start3A_23 = arith.constant 0 : i32
    %dma_start3A_24 = tpu.memref_slice %arg2[%dma_start3A, %dma_start3A_23] : memref<10240x128xf32, #tpu.memory_space<hbm>> -> memref<10240x128xf32, #tpu.memory_space<hbm>>
    tpu.enqueue_indirect_dma source(%dma_start3A_24 : memref<10240x128xf32, #tpu.memory_space<hbm>>) target(%arg9 : memref<128x128xf32, #tpu.memory_space<vmem>>) offsets(%arg5 : memref<128xi32, #tpu.memory_space<vmem>>) semaphore(%arg18 : memref<!tpu.dma_semaphore, #tpu.memory_space<semaphore_mem>>)
    %add3A_25 = arith.constant 128 : i32
    %add3A_26 = arith.addi %mul3A_20, %add3A_25 : i32
    %dma_start3A_27 = tpu.memref_slice %arg3[%add3A_26] : memref<640000xi32, #tpu.memory_space<hbm>> -> memref<128xi32, #tpu.memory_space<hbm>>
    %dma_start3A_28 = tpu.memref_slice %arg3[%add3A_26] : memref<640000xi32, #tpu.memory_space<hbm>> -> memref<128xi32, #tpu.memory_space<hbm>>
    tpu.enqueue_dma source(%dma_start3A_28 : memref<128xi32, #tpu.memory_space<hbm>>) target(%arg7 : memref<128xi32, #tpu.memory_space<vmem>>) target_semaphore(%arg16 : memref<!tpu.dma_semaphore, #tpu.memory_space<semaphore_mem>>)
    %add3A_29 = arith.constant 320000 : i32
    %add3A_30 = arith.addi %add3A_29, %mul3A_20 : i32
    %add3A_31 = arith.constant 128 : i32
    %add3A_32 = arith.addi %add3A_30, %add3A_31 : i32
    %dma_start3A_33 = tpu.memref_slice %arg3[%add3A_32] : memref<640000xi32, #tpu.memory_space<hbm>> -> memref<128xi32, #tpu.memory_space<hbm>>
    %dma_start3A_34 = tpu.memref_slice %arg3[%add3A_32] : memref<640000xi32, #tpu.memory_space<hbm>> -> memref<128xi32, #tpu.memory_space<hbm>>
    tpu.enqueue_dma source(%dma_start3A_34 : memref<128xi32, #tpu.memory_space<hbm>>) target(%arg8 : memref<128xi32, #tpu.memory_space<vmem>>) target_semaphore(%arg17 : memref<!tpu.dma_semaphore, #tpu.memory_space<semaphore_mem>>)
    %scan3A_35 = arith.constant 0 : i32
    %scan3A_36 = arith.constant 0 : i32
    %scan3A_37 = arith.constant 39 : i32
    %scan3A_38 = arith.addi %scan3A_36, %scan3A_37 : i32
    %scan3A_39 = arith.constant 1 : i32
    %scan3A_40 = scf.for %scan3A_52 = %scan3A_36 to %scan3A_38 step %scan3A_39 iter_args(%scan3A_53 = %scan3A_35) -> (i32)  : i32 {
      %mul3A_54 = arith.constant 2 : i32
      %mul3A_55 = arith.muli %mul3A_54, %scan3A_52 : i32
      %add3A_56 = arith.constant 2 : i32
      %add3A_57 = arith.addi %mul3A_55, %add3A_56 : i32
      %mul3A_58 = arith.constant 128 : i32
      %mul3A_59 = arith.muli %add3A_57, %mul3A_58 : i32
      %add3A_60 = arith.addi %mul3A_20, %mul3A_59 : i32
      %mul3A_61 = arith.constant 2 : i32
      %mul3A_62 = arith.muli %mul3A_61, %scan3A_52 : i32
      %add3A_63 = arith.constant 3 : i32
      %add3A_64 = arith.addi %mul3A_62, %add3A_63 : i32
      %mul3A_65 = arith.constant 128 : i32
      %mul3A_66 = arith.muli %add3A_64, %mul3A_65 : i32
      %add3A_67 = arith.addi %mul3A_20, %mul3A_66 : i32
      %dma_wait3A_68 = arith.constant 0 : i32
      %dma_wait3A_69 = tpu.memref_slice %arg3[%dma_wait3A_68] : memref<640000xi32, #tpu.memory_space<hbm>> -> memref<128xi32, #tpu.memory_space<hbm>>
      %dma_wait3A_70 = arith.constant 0 : i32
      %dma_wait3A_71 = tpu.memref_slice %arg3[%dma_wait3A_70] : memref<640000xi32, #tpu.memory_space<hbm>> -> memref<128xi32, #tpu.memory_space<hbm>>
      tpu.wait_dma2 semaphore(%arg16 : memref<!tpu.dma_semaphore, #tpu.memory_space<semaphore_mem>>) src(%dma_wait3A_71 : memref<128xi32, #tpu.memory_space<hbm>>) dst(%arg7 : memref<128xi32, #tpu.memory_space<vmem>>)
      %dma_wait3A_72 = arith.constant 0 : i32
      %dma_wait3A_73 = tpu.memref_slice %arg3[%dma_wait3A_72] : memref<640000xi32, #tpu.memory_space<hbm>> -> memref<128xi32, #tpu.memory_space<hbm>>
      %dma_wait3A_74 = arith.constant 0 : i32
      %dma_wait3A_75 = tpu.memref_slice %arg3[%dma_wait3A_74] : memref<640000xi32, #tpu.memory_space<hbm>> -> memref<128xi32, #tpu.memory_space<hbm>>
      tpu.wait_dma2 semaphore(%arg17 : memref<!tpu.dma_semaphore, #tpu.memory_space<semaphore_mem>>) src(%dma_wait3A_75 : memref<128xi32, #tpu.memory_space<hbm>>) dst(%arg8 : memref<128xi32, #tpu.memory_space<vmem>>)
      %dma_start3A_76 = arith.constant 0 : i32
      %dma_start3A_77 = arith.constant 0 : i32
      %dma_start3A_78 = tpu.memref_slice %arg2[%dma_start3A_76, %dma_start3A_77] : memref<10240x128xf32, #tpu.memory_space<hbm>> -> memref<10240x128xf32, #tpu.memory_space<hbm>>
      tpu.enqueue_indirect_dma source(%dma_start3A_78 : memref<10240x128xf32, #tpu.memory_space<hbm>>) target(%arg10 : memref<128x128xf32, #tpu.memory_space<vmem>>) offsets(%arg7 : memref<128xi32, #tpu.memory_space<vmem>>) semaphore(%arg19 : memref<!tpu.dma_semaphore, #tpu.memory_space<semaphore_mem>>)
      %dma_wait3A_79 = arith.constant 0 : i32
      %dma_wait3A_80 = arith.constant 0 : i32
      %dma_wait3A_81 = tpu.memref_slice %arg2[%dma_wait3A_79, %dma_wait3A_80] : memref<10240x128xf32, #tpu.memory_space<hbm>> -> memref<10240x128xf32, #tpu.memory_space<hbm>>
      tpu.wait_indirect_dma semaphore(%arg18 : memref<!tpu.dma_semaphore, #tpu.memory_space<semaphore_mem>>) src(%dma_wait3A_81 : memref<10240x128xf32, #tpu.memory_space<hbm>>) dst(%arg9 : memref<128x128xf32, #tpu.memory_space<vmem>>)
      "tpu.region"() ({
        %run_scoped3A = tpu.sem_alloc : memref<!tpu.dma_semaphore, #tpu.memory_space<semaphore_mem>>
        %dma_start3A_93 = arith.constant 0 : i32
        %dma_start3A_94 = arith.constant 0 : i32
        %dma_start3A_95 = tpu.memref_slice %arg20[%dma_start3A_93, %dma_start3A_94] : memref<10240x128xf32, #tpu.memory_space<vmem_shared>> -> memref<10240x128xf32, #tpu.memory_space<vmem_shared>>
        tpu.enqueue_indirect_dma source(%arg9 : memref<128x128xf32, #tpu.memory_space<vmem>>) target(%dma_start3A_95 : memref<10240x128xf32, #tpu.memory_space<vmem_shared>>) offsets(%arg6 : memref<128xi32, #tpu.memory_space<vmem>>) semaphore(%run_scoped3A : memref<!tpu.dma_semaphore, #tpu.memory_space<semaphore_mem>>) {add = true}
        %dma_wait3A_96 = arith.constant 0 : i32
        %dma_wait3A_97 = arith.constant 0 : i32
        %dma_wait3A_98 = tpu.memref_slice %arg20[%dma_wait3A_96, %dma_wait3A_97] : memref<10240x128xf32, #tpu.memory_space<vmem_shared>> -> memref<10240x128xf32, #tpu.memory_space<vmem_shared>>
        tpu.wait_indirect_dma semaphore(%run_scoped3A : memref<!tpu.dma_semaphore, #tpu.memory_space<semaphore_mem>>) src(%arg9 : memref<128x128xf32, #tpu.memory_space<vmem>>) dst(%dma_wait3A_98 : memref<10240x128xf32, #tpu.memory_space<vmem_shared>>)
        tpu.yield
      }) : () -> ()
      %lt3A = arith.constant 38 : i32
      %lt3A_82 = arith.cmpi slt, %scan3A_52, %lt3A : i32
      %convert_element_type3A = arith.extui %lt3A_82 : i1 to i32
      %cond3A = arith.constant 0 : i32
      %cond3A_83 = arith.cmpi ne, %convert_element_type3A, %cond3A : i32
      scf.if %cond3A_83 {
        %dma_start3A_93 = tpu.memref_slice %arg3[%add3A_60] : memref<640000xi32, #tpu.memory_space<hbm>> -> memref<128xi32, #tpu.memory_space<hbm>>
        %dma_start3A_94 = tpu.memref_slice %arg3[%add3A_60] : memref<640000xi32, #tpu.memory_space<hbm>> -> memref<128xi32, #tpu.memory_space<hbm>>
        tpu.enqueue_dma source(%dma_start3A_94 : memref<128xi32, #tpu.memory_space<hbm>>) target(%arg5 : memref<128xi32, #tpu.memory_space<vmem>>) target_semaphore(%arg14 : memref<!tpu.dma_semaphore, #tpu.memory_space<semaphore_mem>>)
        %add3A_95 = arith.constant 320000 : i32
        %add3A_96 = arith.addi %add3A_95, %add3A_60 : i32
        %dma_start3A_97 = tpu.memref_slice %arg3[%add3A_96] : memref<640000xi32, #tpu.memory_space<hbm>> -> memref<128xi32, #tpu.memory_space<hbm>>
        %dma_start3A_98 = tpu.memref_slice %arg3[%add3A_96] : memref<640000xi32, #tpu.memory_space<hbm>> -> memref<128xi32, #tpu.memory_space<hbm>>
        tpu.enqueue_dma source(%dma_start3A_98 : memref<128xi32, #tpu.memory_space<hbm>>) target(%arg6 : memref<128xi32, #tpu.memory_space<vmem>>) target_semaphore(%arg15 : memref<!tpu.dma_semaphore, #tpu.memory_space<semaphore_mem>>)
      } else {
      }
      %dma_wait3A_84 = arith.constant 0 : i32
      %dma_wait3A_85 = arith.constant 0 : i32
      %dma_wait3A_86 = tpu.memref_slice %arg2[%dma_wait3A_84, %dma_wait3A_85] : memref<10240x128xf32, #tpu.memory_space<hbm>> -> memref<10240x128xf32, #tpu.memory_space<hbm>>
      tpu.wait_indirect_dma semaphore(%arg19 : memref<!tpu.dma_semaphore, #tpu.memory_space<semaphore_mem>>) src(%dma_wait3A_86 : memref<10240x128xf32, #tpu.memory_space<hbm>>) dst(%arg10 : memref<128x128xf32, #tpu.memory_space<vmem>>)
      "tpu.region"() ({
        %run_scoped3A = tpu.sem_alloc : memref<!tpu.dma_semaphore, #tpu.memory_space<semaphore_mem>>
        %dma_start3A_93 = arith.constant 0 : i32
        %dma_start3A_94 = arith.constant 0 : i32
        %dma_start3A_95 = tpu.memref_slice %arg20[%dma_start3A_93, %dma_start3A_94] : memref<10240x128xf32, #tpu.memory_space<vmem_shared>> -> memref<10240x128xf32, #tpu.memory_space<vmem_shared>>
        tpu.enqueue_indirect_dma source(%arg10 : memref<128x128xf32, #tpu.memory_space<vmem>>) target(%dma_start3A_95 : memref<10240x128xf32, #tpu.memory_space<vmem_shared>>) offsets(%arg8 : memref<128xi32, #tpu.memory_space<vmem>>) semaphore(%run_scoped3A : memref<!tpu.dma_semaphore, #tpu.memory_space<semaphore_mem>>) {add = true}
        %dma_wait3A_96 = arith.constant 0 : i32
        %dma_wait3A_97 = arith.constant 0 : i32
        %dma_wait3A_98 = tpu.memref_slice %arg20[%dma_wait3A_96, %dma_wait3A_97] : memref<10240x128xf32, #tpu.memory_space<vmem_shared>> -> memref<10240x128xf32, #tpu.memory_space<vmem_shared>>
        tpu.wait_indirect_dma semaphore(%run_scoped3A : memref<!tpu.dma_semaphore, #tpu.memory_space<semaphore_mem>>) src(%arg10 : memref<128x128xf32, #tpu.memory_space<vmem>>) dst(%dma_wait3A_98 : memref<10240x128xf32, #tpu.memory_space<vmem_shared>>)
        tpu.yield
      }) : () -> ()
      %lt3A_87 = arith.constant 38 : i32
      %lt3A_88 = arith.cmpi slt, %scan3A_52, %lt3A_87 : i32
      %convert_element_type3A_89 = arith.extui %lt3A_88 : i1 to i32
      %cond3A_90 = arith.constant 0 : i32
      %cond3A_91 = arith.cmpi ne, %convert_element_type3A_89, %cond3A_90 : i32
      scf.if %cond3A_91 {
        %dma_wait3A_93 = arith.constant 0 : i32
        %dma_wait3A_94 = tpu.memref_slice %arg3[%dma_wait3A_93] : memref<640000xi32, #tpu.memory_space<hbm>> -> memref<128xi32, #tpu.memory_space<hbm>>
        %dma_wait3A_95 = arith.constant 0 : i32
        %dma_wait3A_96 = tpu.memref_slice %arg3[%dma_wait3A_95] : memref<640000xi32, #tpu.memory_space<hbm>> -> memref<128xi32, #tpu.memory_space<hbm>>
        tpu.wait_dma2 semaphore(%arg14 : memref<!tpu.dma_semaphore, #tpu.memory_space<semaphore_mem>>) src(%dma_wait3A_96 : memref<128xi32, #tpu.memory_space<hbm>>) dst(%arg5 : memref<128xi32, #tpu.memory_space<vmem>>)
        %dma_wait3A_97 = arith.constant 0 : i32
        %dma_wait3A_98 = tpu.memref_slice %arg3[%dma_wait3A_97] : memref<640000xi32, #tpu.memory_space<hbm>> -> memref<128xi32, #tpu.memory_space<hbm>>
        %dma_wait3A_99 = arith.constant 0 : i32
        %dma_wait3A_100 = tpu.memref_slice %arg3[%dma_wait3A_99] : memref<640000xi32, #tpu.memory_space<hbm>> -> memref<128xi32, #tpu.memory_space<hbm>>
        tpu.wait_dma2 semaphore(%arg15 : memref<!tpu.dma_semaphore, #tpu.memory_space<semaphore_mem>>) src(%dma_wait3A_100 : memref<128xi32, #tpu.memory_space<hbm>>) dst(%arg6 : memref<128xi32, #tpu.memory_space<vmem>>)
        %dma_start3A_101 = arith.constant 0 : i32
        %dma_start3A_102 = arith.constant 0 : i32
        %dma_start3A_103 = tpu.memref_slice %arg2[%dma_start3A_101, %dma_start3A_102] : memref<10240x128xf32, #tpu.memory_space<hbm>> -> memref<10240x128xf32, #tpu.memory_space<hbm>>
        tpu.enqueue_indirect_dma source(%dma_start3A_103 : memref<10240x128xf32, #tpu.memory_space<hbm>>) target(%arg9 : memref<128x128xf32, #tpu.memory_space<vmem>>) offsets(%arg5 : memref<128xi32, #tpu.memory_space<vmem>>) semaphore(%arg18 : memref<!tpu.dma_semaphore, #tpu.memory_space<semaphore_mem>>)
        %dma_start3A_104 = tpu.memref_slice %arg3[%add3A_67] : memref<640000xi32, #tpu.memory_space<hbm>> -> memref<128xi32, #tpu.memory_space<hbm>>
        %dma_start3A_105 = tpu.memref_slice %arg3[%add3A_67] : memref<640000xi32, #tpu.memory_space<hbm>> -> memref<128xi32, #tpu.memory_space<hbm>>
        tpu.enqueue_dma source(%dma_start3A_105 : memref<128xi32, #tpu.memory_space<hbm>>) target(%arg7 : memref<128xi32, #tpu.memory_space<vmem>>) target_semaphore(%arg16 : memref<!tpu.dma_semaphore, #tpu.memory_space<semaphore_mem>>)
        %add3A_106 = arith.constant 320000 : i32
        %add3A_107 = arith.addi %add3A_106, %add3A_67 : i32
        %dma_start3A_108 = tpu.memref_slice %arg3[%add3A_107] : memref<640000xi32, #tpu.memory_space<hbm>> -> memref<128xi32, #tpu.memory_space<hbm>>
        %dma_start3A_109 = tpu.memref_slice %arg3[%add3A_107] : memref<640000xi32, #tpu.memory_space<hbm>> -> memref<128xi32, #tpu.memory_space<hbm>>
        tpu.enqueue_dma source(%dma_start3A_109 : memref<128xi32, #tpu.memory_space<hbm>>) target(%arg8 : memref<128xi32, #tpu.memory_space<vmem>>) target_semaphore(%arg17 : memref<!tpu.dma_semaphore, #tpu.memory_space<semaphore_mem>>)
      } else {
      }
      %scan3A_92 = arith.constant 0 : i32
      scf.yield %scan3A_92 : i32
    }
    %scan3A_41 = arith.constant 39 : i32
    %add3A_42 = arith.constant 9984 : i32
    %add3A_43 = arith.addi %mul3A_20, %add3A_42 : i32
    "tpu.region"() ({
      %run_scoped3A = tpu.sem_alloc : memref<!tpu.dma_semaphore, #tpu.memory_space<semaphore_mem>>
      %dma_start3A_52 = tpu.memref_slice %arg3[%add3A_43] : memref<640000xi32, #tpu.memory_space<hbm>> -> memref<16xi32, #tpu.memory_space<hbm>>
      %dma_start3A_53 = tpu.memref_slice %arg3[%add3A_43] : memref<640000xi32, #tpu.memory_space<hbm>> -> memref<16xi32, #tpu.memory_space<hbm>>
      tpu.enqueue_dma source(%dma_start3A_53 : memref<16xi32, #tpu.memory_space<hbm>>) target(%arg11 : memref<16xi32, #tpu.memory_space<vmem>>) target_semaphore(%run_scoped3A : memref<!tpu.dma_semaphore, #tpu.memory_space<semaphore_mem>>)
      %dma_wait3A_54 = tpu.memref_slice %arg3[%add3A_43] : memref<640000xi32, #tpu.memory_space<hbm>> -> memref<16xi32, #tpu.memory_space<hbm>>
      %dma_wait3A_55 = tpu.memref_slice %arg3[%add3A_43] : memref<640000xi32, #tpu.memory_space<hbm>> -> memref<16xi32, #tpu.memory_space<hbm>>
      tpu.wait_dma2 semaphore(%run_scoped3A : memref<!tpu.dma_semaphore, #tpu.memory_space<semaphore_mem>>) src(%dma_wait3A_55 : memref<16xi32, #tpu.memory_space<hbm>>) dst(%arg11 : memref<16xi32, #tpu.memory_space<vmem>>)
      tpu.yield
    }) : () -> ()
    %add3A_44 = arith.constant 320000 : i32
    %add3A_45 = arith.addi %add3A_44, %add3A_43 : i32
    "tpu.region"() ({
      %run_scoped3A = tpu.sem_alloc : memref<!tpu.dma_semaphore, #tpu.memory_space<semaphore_mem>>
      %dma_start3A_52 = tpu.memref_slice %arg3[%add3A_45] : memref<640000xi32, #tpu.memory_space<hbm>> -> memref<16xi32, #tpu.memory_space<hbm>>
      %dma_start3A_53 = tpu.memref_slice %arg3[%add3A_45] : memref<640000xi32, #tpu.memory_space<hbm>> -> memref<16xi32, #tpu.memory_space<hbm>>
      tpu.enqueue_dma source(%dma_start3A_53 : memref<16xi32, #tpu.memory_space<hbm>>) target(%arg12 : memref<16xi32, #tpu.memory_space<vmem>>) target_semaphore(%run_scoped3A : memref<!tpu.dma_semaphore, #tpu.memory_space<semaphore_mem>>)
      %dma_wait3A_54 = tpu.memref_slice %arg3[%add3A_45] : memref<640000xi32, #tpu.memory_space<hbm>> -> memref<16xi32, #tpu.memory_space<hbm>>
      %dma_wait3A_55 = tpu.memref_slice %arg3[%add3A_45] : memref<640000xi32, #tpu.memory_space<hbm>> -> memref<16xi32, #tpu.memory_space<hbm>>
      tpu.wait_dma2 semaphore(%run_scoped3A : memref<!tpu.dma_semaphore, #tpu.memory_space<semaphore_mem>>) src(%dma_wait3A_55 : memref<16xi32, #tpu.memory_space<hbm>>) dst(%arg12 : memref<16xi32, #tpu.memory_space<vmem>>)
      tpu.yield
    }) : () -> ()
    %dma_start3A_46 = arith.constant 0 : i32
    %dma_start3A_47 = arith.constant 0 : i32
    %dma_start3A_48 = tpu.memref_slice %arg2[%dma_start3A_46, %dma_start3A_47] : memref<10240x128xf32, #tpu.memory_space<hbm>> -> memref<10240x128xf32, #tpu.memory_space<hbm>>
    tpu.enqueue_indirect_dma source(%dma_start3A_48 : memref<10240x128xf32, #tpu.memory_space<hbm>>) target(%arg13 : memref<16x128xf32, #tpu.memory_space<vmem>>) offsets(%arg11 : memref<16xi32, #tpu.memory_space<vmem>>) semaphore(%arg18 : memref<!tpu.dma_semaphore, #tpu.memory_space<semaphore_mem>>)
    %dma_wait3A = arith.constant 0 : i32
    %dma_wait3A_49 = arith.constant 0 : i32
    %dma_wait3A_50 = tpu.memref_slice %arg2[%dma_wait3A, %dma_wait3A_49] : memref<10240x128xf32, #tpu.memory_space<hbm>> -> memref<10240x128xf32, #tpu.memory_space<hbm>>
    tpu.wait_indirect_dma semaphore(%arg18 : memref<!tpu.dma_semaphore, #tpu.memory_space<semaphore_mem>>) src(%dma_wait3A_50 : memref<10240x128xf32, #tpu.memory_space<hbm>>) dst(%arg13 : memref<16x128xf32, #tpu.memory_space<vmem>>)
    "tpu.region"() ({
      %run_scoped3A = tpu.sem_alloc : memref<!tpu.dma_semaphore, #tpu.memory_space<semaphore_mem>>
      %dma_start3A_52 = arith.constant 0 : i32
      %dma_start3A_53 = arith.constant 0 : i32
      %dma_start3A_54 = tpu.memref_slice %arg20[%dma_start3A_52, %dma_start3A_53] : memref<10240x128xf32, #tpu.memory_space<vmem_shared>> -> memref<10240x128xf32, #tpu.memory_space<vmem_shared>>
      tpu.enqueue_indirect_dma source(%arg13 : memref<16x128xf32, #tpu.memory_space<vmem>>) target(%dma_start3A_54 : memref<10240x128xf32, #tpu.memory_space<vmem_shared>>) offsets(%arg12 : memref<16xi32, #tpu.memory_space<vmem>>) semaphore(%run_scoped3A : memref<!tpu.dma_semaphore, #tpu.memory_space<semaphore_mem>>) {add = true}
      %dma_wait3A_55 = arith.constant 0 : i32
      %dma_wait3A_56 = arith.constant 0 : i32
      %dma_wait3A_57 = tpu.memref_slice %arg20[%dma_wait3A_55, %dma_wait3A_56] : memref<10240x128xf32, #tpu.memory_space<vmem_shared>> -> memref<10240x128xf32, #tpu.memory_space<vmem_shared>>
      tpu.wait_indirect_dma semaphore(%run_scoped3A : memref<!tpu.dma_semaphore, #tpu.memory_space<semaphore_mem>>) src(%arg13 : memref<16x128xf32, #tpu.memory_space<vmem>>) dst(%dma_wait3A_57 : memref<10240x128xf32, #tpu.memory_space<vmem_shared>>)
      tpu.yield
    }) : () -> ()
    %barrier3A_51 = arith.constant 0 : index
    tpu.barrier barrier_id(%barrier3A_51)
    "tpu.region"() ({
      %run_scoped3A = tpu.sem_alloc : memref<!tpu.dma_semaphore, #tpu.memory_space<semaphore_mem>>
      %dma_start3A_52 = arith.constant 0 : i32
      %dma_start3A_53 = tpu.memref_slice %arg4[%arg0, %mul3A_8, %dma_start3A_52] : memref<2x10240x128xf32, #tpu.memory_space<hbm>> -> memref<1x640x128xf32, #tpu.memory_space<hbm>>
      %dma_start3A_54 = tpu.memref_squeeze %dma_start3A_53 : memref<1x640x128xf32, #tpu.memory_space<hbm>> -> memref<640x128xf32, #tpu.memory_space<hbm>>
      %dma_start3A_55 = arith.constant 0 : i32
      %dma_start3A_56 = tpu.memref_slice %arg20[%mul3A_8, %dma_start3A_55] : memref<10240x128xf32, #tpu.memory_space<vmem_shared>> -> memref<640x128xf32, #tpu.memory_space<vmem_shared>>
      tpu.enqueue_dma source(%dma_start3A_56 : memref<640x128xf32, #tpu.memory_space<vmem_shared>>) target(%dma_start3A_54 : memref<640x128xf32, #tpu.memory_space<hbm>>) target_semaphore(%run_scoped3A : memref<!tpu.dma_semaphore, #tpu.memory_space<semaphore_mem>>)
      %dma_wait3A_57 = arith.constant 0 : i32
      %dma_wait3A_58 = tpu.memref_slice %arg4[%arg0, %mul3A_8, %dma_wait3A_57] : memref<2x10240x128xf32, #tpu.memory_space<hbm>> -> memref<1x640x128xf32, #tpu.memory_space<hbm>>
      %dma_wait3A_59 = tpu.memref_squeeze %dma_wait3A_58 : memref<1x640x128xf32, #tpu.memory_space<hbm>> -> memref<640x128xf32, #tpu.memory_space<hbm>>
      %dma_wait3A_60 = arith.constant 0 : i32
      %dma_wait3A_61 = tpu.memref_slice %arg20[%mul3A_8, %dma_wait3A_60] : memref<10240x128xf32, #tpu.memory_space<vmem_shared>> -> memref<640x128xf32, #tpu.memory_space<vmem_shared>>
      tpu.wait_dma2 semaphore(%run_scoped3A : memref<!tpu.dma_semaphore, #tpu.memory_space<semaphore_mem>>) src(%dma_wait3A_61 : memref<640x128xf32, #tpu.memory_space<vmem_shared>>) dst(%dma_wait3A_59 : memref<640x128xf32, #tpu.memory_space<hbm>>)
      tpu.yield
    }) : () -> ()
    return
  }
}

module attributes {stable_mosaic.version = 14 : i64} {
  func.func @_tc_a_body(%arg0: i32, %arg1: memref<1024x128xf32, #tpu.memory_space<vmem>>, %arg2: memref<128x128xf32, #tpu.memory_space<vmem>>, %arg3: memref<1024x128xf32, #tpu.memory_space<vmem>>, %arg4: memref<1024x128xf32, #tpu.memory_space<vmem>>, %arg5: memref<1024x128xf32, #tpu.memory_space<vmem>>) attributes {dimension_semantics = [#tpu.dimension_semantics<arbitrary>], iteration_bounds = array<i64: 10>, scalar_prefetch = 0 : i64, scratch_operands = 0 : i64, tpu.core_type = #tpu.core_type<tc>, window_params = [{transform_indices = @transform_0, window_bounds = array<i64: 1024, 128>}, {pipeline_mode = #tpu.pipeline_mode<synchronous>, transform_indices = @transform_1, window_bounds = array<i64: 128, 128>}, {transform_indices = @transform_2, window_bounds = array<i64: 1024, 128>}, {transform_indices = @transform_3, window_bounds = array<i64: 1024, 128>}, {transform_indices = @transform_4, window_bounds = array<i64: 1024, 128>}]} {
    %get3A = arith.constant 0 : index
    %get3A_0 = arith.constant 0 : index
    %get3A_1 = vector.load %arg3[%get3A, %get3A_0] : memref<1024x128xf32, #tpu.memory_space<vmem>>, vector<1024x128xf32>
    %rsqrt3A = math.rsqrt %get3A_1 : vector<1024x128xf32>
    %get3A_2 = arith.constant 0 : index
    %get3A_3 = arith.constant 0 : index
    %get3A_4 = vector.load %arg1[%get3A_2, %get3A_3] : memref<1024x128xf32, #tpu.memory_space<vmem>>, vector<1024x128xf32>
    %get3A_5 = arith.constant 0 : index
    %get3A_6 = arith.constant 0 : index
    %get3A_7 = vector.load %arg2[%get3A_5, %get3A_6] : memref<128x128xf32, #tpu.memory_space<vmem>>, vector<128x128xf32>
    %dot_general3A = arith.constant dense<0.000000e+00> : vector<1024x128xf32>
    %dot_general3A_8 = tpu.matmul %get3A_4, %get3A_7, %dot_general3A {dimension_numbers = #tpu.dot_dimension_numbers<[1], [0], [0], [1], [0, 0, 1, 1], [], []>, transpose_lhs_hint = false} : vector<1024x128xf32>, vector<128x128xf32>, vector<1024x128xf32> -> vector<1024x128xf32>
    %mul3A = arith.mulf %dot_general3A_8, %rsqrt3A : vector<1024x128xf32>
    %swap3A = arith.constant 0 : index
    %swap3A_9 = arith.constant 0 : index
    %swap3A_10 = vector.load %arg4[%swap3A, %swap3A_9] : memref<1024x128xf32, #tpu.memory_space<vmem>>, vector<1024x128xf32>
    tpu.vector_store %arg4[%swap3A, %swap3A_9], %mul3A {strides = array<i32>} : memref<1024x128xf32, #tpu.memory_space<vmem>>, vector<1024x128xf32>,
    %swap3A_11 = arith.constant 0 : index
    %swap3A_12 = arith.constant 0 : index
    %swap3A_13 = vector.load %arg5[%swap3A_11, %swap3A_12] : memref<1024x128xf32, #tpu.memory_space<vmem>>, vector<1024x128xf32>
    tpu.vector_store %arg5[%swap3A_11, %swap3A_12], %rsqrt3A {strides = array<i32>} : memref<1024x128xf32, #tpu.memory_space<vmem>>, vector<1024x128xf32>,
    return
  }
  func.func @transform_0(%arg0: i32) -> (i32, i32) {
    %c0_i32 = arith.constant 0 : i32
    %c0_i32_0 = arith.constant 0 : i32
    return %arg0, %c0_i32 : i32, i32
  }
  func.func @transform_1(%arg0: i32) -> (i32, i32) {
    %c0_i32 = arith.constant 0 : i32
    %c0_i32_0 = arith.constant 0 : i32
    %c0_i32_1 = arith.constant 0 : i32
    return %c0_i32, %c0_i32_0 : i32, i32
  }
  func.func @transform_2(%arg0: i32) -> (i32, i32) {
    %c0_i32 = arith.constant 0 : i32
    %c0_i32_0 = arith.constant 0 : i32
    return %arg0, %c0_i32 : i32, i32
  }
  func.func @transform_3(%arg0: i32) -> (i32, i32) {
    %c0_i32 = arith.constant 0 : i32
    %c0_i32_0 = arith.constant 0 : i32
    return %arg0, %c0_i32 : i32, i32
  }
  func.func @transform_4(%arg0: i32) -> (i32, i32) {
    %c0_i32 = arith.constant 0 : i32
    %c0_i32_0 = arith.constant 0 : i32
    return %arg0, %c0_i32 : i32, i32
  }
}

module attributes {stable_mosaic.version = 14 : i64} {
  func.func @_tc_b_body(%arg0: i32, %arg1: memref<2x1024x128xf32, #tpu.memory_space<vmem>>, %arg2: memref<1024x128xf32, #tpu.memory_space<vmem>>, %arg3: memref<1024x128xf32, #tpu.memory_space<vmem>>, %arg4: memref<1x128xf32, #tpu.memory_space<vmem>>, %arg5: memref<128x128xf32, #tpu.memory_space<vmem>>, %arg6: memref<1024x128xf32, #tpu.memory_space<vmem>>) attributes {dimension_semantics = [#tpu.dimension_semantics<arbitrary>], iteration_bounds = array<i64: 10>, scalar_prefetch = 0 : i64, scratch_operands = 0 : i64, tpu.core_type = #tpu.core_type<tc>, window_params = [{transform_indices = @transform_0, window_bounds = array<i64: 2, 1024, 128>}, {transform_indices = @transform_1, window_bounds = array<i64: 1024, 128>}, {transform_indices = @transform_2, window_bounds = array<i64: 1024, 128>}, {pipeline_mode = #tpu.pipeline_mode<synchronous>, transform_indices = @transform_3, window_bounds = array<i64: 1, 128>}, {pipeline_mode = #tpu.pipeline_mode<synchronous>, transform_indices = @transform_4, window_bounds = array<i64: 128, 128>}, {transform_indices = @transform_5, window_bounds = array<i64: 1024, 128>}]} {
    %get3A = arith.constant 0 : index
    %get3A_0 = arith.constant 0 : index
    %get3A_1 = arith.constant 0 : index
    %get3A_2 = vector.load %arg1[%get3A, %get3A_0, %get3A_1] : memref<2x1024x128xf32, #tpu.memory_space<vmem>>, vector<1x1024x128xf32>
    %get3A_3 = vector.shape_cast %get3A_2 : vector<1x1024x128xf32> to vector<1024x128xf32>
    %get3A_4 = arith.constant 1 : index
    %get3A_5 = arith.constant 0 : index
    %get3A_6 = arith.constant 0 : index
    %get3A_7 = vector.load %arg1[%get3A_4, %get3A_5, %get3A_6] : memref<2x1024x128xf32, #tpu.memory_space<vmem>>, vector<1x1024x128xf32>
    %get3A_8 = vector.shape_cast %get3A_7 : vector<1x1024x128xf32> to vector<1024x128xf32>
    %add3A = arith.addf %get3A_3, %get3A_8 : vector<1024x128xf32>
    %get3A_9 = arith.constant 0 : index
    %get3A_10 = arith.constant 0 : index
    %get3A_11 = vector.load %arg3[%get3A_9, %get3A_10] : memref<1024x128xf32, #tpu.memory_space<vmem>>, vector<1024x128xf32>
    %get3A_12 = arith.constant 0 : index
    %get3A_13 = arith.constant 0 : index
    %get3A_14 = vector.load %arg2[%get3A_12, %get3A_13] : memref<1024x128xf32, #tpu.memory_space<vmem>>, vector<1024x128xf32>
    %add3A_15 = arith.addf %add3A, %get3A_14 : vector<1024x128xf32>
    %mul3A = arith.mulf %get3A_11, %add3A_15 : vector<1024x128xf32>
    %get3A_16 = arith.constant 0 : index
    %get3A_17 = arith.constant 0 : index
    %get3A_18 = vector.load %arg4[%get3A_16, %get3A_17] : memref<1x128xf32, #tpu.memory_space<vmem>>, vector<1x128xf32>
    %add3A_19 = vector.broadcast %get3A_18 : vector<1x128xf32> to vector<1024x128xf32>
    %add3A_20 = arith.addf %mul3A, %add3A_19 : vector<1024x128xf32>
    %max3A = arith.constant 0.000000e+00 : f32
    %max3A_21 = vector.broadcast %max3A : f32 to vector<1024x128xf32>
    %max3A_22 = arith.maximumf %add3A_20, %max3A_21 : vector<1024x128xf32>
    %get3A_23 = arith.constant 0 : index
    %get3A_24 = arith.constant 0 : index
    %get3A_25 = vector.load %arg5[%get3A_23, %get3A_24] : memref<128x128xf32, #tpu.memory_space<vmem>>, vector<128x128xf32>
    %dot_general3A = arith.constant dense<0.000000e+00> : vector<1024x128xf32>
    %dot_general3A_26 = tpu.matmul %max3A_22, %get3A_25, %dot_general3A {dimension_numbers = #tpu.dot_dimension_numbers<[1], [0], [0], [1], [0, 0, 1, 1], [], []>, transpose_lhs_hint = false} : vector<1024x128xf32>, vector<128x128xf32>, vector<1024x128xf32> -> vector<1024x128xf32>
    %get3A_27 = arith.constant 0 : index
    %get3A_28 = arith.constant 0 : index
    %get3A_29 = vector.load %arg3[%get3A_27, %get3A_28] : memref<1024x128xf32, #tpu.memory_space<vmem>>, vector<1024x128xf32>
    %mul3A_30 = arith.mulf %dot_general3A_26, %get3A_29 : vector<1024x128xf32>
    %swap3A = arith.constant 0 : index
    %swap3A_31 = arith.constant 0 : index
    %swap3A_32 = vector.load %arg6[%swap3A, %swap3A_31] : memref<1024x128xf32, #tpu.memory_space<vmem>>, vector<1024x128xf32>
    tpu.vector_store %arg6[%swap3A, %swap3A_31], %mul3A_30 {strides = array<i32>} : memref<1024x128xf32, #tpu.memory_space<vmem>>, vector<1024x128xf32>,
    return
  }
  func.func @transform_0(%arg0: i32) -> (i32, i32, i32) {
    %c0_i32 = arith.constant 0 : i32
    %c0_i32_0 = arith.constant 0 : i32
    %c0_i32_1 = arith.constant 0 : i32
    return %c0_i32, %arg0, %c0_i32_0 : i32, i32, i32
  }
  func.func @transform_1(%arg0: i32) -> (i32, i32) {
    %c0_i32 = arith.constant 0 : i32
    %c0_i32_0 = arith.constant 0 : i32
    return %arg0, %c0_i32 : i32, i32
  }
  func.func @transform_2(%arg0: i32) -> (i32, i32) {
    %c0_i32 = arith.constant 0 : i32
    %c0_i32_0 = arith.constant 0 : i32
    return %arg0, %c0_i32 : i32, i32
  }
  func.func @transform_3(%arg0: i32) -> (i32, i32) {
    %c0_i32 = arith.constant 0 : i32
    %c0_i32_0 = arith.constant 0 : i32
    %c0_i32_1 = arith.constant 0 : i32
    return %c0_i32, %c0_i32_0 : i32, i32
  }
  func.func @transform_4(%arg0: i32) -> (i32, i32) {
    %c0_i32 = arith.constant 0 : i32
    %c0_i32_0 = arith.constant 0 : i32
    %c0_i32_1 = arith.constant 0 : i32
    return %c0_i32, %c0_i32_0 : i32, i32
  }
  func.func @transform_5(%arg0: i32) -> (i32, i32) {
    %c0_i32 = arith.constant 0 : i32
    %c0_i32_0 = arith.constant 0 : i32
    return %arg0, %c0_i32 : i32, i32
  }
}

module attributes {stable_mosaic.version = 14 : i64} {
  func.func @_lstm_body(%arg0: i32, %arg1: memref<20x1250x128xbf16, #tpu.memory_space<vmem>>, %arg2: memref<128x2048xbf16, #tpu.memory_space<vmem>>, %arg3: memref<512x2048xbf16, #tpu.memory_space<vmem>>, %arg4: memref<1x2048xf32, #tpu.memory_space<vmem>>, %arg5: memref<512x2048xbf16, #tpu.memory_space<vmem>>, %arg6: memref<512x2048xbf16, #tpu.memory_space<vmem>>, %arg7: memref<1x2048xf32, #tpu.memory_space<vmem>>, %arg8: memref<512x128xf32, #tpu.memory_space<vmem>>, %arg9: memref<1250x128xf32, #tpu.memory_space<vmem>>) attributes {dimension_semantics = [#tpu.dimension_semantics<arbitrary>], iteration_bounds = array<i64: 1>, scalar_prefetch = 0 : i64, scratch_operands = 0 : i64, tpu.core_type = #tpu.core_type<tc>, window_params = [{transform_indices = @transform_0, window_bounds = array<i64: 20, 1250, 128>}, {pipeline_mode = #tpu.pipeline_mode<synchronous>, transform_indices = @transform_1, window_bounds = array<i64: 128, 2048>}, {pipeline_mode = #tpu.pipeline_mode<synchronous>, transform_indices = @transform_2, window_bounds = array<i64: 512, 2048>}, {pipeline_mode = #tpu.pipeline_mode<synchronous>, transform_indices = @transform_3, window_bounds = array<i64: 1, 2048>}, {pipeline_mode = #tpu.pipeline_mode<synchronous>, transform_indices = @transform_4, window_bounds = array<i64: 512, 2048>}, {pipeline_mode = #tpu.pipeline_mode<synchronous>, transform_indices = @transform_5, window_bounds = array<i64: 512, 2048>}, {pipeline_mode = #tpu.pipeline_mode<synchronous>, transform_indices = @transform_6, window_bounds = array<i64: 1, 2048>}, {pipeline_mode = #tpu.pipeline_mode<synchronous>, transform_indices = @transform_7, window_bounds = array<i64: 512, 128>}, {transform_indices = @transform_8, window_bounds = array<i64: 1250, 128>}]} {
    %get3A = arith.constant 0 : index
    %get3A_0 = arith.constant 0 : index
    %get3A_1 = vector.load %arg2[%get3A, %get3A_0] : memref<128x2048xbf16, #tpu.memory_space<vmem>>, vector<128x2048xbf16>
    %get3A_2 = arith.constant 0 : index
    %get3A_3 = arith.constant 0 : index
    %get3A_4 = vector.load %arg3[%get3A_2, %get3A_3] : memref<512x2048xbf16, #tpu.memory_space<vmem>>, vector<512x2048xbf16>
    %get3A_5 = arith.constant 0 : index
    %get3A_6 = arith.constant 0 : index
    %get3A_7 = vector.load %arg4[%get3A_5, %get3A_6] : memref<1x2048xf32, #tpu.memory_space<vmem>>, vector<1x2048xf32>
    %get3A_8 = arith.constant 0 : index
    %get3A_9 = arith.constant 0 : index
    %get3A_10 = vector.load %arg5[%get3A_8, %get3A_9] : memref<512x2048xbf16, #tpu.memory_space<vmem>>, vector<512x2048xbf16>
    %get3A_11 = arith.constant 0 : index
    %get3A_12 = arith.constant 0 : index
    %get3A_13 = vector.load %arg6[%get3A_11, %get3A_12] : memref<512x2048xbf16, #tpu.memory_space<vmem>>, vector<512x2048xbf16>
    %get3A_14 = arith.constant 0 : index
    %get3A_15 = arith.constant 0 : index
    %get3A_16 = vector.load %arg7[%get3A_14, %get3A_15] : memref<1x2048xf32, #tpu.memory_space<vmem>>, vector<1x2048xf32>
    %broadcast_in_dim3A = arith.constant 0.000000e+00 : f32
    %broadcast_in_dim3A_17 = vector.broadcast %broadcast_in_dim3A : f32 to vector<1250x512xf32>
    %scan3A = arith.constant 0 : i32
    %scan3A_18 = arith.constant 20 : i32
    %scan3A_19 = arith.addi %scan3A, %scan3A_18 : i32
    %scan3A_20 = arith.constant 1 : i32
    %scan3A_21:4 = scf.for %scan3A_29 = %scan3A to %scan3A_19 step %scan3A_20 iter_args(%scan3A_30 = %broadcast_in_dim3A_17, %scan3A_31 = %broadcast_in_dim3A_17, %scan3A_32 = %broadcast_in_dim3A_17, %scan3A_33 = %broadcast_in_dim3A_17) -> (vector<1250x512xf32>, vector<1250x512xf32>, vector<1250x512xf32>, vector<1250x512xf32>)  : i32 {
      %get3A_34 = arith.index_cast %scan3A_29 : i32 to index
      %get3A_35 = arith.constant 0 : index
      %get3A_36 = arith.constant 0 : index
      %get3A_37 = vector.load %arg1[%get3A_34, %get3A_35, %get3A_36] : memref<20x1250x128xbf16, #tpu.memory_space<vmem>>, vector<1x1250x128xbf16>
      %get3A_38 = vector.shape_cast %get3A_37 : vector<1x1250x128xbf16> to vector<1250x128xbf16>
      %dot_general3A_39 = arith.constant dense<0.000000e+00> : vector<1250x2048xf32>
      %dot_general3A_40 = tpu.matmul %get3A_38, %get3A_1, %dot_general3A_39 {dimension_numbers = #tpu.dot_dimension_numbers<[1], [0], [0], [1], [0, 0, 1, 1], [], []>, transpose_lhs_hint = false} : vector<1250x128xbf16>, vector<128x2048xbf16>, vector<1250x2048xf32> -> vector<1250x2048xf32>
      %convert_element_type3A = arith.truncf %scan3A_30 : vector<1250x512xf32> to vector<1250x512xbf16>
      %dot_general3A_41 = arith.constant dense<0.000000e+00> : vector<1250x2048xf32>
      %dot_general3A_42 = tpu.matmul %convert_element_type3A, %get3A_4, %dot_general3A_41 {dimension_numbers = #tpu.dot_dimension_numbers<[1], [0], [0], [1], [0, 0, 1, 1], [], []>, transpose_lhs_hint = false} : vector<1250x512xbf16>, vector<512x2048xbf16>, vector<1250x2048xf32> -> vector<1250x2048xf32>
      %add3A = arith.addf %dot_general3A_40, %dot_general3A_42 : vector<1250x2048xf32>
      %add3A_43 = vector.broadcast %get3A_7 : vector<1x2048xf32> to vector<1250x2048xf32>
      %add3A_44 = arith.addf %add3A, %add3A_43 : vector<1250x2048xf32>
      %slice3A = vector.extract_strided_slice %add3A_44 {offsets = [0, 0], sizes = [1250, 512], strides = [1, 1]} : vector<1250x2048xf32> to vector<1250x512xf32>
      %logistic3A = arith.negf %slice3A : vector<1250x512xf32>
      %logistic3A_45 = math.exp %logistic3A : vector<1250x512xf32>
      %logistic3A_46 = arith.constant 1.000000e+00 : f32
      %logistic3A_47 = vector.broadcast %logistic3A_46 : f32 to vector<1250x512xf32>
      %logistic3A_48 = arith.addf %logistic3A_47, %logistic3A_45 : vector<1250x512xf32>
      %logistic3A_49 = arith.divf %logistic3A_47, %logistic3A_48 : vector<1250x512xf32>
      %slice3A_50 = vector.extract_strided_slice %add3A_44 {offsets = [0, 512], sizes = [1250, 512], strides = [1, 1]} : vector<1250x2048xf32> to vector<1250x512xf32>
      %logistic3A_51 = arith.negf %slice3A_50 : vector<1250x512xf32>
      %logistic3A_52 = math.exp %logistic3A_51 : vector<1250x512xf32>
      %logistic3A_53 = arith.constant 1.000000e+00 : f32
      %logistic3A_54 = vector.broadcast %logistic3A_53 : f32 to vector<1250x512xf32>
      %logistic3A_55 = arith.addf %logistic3A_54, %logistic3A_52 : vector<1250x512xf32>
      %logistic3A_56 = arith.divf %logistic3A_54, %logistic3A_55 : vector<1250x512xf32>
      %slice3A_57 = vector.extract_strided_slice %add3A_44 {offsets = [0, 1024], sizes = [1250, 512], strides = [1, 1]} : vector<1250x2048xf32> to vector<1250x512xf32>
      %tanh3A = math.tanh %slice3A_57 : vector<1250x512xf32>
      %slice3A_58 = vector.extract_strided_slice %add3A_44 {offsets = [0, 1536], sizes = [1250, 512], strides = [1, 1]} : vector<1250x2048xf32> to vector<1250x512xf32>
      %logistic3A_59 = arith.negf %slice3A_58 : vector<1250x512xf32>
      %logistic3A_60 = math.exp %logistic3A_59 : vector<1250x512xf32>
      %logistic3A_61 = arith.constant 1.000000e+00 : f32
      %logistic3A_62 = vector.broadcast %logistic3A_61 : f32 to vector<1250x512xf32>
      %logistic3A_63 = arith.addf %logistic3A_62, %logistic3A_60 : vector<1250x512xf32>
      %logistic3A_64 = arith.divf %logistic3A_62, %logistic3A_63 : vector<1250x512xf32>
      %mul3A = arith.mulf %logistic3A_56, %scan3A_31 : vector<1250x512xf32>
      %mul3A_65 = arith.mulf %logistic3A_49, %tanh3A : vector<1250x512xf32>
      %add3A_66 = arith.addf %mul3A, %mul3A_65 : vector<1250x512xf32>
      %tanh3A_67 = math.tanh %add3A_66 : vector<1250x512xf32>
      %mul3A_68 = arith.mulf %logistic3A_64, %tanh3A_67 : vector<1250x512xf32>
      %dot_general3A_69 = arith.constant dense<0.000000e+00> : vector<1250x2048xf32>
      %dot_general3A_70 = tpu.matmul %mul3A_68, %get3A_10, %dot_general3A_69 {dimension_numbers = #tpu.dot_dimension_numbers<[1], [0], [0], [1], [0, 0, 1, 1], [], []>, transpose_lhs_hint = false} : vector<1250x512xf32>, vector<512x2048xbf16>, vector<1250x2048xf32> -> vector<1250x2048xf32>
      %convert_element_type3A_71 = arith.truncf %scan3A_32 : vector<1250x512xf32> to vector<1250x512xbf16>
      %dot_general3A_72 = arith.constant dense<0.000000e+00> : vector<1250x2048xf32>
      %dot_general3A_73 = tpu.matmul %convert_element_type3A_71, %get3A_13, %dot_general3A_72 {dimension_numbers = #tpu.dot_dimension_numbers<[1], [0], [0], [1], [0, 0, 1, 1], [], []>, transpose_lhs_hint = false} : vector<1250x512xbf16>, vector<512x2048xbf16>, vector<1250x2048xf32> -> vector<1250x2048xf32>
      %add3A_74 = arith.addf %dot_general3A_70, %dot_general3A_73 : vector<1250x2048xf32>
      %add3A_75 = vector.broadcast %get3A_16 : vector<1x2048xf32> to vector<1250x2048xf32>
      %add3A_76 = arith.addf %add3A_74, %add3A_75 : vector<1250x2048xf32>
      %slice3A_77 = vector.extract_strided_slice %add3A_76 {offsets = [0, 0], sizes = [1250, 512], strides = [1, 1]} : vector<1250x2048xf32> to vector<1250x512xf32>
      %logistic3A_78 = arith.negf %slice3A_77 : vector<1250x512xf32>
      %logistic3A_79 = math.exp %logistic3A_78 : vector<1250x512xf32>
      %logistic3A_80 = arith.constant 1.000000e+00 : f32
      %logistic3A_81 = vector.broadcast %logistic3A_80 : f32 to vector<1250x512xf32>
      %logistic3A_82 = arith.addf %logistic3A_81, %logistic3A_79 : vector<1250x512xf32>
      %logistic3A_83 = arith.divf %logistic3A_81, %logistic3A_82 : vector<1250x512xf32>
      %slice3A_84 = vector.extract_strided_slice %add3A_76 {offsets = [0, 512], sizes = [1250, 512], strides = [1, 1]} : vector<1250x2048xf32> to vector<1250x512xf32>
      %logistic3A_85 = arith.negf %slice3A_84 : vector<1250x512xf32>
      %logistic3A_86 = math.exp %logistic3A_85 : vector<1250x512xf32>
      %logistic3A_87 = arith.constant 1.000000e+00 : f32
      %logistic3A_88 = vector.broadcast %logistic3A_87 : f32 to vector<1250x512xf32>
      %logistic3A_89 = arith.addf %logistic3A_88, %logistic3A_86 : vector<1250x512xf32>
      %logistic3A_90 = arith.divf %logistic3A_88, %logistic3A_89 : vector<1250x512xf32>
      %slice3A_91 = vector.extract_strided_slice %add3A_76 {offsets = [0, 1024], sizes = [1250, 512], strides = [1, 1]} : vector<1250x2048xf32> to vector<1250x512xf32>
      %tanh3A_92 = math.tanh %slice3A_91 : vector<1250x512xf32>
      %slice3A_93 = vector.extract_strided_slice %add3A_76 {offsets = [0, 1536], sizes = [1250, 512], strides = [1, 1]} : vector<1250x2048xf32> to vector<1250x512xf32>
      %logistic3A_94 = arith.negf %slice3A_93 : vector<1250x512xf32>
      %logistic3A_95 = math.exp %logistic3A_94 : vector<1250x512xf32>
      %logistic3A_96 = arith.constant 1.000000e+00 : f32
      %logistic3A_97 = vector.broadcast %logistic3A_96 : f32 to vector<1250x512xf32>
      %logistic3A_98 = arith.addf %logistic3A_97, %logistic3A_95 : vector<1250x512xf32>
      %logistic3A_99 = arith.divf %logistic3A_97, %logistic3A_98 : vector<1250x512xf32>
      %mul3A_100 = arith.mulf %logistic3A_90, %scan3A_33 : vector<1250x512xf32>
      %mul3A_101 = arith.mulf %logistic3A_83, %tanh3A_92 : vector<1250x512xf32>
      %add3A_102 = arith.addf %mul3A_100, %mul3A_101 : vector<1250x512xf32>
      %tanh3A_103 = math.tanh %add3A_102 : vector<1250x512xf32>
      %mul3A_104 = arith.mulf %logistic3A_99, %tanh3A_103 : vector<1250x512xf32>
      scf.yield %mul3A_68, %add3A_66, %mul3A_104, %add3A_102 : vector<1250x512xf32>, vector<1250x512xf32>, vector<1250x512xf32>, vector<1250x512xf32>
    }
    %scan3A_22 = arith.constant 20 : i32
    %get3A_23 = arith.constant 0 : index
    %get3A_24 = arith.constant 0 : index
    %get3A_25 = vector.load %arg8[%get3A_23, %get3A_24] : memref<512x128xf32, #tpu.memory_space<vmem>>, vector<512x128xf32>
    %dot_general3A = arith.constant dense<0.000000e+00> : vector<1250x128xf32>
    %dot_general3A_26 = tpu.matmul %scan3A_21#2, %get3A_25, %dot_general3A {dimension_numbers = #tpu.dot_dimension_numbers<[1], [0], [0], [1], [0, 0, 1, 1], [], []>, transpose_lhs_hint = false} : vector<1250x512xf32>, vector<512x128xf32>, vector<1250x128xf32> -> vector<1250x128xf32>
    %swap3A = arith.constant 0 : index
    %swap3A_27 = arith.constant 0 : index
    %swap3A_28 = vector.load %arg9[%swap3A, %swap3A_27] : memref<1250x128xf32, #tpu.memory_space<vmem>>, vector<1250x128xf32>
    tpu.vector_store %arg9[%swap3A, %swap3A_27], %dot_general3A_26 {strides = array<i32>} : memref<1250x128xf32, #tpu.memory_space<vmem>>, vector<1250x128xf32>,
    return
  }
  func.func @transform_0(%arg0: i32) -> (i32, i32, i32) {
    %c0_i32 = arith.constant 0 : i32
    %c0_i32_0 = arith.constant 0 : i32
    %c0_i32_1 = arith.constant 0 : i32
    return %c0_i32, %arg0, %c0_i32_0 : i32, i32, i32
  }
  func.func @transform_1(%arg0: i32) -> (i32, i32) {
    %c0_i32 = arith.constant 0 : i32
    %c0_i32_0 = arith.constant 0 : i32
    %c0_i32_1 = arith.constant 0 : i32
    return %c0_i32, %c0_i32_0 : i32, i32
  }
  func.func @transform_2(%arg0: i32) -> (i32, i32) {
    %c0_i32 = arith.constant 0 : i32
    %c0_i32_0 = arith.constant 0 : i32
    %c0_i32_1 = arith.constant 0 : i32
    return %c0_i32, %c0_i32_0 : i32, i32
  }
  func.func @transform_3(%arg0: i32) -> (i32, i32) {
    %c0_i32 = arith.constant 0 : i32
    %c0_i32_0 = arith.constant 0 : i32
    %c0_i32_1 = arith.constant 0 : i32
    return %c0_i32, %c0_i32_0 : i32, i32
  }
  func.func @transform_4(%arg0: i32) -> (i32, i32) {
    %c0_i32 = arith.constant 0 : i32
    %c0_i32_0 = arith.constant 0 : i32
    %c0_i32_1 = arith.constant 0 : i32
    return %c0_i32, %c0_i32_0 : i32, i32
  }
  func.func @transform_5(%arg0: i32) -> (i32, i32) {
    %c0_i32 = arith.constant 0 : i32
    %c0_i32_0 = arith.constant 0 : i32
    %c0_i32_1 = arith.constant 0 : i32
    return %c0_i32, %c0_i32_0 : i32, i32
  }
  func.func @transform_6(%arg0: i32) -> (i32, i32) {
    %c0_i32 = arith.constant 0 : i32
    %c0_i32_0 = arith.constant 0 : i32
    %c0_i32_1 = arith.constant 0 : i32
    return %c0_i32, %c0_i32_0 : i32, i32
  }
  func.func @transform_7(%arg0: i32) -> (i32, i32) {
    %c0_i32 = arith.constant 0 : i32
    %c0_i32_0 = arith.constant 0 : i32
    %c0_i32_1 = arith.constant 0 : i32
    return %c0_i32, %c0_i32_0 : i32, i32
  }
  func.func @transform_8(%arg0: i32) -> (i32, i32) {
    %c0_i32 = arith.constant 0 : i32
    %c0_i32_0 = arith.constant 0 : i32
    return %arg0, %c0_i32 : i32, i32
  }
}

module attributes {stable_mosaic.version = 14 : i64} {
  func.func @_tc_c_body(%arg0: i32, %arg1: memref<2x1024x128xf32, #tpu.memory_space<vmem>>, %arg2: memref<1024x128xf32, #tpu.memory_space<vmem>>, %arg3: memref<1024x128xf32, #tpu.memory_space<vmem>>, %arg4: memref<1x128xf32, #tpu.memory_space<vmem>>, %arg5: memref<1024x128xf32, #tpu.memory_space<vmem>>, %arg6: memref<128x64xf32, #tpu.memory_space<vmem>>, %arg7: memref<128x64xf32, #tpu.memory_space<vmem>>, %arg8: memref<1x64xf32, #tpu.memory_space<vmem>>, %arg9: memref<64x64xf32, #tpu.memory_space<vmem>>, %arg10: memref<1x64xf32, #tpu.memory_space<vmem>>, %arg11: memref<64x128xf32, #tpu.memory_space<vmem>>, %arg12: memref<1x128xf32, #tpu.memory_space<vmem>>, %arg13: memref<1024x128xf32, #tpu.memory_space<vmem>>) attributes {dimension_semantics = [#tpu.dimension_semantics<arbitrary>], iteration_bounds = array<i64: 10>, scalar_prefetch = 0 : i64, scratch_operands = 0 : i64, tpu.core_type = #tpu.core_type<tc>, window_params = [{transform_indices = @transform_0, window_bounds = array<i64: 2, 1024, 128>}, {transform_indices = @transform_1, window_bounds = array<i64: 1024, 128>}, {transform_indices = @transform_2, window_bounds = array<i64: 1024, 128>}, {pipeline_mode = #tpu.pipeline_mode<synchronous>, transform_indices = @transform_3, window_bounds = array<i64: 1, 128>}, {transform_indices = @transform_4, window_bounds = array<i64: 1024, 128>}, {pipeline_mode = #tpu.pipeline_mode<synchronous>, transform_indices = @transform_5, window_bounds = array<i64: 128, 64>}, {pipeline_mode = #tpu.pipeline_mode<synchronous>, transform_indices = @transform_6, window_bounds = array<i64: 128, 64>}, {pipeline_mode = #tpu.pipeline_mode<synchronous>, transform_indices = @transform_7, window_bounds = array<i64: 1, 64>}, {pipeline_mode = #tpu.pipeline_mode<synchronous>, transform_indices = @transform_8, window_bounds = array<i64: 64, 64>}, {pipeline_mode = #tpu.pipeline_mode<synchronous>, transform_indices = @transform_9, window_bounds = array<i64: 1, 64>}, {pipeline_mode = #tpu.pipeline_mode<synchronous>, transform_indices = @transform_10, window_bounds = array<i64: 64, 128>}, {pipeline_mode = #tpu.pipeline_mode<synchronous>, transform_indices = @transform_11, window_bounds = array<i64: 1, 128>}, {transform_indices = @transform_12, window_bounds = array<i64: 1024, 128>}]} {
    %get3A = arith.constant 0 : index
    %get3A_0 = arith.constant 0 : index
    %get3A_1 = arith.constant 0 : index
    %get3A_2 = vector.load %arg1[%get3A, %get3A_0, %get3A_1] : memref<2x1024x128xf32, #tpu.memory_space<vmem>>, vector<1x1024x128xf32>
    %get3A_3 = vector.shape_cast %get3A_2 : vector<1x1024x128xf32> to vector<1024x128xf32>
    %get3A_4 = arith.constant 1 : index
    %get3A_5 = arith.constant 0 : index
    %get3A_6 = arith.constant 0 : index
    %get3A_7 = vector.load %arg1[%get3A_4, %get3A_5, %get3A_6] : memref<2x1024x128xf32, #tpu.memory_space<vmem>>, vector<1x1024x128xf32>
    %get3A_8 = vector.shape_cast %get3A_7 : vector<1x1024x128xf32> to vector<1024x128xf32>
    %add3A = arith.addf %get3A_3, %get3A_8 : vector<1024x128xf32>
    %get3A_9 = arith.constant 0 : index
    %get3A_10 = arith.constant 0 : index
    %get3A_11 = vector.load %arg3[%get3A_9, %get3A_10] : memref<1024x128xf32, #tpu.memory_space<vmem>>, vector<1024x128xf32>
    %get3A_12 = arith.constant 0 : index
    %get3A_13 = arith.constant 0 : index
    %get3A_14 = vector.load %arg2[%get3A_12, %get3A_13] : memref<1024x128xf32, #tpu.memory_space<vmem>>, vector<1024x128xf32>
    %add3A_15 = arith.addf %add3A, %get3A_14 : vector<1024x128xf32>
    %mul3A = arith.mulf %get3A_11, %add3A_15 : vector<1024x128xf32>
    %get3A_16 = arith.constant 0 : index
    %get3A_17 = arith.constant 0 : index
    %get3A_18 = vector.load %arg4[%get3A_16, %get3A_17] : memref<1x128xf32, #tpu.memory_space<vmem>>, vector<1x128xf32>
    %add3A_19 = vector.broadcast %get3A_18 : vector<1x128xf32> to vector<1024x128xf32>
    %add3A_20 = arith.addf %mul3A, %add3A_19 : vector<1024x128xf32>
    %max3A = arith.constant 0.000000e+00 : f32
    %max3A_21 = vector.broadcast %max3A : f32 to vector<1024x128xf32>
    %max3A_22 = arith.maximumf %add3A_20, %max3A_21 : vector<1024x128xf32>
    %get3A_23 = arith.constant 0 : index
    %get3A_24 = arith.constant 0 : index
    %get3A_25 = vector.load %arg6[%get3A_23, %get3A_24] : memref<128x64xf32, #tpu.memory_space<vmem>>, vector<128x64xf32>
    %dot_general3A = arith.constant dense<0.000000e+00> : vector<1024x64xf32>
    %dot_general3A_26 = tpu.matmul %max3A_22, %get3A_25, %dot_general3A {dimension_numbers = #tpu.dot_dimension_numbers<[1], [0], [0], [1], [0, 0, 1, 1], [], []>, transpose_lhs_hint = false} : vector<1024x128xf32>, vector<128x64xf32>, vector<1024x64xf32> -> vector<1024x64xf32>
    %get3A_27 = arith.constant 0 : index
    %get3A_28 = arith.constant 0 : index
    %get3A_29 = vector.load %arg5[%get3A_27, %get3A_28] : memref<1024x128xf32, #tpu.memory_space<vmem>>, vector<1024x128xf32>
    %max3A_30 = arith.constant 0.000000e+00 : f32
    %max3A_31 = vector.broadcast %max3A_30 : f32 to vector<1024x128xf32>
    %max3A_32 = arith.maximumf %get3A_29, %max3A_31 : vector<1024x128xf32>
    %get3A_33 = arith.constant 0 : index
    %get3A_34 = arith.constant 0 : index
    %get3A_35 = vector.load %arg7[%get3A_33, %get3A_34] : memref<128x64xf32, #tpu.memory_space<vmem>>, vector<128x64xf32>
    %dot_general3A_36 = arith.constant dense<0.000000e+00> : vector<1024x64xf32>
    %dot_general3A_37 = tpu.matmul %max3A_32, %get3A_35, %dot_general3A_36 {dimension_numbers = #tpu.dot_dimension_numbers<[1], [0], [0], [1], [0, 0, 1, 1], [], []>, transpose_lhs_hint = false} : vector<1024x128xf32>, vector<128x64xf32>, vector<1024x64xf32> -> vector<1024x64xf32>
    %add3A_38 = arith.addf %dot_general3A_26, %dot_general3A_37 : vector<1024x64xf32>
    %get3A_39 = arith.constant 0 : index
    %get3A_40 = arith.constant 0 : index
    %get3A_41 = vector.load %arg8[%get3A_39, %get3A_40] : memref<1x64xf32, #tpu.memory_space<vmem>>, vector<1x64xf32>
    %add3A_42 = vector.broadcast %get3A_41 : vector<1x64xf32> to vector<1024x64xf32>
    %add3A_43 = arith.addf %add3A_38, %add3A_42 : vector<1024x64xf32>
    %max3A_44 = arith.constant 0.000000e+00 : f32
    %max3A_45 = vector.broadcast %max3A_44 : f32 to vector<1024x64xf32>
    %max3A_46 = arith.maximumf %add3A_43, %max3A_45 : vector<1024x64xf32>
    %get3A_47 = arith.constant 0 : index
    %get3A_48 = arith.constant 0 : index
    %get3A_49 = vector.load %arg9[%get3A_47, %get3A_48] : memref<64x64xf32, #tpu.memory_space<vmem>>, vector<64x64xf32>
    %dot_general3A_50 = arith.constant dense<0.000000e+00> : vector<1024x64xf32>
    %dot_general3A_51 = tpu.matmul %max3A_46, %get3A_49, %dot_general3A_50 {dimension_numbers = #tpu.dot_dimension_numbers<[1], [0], [0], [1], [0, 0, 1, 1], [], []>, transpose_lhs_hint = false} : vector<1024x64xf32>, vector<64x64xf32>, vector<1024x64xf32> -> vector<1024x64xf32>
    %get3A_52 = arith.constant 0 : index
    %get3A_53 = arith.constant 0 : index
    %get3A_54 = vector.load %arg10[%get3A_52, %get3A_53] : memref<1x64xf32, #tpu.memory_space<vmem>>, vector<1x64xf32>
    %add3A_55 = vector.broadcast %get3A_54 : vector<1x64xf32> to vector<1024x64xf32>
    %add3A_56 = arith.addf %dot_general3A_51, %add3A_55 : vector<1024x64xf32>
    %max3A_57 = arith.constant 0.000000e+00 : f32
    %max3A_58 = vector.broadcast %max3A_57 : f32 to vector<1024x64xf32>
    %max3A_59 = arith.maximumf %add3A_56, %max3A_58 : vector<1024x64xf32>
    %get3A_60 = arith.constant 0 : index
    %get3A_61 = arith.constant 0 : index
    %get3A_62 = vector.load %arg11[%get3A_60, %get3A_61] : memref<64x128xf32, #tpu.memory_space<vmem>>, vector<64x128xf32>
    %dot_general3A_63 = arith.constant dense<0.000000e+00> : vector<1024x128xf32>
    %dot_general3A_64 = tpu.matmul %max3A_59, %get3A_62, %dot_general3A_63 {dimension_numbers = #tpu.dot_dimension_numbers<[1], [0], [0], [1], [0, 0, 1, 1], [], []>, transpose_lhs_hint = false} : vector<1024x64xf32>, vector<64x128xf32>, vector<1024x128xf32> -> vector<1024x128xf32>
    %get3A_65 = arith.constant 0 : index
    %get3A_66 = arith.constant 0 : index
    %get3A_67 = vector.load %arg12[%get3A_65, %get3A_66] : memref<1x128xf32, #tpu.memory_space<vmem>>, vector<1x128xf32>
    %add3A_68 = vector.broadcast %get3A_67 : vector<1x128xf32> to vector<1024x128xf32>
    %add3A_69 = arith.addf %dot_general3A_64, %add3A_68 : vector<1024x128xf32>
    %swap3A = arith.constant 0 : index
    %swap3A_70 = arith.constant 0 : index
    %swap3A_71 = vector.load %arg13[%swap3A, %swap3A_70] : memref<1024x128xf32, #tpu.memory_space<vmem>>, vector<1024x128xf32>
    tpu.vector_store %arg13[%swap3A, %swap3A_70], %add3A_69 {strides = array<i32>} : memref<1024x128xf32, #tpu.memory_space<vmem>>, vector<1024x128xf32>,
    return
  }
  func.func @transform_0(%arg0: i32) -> (i32, i32, i32) {
    %c0_i32 = arith.constant 0 : i32
    %c0_i32_0 = arith.constant 0 : i32
    %c0_i32_1 = arith.constant 0 : i32
    return %c0_i32, %arg0, %c0_i32_0 : i32, i32, i32
  }
  func.func @transform_1(%arg0: i32) -> (i32, i32) {
    %c0_i32 = arith.constant 0 : i32
    %c0_i32_0 = arith.constant 0 : i32
    return %arg0, %c0_i32 : i32, i32
  }
  func.func @transform_2(%arg0: i32) -> (i32, i32) {
    %c0_i32 = arith.constant 0 : i32
    %c0_i32_0 = arith.constant 0 : i32
    return %arg0, %c0_i32 : i32, i32
  }
  func.func @transform_3(%arg0: i32) -> (i32, i32) {
    %c0_i32 = arith.constant 0 : i32
    %c0_i32_0 = arith.constant 0 : i32
    %c0_i32_1 = arith.constant 0 : i32
    return %c0_i32, %c0_i32_0 : i32, i32
  }
  func.func @transform_4(%arg0: i32) -> (i32, i32) {
    %c0_i32 = arith.constant 0 : i32
    %c0_i32_0 = arith.constant 0 : i32
    return %arg0, %c0_i32 : i32, i32
  }
  func.func @transform_5(%arg0: i32) -> (i32, i32) {
    %c0_i32 = arith.constant 0 : i32
    %c0_i32_0 = arith.constant 0 : i32
    %c0_i32_1 = arith.constant 0 : i32
    return %c0_i32, %c0_i32_0 : i32, i32
  }
  func.func @transform_6(%arg0: i32) -> (i32, i32) {
    %c0_i32 = arith.constant 0 : i32
    %c0_i32_0 = arith.constant 0 : i32
    %c0_i32_1 = arith.constant 0 : i32
    return %c0_i32, %c0_i32_0 : i32, i32
  }
  func.func @transform_7(%arg0: i32) -> (i32, i32) {
    %c0_i32 = arith.constant 0 : i32
    %c0_i32_0 = arith.constant 0 : i32
    %c0_i32_1 = arith.constant 0 : i32
    return %c0_i32, %c0_i32_0 : i32, i32
  }
  func.func @transform_8(%arg0: i32) -> (i32, i32) {
    %c0_i32 = arith.constant 0 : i32
    %c0_i32_0 = arith.constant 0 : i32
    %c0_i32_1 = arith.constant 0 : i32
    return %c0_i32, %c0_i32_0 : i32, i32
  }
  func.func @transform_9(%arg0: i32) -> (i32, i32) {
    %c0_i32 = arith.constant 0 : i32
    %c0_i32_0 = arith.constant 0 : i32
    %c0_i32_1 = arith.constant 0 : i32
    return %c0_i32, %c0_i32_0 : i32, i32
  }
  func.func @transform_10(%arg0: i32) -> (i32, i32) {
    %c0_i32 = arith.constant 0 : i32
    %c0_i32_0 = arith.constant 0 : i32
    %c0_i32_1 = arith.constant 0 : i32
    return %c0_i32, %c0_i32_0 : i32, i32
  }
  func.func @transform_11(%arg0: i32) -> (i32, i32) {
    %c0_i32 = arith.constant 0 : i32
    %c0_i32_0 = arith.constant 0 : i32
    %c0_i32_1 = arith.constant 0 : i32
    return %c0_i32, %c0_i32_0 : i32, i32
  }
  func.func @transform_12(%arg0: i32) -> (i32, i32) {
    %c0_i32 = arith.constant 0 : i32
    %c0_i32_0 = arith.constant 0 : i32
    return %arg0, %c0_i32 : i32, i32
  }
}

</mosaic_0001>

<sc_bundles>
// kernel: kernel.12.cloned.1.call-start
scs
__scs_entry_jumppad:
0x0: {  	(pc) =	sbr.rel $0x88, $3  }
0x1: {  	(tag) =	ssettag $0x0;
	lr =	simm.s32 $0x1  }
0x2: {  	[smem:$0x3F8C] =	sst lr;
	_ =	strace $0xD0000000  }
0x3: {  	_ = 	snop  }
0x4: {  	_ = 	snop  }
0x5: {  	_ = 	snop  }
0x6: {  	_ = 	snop  }
0x7: {  	_ = 	snop  }
__scs_overlays_trampoline_lowered:
0x8: {  	[smem:$0x3F9B] =	sst s0  }
0x9: {  	[smem:$0x3F9C] =	sst s1  }
0xa: {  	[smem:$0x3F9D] =	sst s2  }
0xb: {  	[smem:$0x3F9E] =	sst s3  }
0xc: {  	[smem:$0x3F9F] =	sst s4  }
0xd: {  	[smem:$0x3FA0] =	sst s5  }
0xe: {  	[smem:$0x3FA1] =	sst s6  }
0xf: {  	[smem:$0x3FA2] =	sst s7  }
0x10: {  	[smem:$0x3FA3] =	sst s8  }
0x11: {  	[smem:$0x3FA4] =	sst s9;
	s0 =	simm.s32 @!p0 $0x0  }
0x12: {  	s1 =	sld [smem:$0x3F8A];
	s0 =	simm.s32 @p0 $0x1  }
0x13: {  	[smem:$0x3FA5] =	sst s0;
	s0 =	simm.s32 @!p1 $0x0  }
0x14: {  	s2 =	sld [smem:$0x3F89];
	s0 =	simm.s32 @p1 $0x1  }
0x15: {  	[smem:$0x3FA6] =	sst s0;
	s0 =	simm.s32 @!p2 $0x0  }
0x16: {  	s3 =	sld [smem:$0x3FDB];
	s0 =	simm.s32 @p2 $0x1  }
0x17: {  	s4 =	simm.s32 $0x1BF5;
	[smem:$0x3FA8] =	sst s0  }
0x18: {  	s0 =	sld [smem:$0x3F8B];
	_ =	swait.ge [sflag:s4], $0x0  }
0x19: {  	s7 =	sld [smem:$0x3F8C]  }
0x1a: {  	s8 =	sadd.s32 $0xFFFFE003, lr  }
0x1b: {  	s9 =	sadd.s32 $0xFFFFFEF7, lr;
	s5 =	simm.s32 $0xFFFFFFFF;
	p2 =	slt.u32 s8, $0xFFFFF086  }
0x1c: {  	p1 =	slt.u32 s9, $0xF7A;
	s5 =	simm.s32 @!p2 $0x0  }
0x1d: {  	s5 =	simm.s32 @p1 $0x1;
	p0 =	seq.s32 s7, s2  }
0x1e: {  	s7 =	smul.u32 @!p0 $0xF7A, s2;
	p2 =	seq.s32 @!p0 s5, $0x0  }
0x1f: {  	s9 =	smul.u32 $0xF7A, s1;
	s8 =	simm.s32 @!p0 $0x1BF5;
	p2 =	por !p2, p0  }
0x20: {  	[sflag:s8] =	ssyncset.s32 @!p0 $0xFFFFF086;
	s6 =	sadd.s32 @!p0 s3, s7;
	s7 =	simm.s32 @!p0 $0x108  }
0x21: {  	s3 =	sadd.s32 s3, s9;
	s6 =	sadd.s32 @!p0 $0x88, s6;
	s7 =	simm.s32 @p2 $0x1082  }
0x22: {  	[simem:s7], [sflag:s8] =	dma.local @!p0 [hbm:s6], $0xF7A  }
0x23: {  	s9 =	sor.u32 $0xD0000000, s2;
	s6 =	simm.s32 $0x108;
	_ =	swait.ge @!p0 [sflag:s8], $0x0  }
0x24: {  	s3 =	sadd.s32 $0x88, s3;
	s6 =	simm.s32 @!p1 $0x1082;
	[sflag:s4] =	ssyncset.s32 $0xFFFFF086  }
0x25: {  	[simem:s6], [sflag:s4] =	dma.local [hbm:s3], $0xF7A  }
0x26: {  	[smem:$0x3F8C] =	sst s1;
	(tag) =	ssettag s2;
	_ =	strace s9  }
0x27: {  	s1 =	sld [smem:$0x3F9C]  }
0x28: {  	s2 =	sld [smem:$0x3F9D]  }
0x29: {  	s4 =	sld [smem:$0x3F9F]  }
0x2a: {  	p0 =	seq.s32 s5, $0x0;
	s5 =	sld [smem:$0x3FA0]  }
0x2b: {  	s6 =	sld [smem:$0x3FA1]  }
0x2c: {  	s7 =	sld [smem:$0x3FA2]  }
0x2d: {  	s3 =	simm.s32 $0x108;
	s8 =	sld [smem:$0x3FA3]  }
0x2e: {  	s3 =	simm.s32 @!p0 $0x1082;
	s9 =	sld [smem:$0x3FA4]  }
0x2f: {  	lr =	sadd.s32 s0, s3;
	s0 =	sld [smem:$0x3F9B]  }
0x30: {  	s3 =	sld [smem:$0x3F9E]  }
0x31: {  	[smem:$0x3FA7] =	sst s10  }
0x32: {  	s10 =	sld [smem:$0x3FA5];
	_ =	sdelay $0x3  }
0x33: {  	p0 =	seq.s32 s10, $0x1;
	s10 =	sld [smem:$0x3FA7];
	_ =	sdelay $0x3  }
0x34: {  	[smem:$0x3FA7] =	sst s10  }
0x35: {  	s10 =	sld [smem:$0x3FA6];
	_ =	sdelay $0x3  }
0x36: {  	p1 =	seq.s32 s10, $0x1;
	s10 =	sld [smem:$0x3FA7];
	_ =	sdelay $0x3  }
0x37: {  	[smem:$0x3FA7] =	sst s10  }
0x38: {  	s10 =	sld [smem:$0x3FA8]  }
0x39: {  	_ = 	snop;
	(pc) =	sbr.ind lr, $3  }
0x3a: {  	_ = 	snop  }
0x3b: {  	_ = 	snop  }
0x3c: {  	p2 =	seq.s32 s10, $0x1;
	s10 =	sld [smem:$0x3FA7]  }
0x3d: {  	_ =	shalt  }
0x3e: {  	_ =	shalt  }
0x3f: {  	_ =	shalt  }
0x40: {  	_ =	shalt  }
0x41: {  	_ =	shalt  }
0x42: {  	_ =	shalt  }
0x43: {  	_ =	shalt  }
0x44: {  	_ =	shalt  }
0x45: {  	_ =	shalt  }
0x46: {  	_ =	shalt  }
0x47: {  	_ =	shalt  }
0x48: {  	_ =	shalt  }
0x49: {  	_ =	shalt  }
0x4a: {  	_ =	shalt  }
0x4b: {  	_ =	shalt  }
0x4c: {  	_ =	shalt  }
0x4d: {  	_ =	shalt  }
0x4e: {  	_ =	shalt  }
0x4f: {  	_ =	shalt  }
0x50: {  	_ =	shalt  }
0x51: {  	_ =	shalt  }
0x52: {  	_ =	shalt  }
0x53: {  	_ =	shalt  }
0x54: {  	_ =	shalt  }
0x55: {  	_ =	shalt  }
0x56: {  	_ =	shalt  }
0x57: {  	_ =	shalt  }
0x58: {  	_ =	shalt  }
0x59: {  	_ =	shalt  }
0x5a: {  	_ =	shalt  }
0x5b: {  	_ =	shalt  }
0x5c: {  	_ =	shalt  }
0x5d: {  	_ =	shalt  }
0x5e: {  	_ =	shalt  }
0x5f: {  	_ =	shalt  }
0x60: {  	_ =	shalt  }
0x61: {  	_ =	shalt  }
0x62: {  	_ =	shalt  }
0x63: {  	_ =	shalt  }
0x64: {  	_ =	shalt  }
0x65: {  	_ =	shalt  }
0x66: {  	_ =	shalt  }
0x67: {  	_ =	shalt  }
0x68: {  	_ =	shalt  }
0x69: {  	_ =	shalt  }
0x6a: {  	_ =	shalt  }
0x6b: {  	_ =	shalt  }
0x6c: {  	_ =	shalt  }
0x6d: {  	_ =	shalt  }
0x6e: {  	_ =	shalt  }
0x6f: {  	_ =	shalt  }
0x70: {  	_ =	shalt  }
0x71: {  	_ =	shalt  }
0x72: {  	_ =	shalt  }
0x73: {  	_ =	shalt  }
0x74: {  	_ =	shalt  }
0x75: {  	_ =	shalt  }
0x76: {  	_ =	shalt  }
0x77: {  	_ =	shalt  }
0x78: {  	_ =	shalt  }
0x79: {  	_ =	shalt  }
0x7a: {  	_ =	shalt  }
0x7b: {  	_ =	shalt  }
0x7c: {  	_ =	shalt  }
0x7d: {  	_ =	shalt  }
0x7e: {  	_ =	shalt  }
0x7f: {  	_ =	shalt  }
0x80: {  	_ =	shalt  }
0x81: {  	_ =	shalt  }
0x82: {  	_ =	shalt  }
0x83: {  	_ =	shalt  }
0x84: {  	_ =	shalt  }
0x85: {  	_ =	shalt  }
0x86: {  	_ =	shalt  }
0x87: {  	_ =	shalt  }
.Lfunc_end0:
.L_simem_size_0:
called_computation.1_lowered:
.L_overlay_start_0:
0x88: {  	s2 =	sld [smem:$0x3FD9]  }
0x89: {  	s3 =	sld [smem:$0x3FFE];
	_ =	sdelay $0x1  }
0x8a: {  	s1 =	srdreg.scid  }
0x8b: {  	s0 =	sand.u32 $0x1, s1  }
0x8c: {  	s16 =	sshll.u32 s0, $0xA;
	s2 =	sadd.s32 s3, s2  }
0x8d: {  	s2 =	sadd.s32 s2, s16  }
0x8e: {  	[smem:$0x3FB3] =	sst s2  }
0x8f: {  	_ = 	snop  }
0x90: {  	(tm) =	ssettm $0x1  }
0x91: {  	s17 =	sld [smem:$0x3FFB];
	_ =	sdelay $0x3  }
0x92: {  	_ =	strace s17  }
0x93: {  	s2 =	sld [smem:$0x3FFC];
	_ =	sdelay $0x3  }
0x94: {  	_ =	strace s2  }
0x95: {  	s2 =	sld [smem:$0x3FFD];
	_ =	sdelay $0x3  }
0x96: {  	_ =	strace s2  }
0x97: {  	_ =	strace $0x8FFFFFFF  }
0x98: {  	s18 =	sld [smem:$0x3FDB];
	_ =	sdelay $0x1  }
0x99: {  	s19 =	simm.s32 $_scs_section_size  }
0x9a: {  	s4 =	simm.s32 $_size__tile_overlayer_lowered;
	s5 =	simm.s32 $_tile_overlayer_lowered  }
0x9b: {  	s22 =	simm.s32 $0x1BFF;
	s21 =	sshll.u32 s5, $0x1;
	s2 =	sadd.s32 s19, s18  }
0x9c: {  	s6 =	simm.s32 $0x0;
	s20 =	sshll.u32 s4, $0x1;
	s4 =	sadd.s32 s21, s2  }
0x9d: {  	[timem:s6], [sflag:s22] =	dma.local [hbm:s4], s20  }
0x9e: {  	_ =	swait.ge [sflag:s22], s20  }
0x9f: {  	s3 =	ssub.s32 $0x0, s20;
	[sflag:s22] =	ssyncset.done $0x0  }
0xa0: {  	[sflag:s22] =	ssyncadd.s32 s3;
	_ =	sdelay $0x1  }
0xa1: {  	s23 =	simm.s32 $0x1B8B  }
0xa2: {  	_ =	swait.ge [sflag:s23], $0x1  }
0xa3: {  	[sflag:s23] =	ssyncset.done $0x0  }
0xa4: {  	s25 =	simm.s32 $0x1B8E;
	s24 =	sld [smem:$0x3FFE];
	[sflag:s23] =	ssyncadd.s32 $0xFFFFFFFF  }
0xa5: {  	s26 =	simm.s32 $execute0_lowered;
	[smem:$0x3FD2] =	sst s25  }
0xa6: {  	s4 =	sshll.u32 s26, $0x1;
	_ =	strace $0x80000049;
	[dreg:$0x1] =	wrdreg $0xFFFFFFFF  }
0xa7: {  	s28 =	simm.s32 $_size_execute0_lowered;
	s2 =	sadd.s32 s2, s4;
	[dreg:$0x0] =	wrdreg $0x0  }
0xa8: {  	s4 =	sshll.u32 s28, $0x1;
	[dreg:$0x2] =	wrdreg s2  }
0xa9: {  	[dreg:$0x3] =	wrdreg s4  }
0xaa: {  	[dreg:$0x4] =	wrdreg $0xC0  }
0xab: {  	_ =	task [dreg:s6], $0x5FFFF  }
0xac: {  	[dreg:$0x1] =	wrdreg $0xFFFFFFFF  }
0xad: {  	[dreg:$0x0] =	wrdreg $0x60  }
0xae: {  	[dreg:$0x2] =	wrdreg s24  }
0xaf: {  	[dreg:$0x3] =	wrdreg $0x8B000  }
0xb0: {  	[dreg:$0x4] =	wrdreg $0x9  }
0xb1: {  	_ =	task.clear_ibuf [dreg:s6], $0x5FFFF;
	_ =	strace $0x90000049  }
0xb2: {  	s29 =	simm.s32 $0x9;
	_ =	strace $0x8000004B  }
0xb3: {  	_ =	swait.ge [sflag:s29], $0x1  }
0xb4: {  	[sflag:s29] =	ssyncadd.s32 $0xFFFFFFFF  }
0xb5: {  	_ =	strace $0x9000004B  }
0xb6: {  	_ =	sfence  }
0xb7: {  	s30 =	sld [smem:$0x0];
	_ =	sdelay $0x2  }
0xb8: {  	s31 =	sshll.u32 s1, $0xD;
	s1 =	sshrl.u32 s1, $0x2  }
0xb9: {  	s3 =	sand.u32 $0x4000, s31;
	s1 =	sadd.s32 s1, s30  }
0xba: {  	s0 =	sor.u32 s3, s0;
	s1 =	sshll.u32 s1, $0x11  }
0xbb: {  	s0 =	sor.u32 s1, s0  }
0xbc: {  	s0 =	sadd.s32 $0x8F2B, s0  }
0xbd: {  	[sflag:s0] =	ssyncadd.remote.s32 $0x1  }
0xbe: {  	_ =	sfence.sel $0xFFFF  }
0xbf: {  	[dreg:$0x0] =	wrdreg $0xFFFFFFFF;
	(pc) =	sbr.abs _section_cstart, $3  }
0xc0: {  	[dreg:$0x1] =	wrdreg $0xFFFFFFFF  }
0xc1: {  	_ =	task.clear_ibuf [dreg:s6], $0x2FFFF;
	_ =	strace $0x9FFFFFFF  }
0xc2: {  	(tm) =	ssettm $0x7FFFFFFF  }
0xc3: {  	_ =	shalt  }
tec
execute0_lowered:
.L_overlay_start_1:
0x0: {  	(tag) =	ssettag $0x1  }
0x1: {  	s0 =	rddreg [dreg:$0x0]  }
0x2: {  	s1 =	rddreg [dreg:$0x1];
	s2 =	srdreg.scid  }
0x3: {  	s3 =	simm.s32 $0x0;
	s12 =	stileid.u32;
	s28 =	simm.s32 $0x180  }
0x4: {  	s29 =	simm.s32 $0x3;
	s30 =	simm.s32 $0x4;
	s6 =	smul.u32 $0x14000, s12  }
0x5: {  	s31 =	simm.s32 $0x4200;
	s2 =	sand.u32 $0x1, s2;
	s7 =	smul.u32 $0x50000, s12  }
0x6: {  	[smem:$0x7FF] =	sst s3;
	s4 =	sadd.s32 $0x1B400, s0;
	s18 =	smul.u32 $0x4E20, s12  }
0x7: {  	s26 =	sshll.u32 s12, $0x1;
	s12 =	simm.s32 $0x10;
	s5 =	smul.u32 $0x140000, s2  }
0x8: {  	_ =	strace $0x8000004A;
	s9 =	ssub.s32 $0x2, s2;
	s10 =	sor.u32 s2, s26  }
0x9: {  	s2 =	smul.u32 $0x2710, s2;
	s7 =	sshrl.u32 s7, $0x2;
	s11 =	sshrl.u32 s9, $0x1  }
0xa: {  	s10 =	smul.u32 $0x2710, s10;
	s6 =	sadd.s32 s6, s5;
	s5 =	sadd.s32 $0x7A00, s0  }
0xb: {  	s25 =	sadd.s32 s2, s18;
	s8 =	sshrl.u32 s6, $0x3;
	s6 =	sadd.s32 s7, s1  }
0xc: {  	s7 =	ssub.s32 s9, s11;
	s16 =	sshrl.u32 s10, $0x3;
	s2 =	sadd.s32 $0x4E300, s25  }
0xd: {  	s26 =	sadd.s32 $0x180, s25;
	s9 =	simm.s32 $0x8200;
	s13 =	sadd.s32 $0x4000, s6  }
0xe: {  	s10 =	simm.s32 $0x8280;
	s14 =	sadd.s32 $0x8000, s6;
	[dreg:$0x3] =	wrdreg s13  }
0xf: {  	s0 =	sadd.s32 s8, s0;
	s15 =	sadd.s32 $0xC000, s6;
	[dreg:$0x4] =	wrdreg s14  }
0x10: {  	s17 =	sadd.s32 $0x10000, s6;
	s11 =	sadd.s32 s5, s16;
	[dreg:$0x5] =	wrdreg s15  }
0x11: {  	s24 =	smax.u32 s7, $0x1;
	s2 =	sshrl.u32 s2, $0x3;
	[dreg:$0x6] =	wrdreg s17  }
0x12: {  	s7 =	sshrl.u32 s26, $0x3;
	s19 =	sadd.s32 $0x9C40, s11;
	[dreg:$0xd] =	wrdreg s24  }
0x13: {  	s26 =	simm.s32 $0x100;
	s20 =	sadd.s32 $0x10, s11;
	[dreg:$0x7] =	wrdreg s19  }
0x14: {  	s8 =	simm.s32 $0x2;
	s21 =	sadd.s32 $0x9C50, s11;
	[dreg:$0x8] =	wrdreg s20  }
0x15: {  	s22 =	sadd.s32 $0x4E0, s11;
	s23 =	sadd.s32 $0xA120, s11;
	[dreg:$0x9] =	wrdreg s21  }
0x16: {  	s0 =	sadd.s32 $0x6B400, s0;
	s24 =	simm.s32 $0x7;
	[dreg:$0xa] =	wrdreg s22  }
0x17: {  	s13 =	simm.s32 $0x8300;
	s14 =	simm.s32 $0x0;
	[dreg:$0xb] =	wrdreg s23  }
0x18: {  	[dreg:$0xc] =	wrdreg s0;
	s19 =	sadd.s32 $0x100, s25;
	s0 =	sadd.s32 $0x4E380, s25  }
0x19: {  	s20 =	sadd.s32 s2, s5;
	s21 =	sadd.s32 s7, s5;
	s23 =	simm.s32 $0x200  }
0x1a: {  	s25 =	simm.s32 $0x80;
	s2 =	simm.s32 $0x6;
	s0 =	sshrl.u32 s0, $0x3  }
0x1b: {  	v0 =	vimm.f32 $0.0e+00;
	s7 =	simm.s32 $0x1;
	s22 =	sadd.s32 s0, s5;
	s0 =	simm.s32 $0x5  }
.LBB2_1:
0x1c: {  	s15 =	simm.s32 $0x0;
	s16 =	simm.s32 $0x200  }
.LBB2_2:
0x1d: {  	p0 =	sne.s32 s16, $0xFE00;
	[tilespmem:s15+$0x270] =	vst v0  }
0x1e: {  	[tilespmem:s15+$0x200] =	vst v0  }
0x1f: {  	[tilespmem:s15+$0x210] =	vst v0  }
.Ltmp0:
0x20: {  	[tilespmem:s15+$0x220] =	vst v0;
	(pc) =	sbr.rel @p0 .LBB2_2-.Ltmp0, $4  }
0x21: {  	[tilespmem:s15+$0x230] =	vst v0  }
0x22: {  	[tilespmem:s15+$0x240] =	vst v0  }
0x23: {  	[tilespmem:s15+$0x250] =	vst v0  }
0x24: {  	[tilespmem:s15+$0x260] =	vst v0;
	s15 =	sshra.s32 s16, $0x2;
	s16 =	sadd.s32 $0x200, s16  }
0x25: {  	[tilespmem:s15+$0x270] =	vst v0  }
0x26: {  	[tilespmem:s15+$0x200] =	vst v0  }
0x27: {  	[tilespmem:s15+$0x210] =	vst v0  }
0x28: {  	[tilespmem:s15+$0x220] =	vst v0  }
0x29: {  	[tilespmem:s15+$0x230] =	vst v0  }
0x2a: {  	[tilespmem:s15+$0x240] =	vst v0  }
0x2b: {  	[tilespmem:s15+$0x250] =	vst v0  }
0x2c: {  	[tilespmem:s15+$0x260] =	vst v0  }
0x2d: {  	[spmem:s6] =	stream.linear.scatter [tilespmem:s23], [sflag:$0x7], $0x4000, $0x38;
	[tilespmem:$0x1CB00] =	vst v63  }
0x2e: {  	_ =	swait.ge [sflag:s24], $0x4000  }
0x2f: {  	[sflag:s24] =	ssyncset.done $0x0  }
0x30: {  	s16 =	rddreg [dreg:$0x3];
	[sflag:s24] =	ssyncadd.s32 $0xFFFFC000  }
0x31: {  	[spmem:s16] =	stream.linear.scatter [tilespmem:s23], [sflag:$0x7], $0x4000, $0x38;
	[tilespmem:$0x1CB00] =	vst v63  }
0x32: {  	_ =	swait.ge [sflag:s24], $0x4000  }
0x33: {  	[sflag:s24] =	ssyncset.done $0x0  }
0x34: {  	s17 =	rddreg [dreg:$0x4];
	[sflag:s24] =	ssyncadd.s32 $0xFFFFC000  }
0x35: {  	[spmem:s17] =	stream.linear.scatter [tilespmem:s23], [sflag:$0x7], $0x4000, $0x38;
	[tilespmem:$0x1CB00] =	vst v63  }
0x36: {  	_ =	swait.ge [sflag:s24], $0x4000  }
0x37: {  	[sflag:s24] =	ssyncset.done $0x0  }
0x38: {  	s18 =	rddreg [dreg:$0x5];
	[sflag:s24] =	ssyncadd.s32 $0xFFFFC000  }
0x39: {  	[spmem:s18] =	stream.linear.scatter [tilespmem:s23], [sflag:$0x7], $0x4000, $0x38;
	[tilespmem:$0x1CB00] =	vst v63  }
0x3a: {  	_ =	swait.ge [sflag:s24], $0x4000  }
0x3b: {  	[sflag:s24] =	ssyncset.done $0x0  }
0x3c: {  	s16 =	rddreg [dreg:$0x6];
	[sflag:s24] =	ssyncadd.s32 $0xFFFFC000  }
0x3d: {  	[spmem:s16] =	stream.linear.scatter [tilespmem:s23], [sflag:$0x7], $0x4000, $0x38;
	[tilespmem:$0x1CB00] =	vst v63  }
0x3e: {  	_ =	swait.ge [sflag:s24], $0x4000  }
0x3f: {  	[sflag:s24] =	ssyncset.done $0x0  }
0x40: {  	[sflag:s24] =	ssyncadd.s32 $0xFFFFC000  }
0x41: {  	s15 =	simm.s32 $0x0;
	[bflag:$0x0] =	sbarrier.arrive $0xFFFF  }
0x42: {  	[tilespmem:s15], [sflag:$0x7] =	stream.linear.gather [hbm4b:s11+s15], $0x80, $0x38;
	[tilespmem:$0x1CB00] =	vst v63  }
0x43: {  	_ =	swait.ge [sflag:s24], $0x80  }
0x44: {  	[sflag:s24] =	ssyncset.done $0x0  }
0x45: {  	s16 =	rddreg [dreg:$0x7];
	[sflag:s24] =	ssyncadd.s32 $0xFFFFFF80  }
0x46: {  	[tilespmem:s25], [sflag:$0x7] =	stream.linear.gather [hbm4b:s16+s15], $0x80, $0x38;
	[tilespmem:$0x1CB00] =	vst v63  }
0x47: {  	_ =	swait.ge [sflag:s24], $0x80  }
0x48: {  	[sflag:s24] =	ssyncset.done $0x0  }
0x49: {  	[sflag:s24] =	ssyncadd.s32 $0xFFFFFF80  }
0x4a: {  	[tilespmem:s23], [sflag:$0x5] =	stream.indirect.gather [hbm4b:s4+s25], $0x80, s15, s25, $0xb8;
	[tilespmem:$0x1CB00] =	vst v63  }
0x4b: {  	s17 =	rddreg [dreg:$0x8]  }
0x4c: {  	[tilespmem:s26], [sflag:$0x3] =	stream.linear.gather [hbm4b:s17+s15], $0x80, $0x38;
	[tilespmem:$0x1CB00] =	vst v63  }
0x4d: {  	s18 =	rddreg [dreg:$0x9]  }
0x4e: {  	[tilespmem:s28], [sflag:$0x4] =	stream.linear.gather [hbm4b:s18+s15], $0x80, $0x38;
	[tilespmem:$0x1CB00] =	vst v63  }
0x4f: {  	_ =	swait.ge [sflag:s29], $0x80  }
0x50: {  	[sflag:s29] =	ssyncset.done $0x0  }
0x51: {  	[sflag:s29] =	ssyncadd.s32 $0xFFFFFF80  }
0x52: {  	_ =	swait.ge [sflag:s30], $0x80  }
0x53: {  	[sflag:s30] =	ssyncset.done $0x0  }
0x54: {  	[sflag:s30] =	ssyncadd.s32 $0xFFFFFF80  }
0x55: {  	[tilespmem:s31], [sflag:$0x6] =	stream.indirect.gather [hbm4b:s4+s25], $0x80, s26, s25, $0xb8;
	[tilespmem:$0x1CB00] =	vst v63  }
0x56: {  	_ =	swait.ge [sflag:s0], $0x4000  }
0x57: {  	[sflag:s0] =	ssyncset.done $0x0  }
0x58: {  	[sflag:s0] =	ssyncadd.s32 $0xFFFFC000  }
0x59: {  	[spmem:s1] =	stream.indirect.scatter.add.f32 [tilespmem:s23], [sflag:$0x7], $0x80, s25, s25, $0xb8;
	[tilespmem:$0x1CB00] =	vst v63  }
0x5a: {  	_ =	swait.ge [sflag:s24], $0x4000  }
0x5b: {  	s16 =	sshrl.u32 s19, $0x3;
	[sflag:s24] =	ssyncset.done $0x0  }
0x5c: {  	s15 =	sadd.s32 s5, s16;
	[sflag:s24] =	ssyncadd.s32 $0xFFFFC000  }
0x5d: {  	[tilespmem:s3], [sflag:$0x1] =	stream.linear.gather [hbm4b:s15+s3], $0x80, $0x38;
	[tilespmem:$0x1CB00] =	vst v63  }
0x5e: {  	s17 =	sadd.s32 $0x0, s20  }
0x5f: {  	[tilespmem:s25], [sflag:$0x2] =	stream.linear.gather [hbm4b:s17+s3], $0x80, $0x38;
	[tilespmem:$0x1CB00] =	vst v63  }
0x60: {  	_ =	swait.ge [sflag:s2], $0x4000  }
0x61: {  	[sflag:s2] =	ssyncset.done $0x0  }
0x62: {  	[sflag:s2] =	ssyncadd.s32 $0xFFFFC000  }
0x63: {  	[spmem:s1] =	stream.indirect.scatter.add.f32 [tilespmem:s31], [sflag:$0x7], $0x80, s28, s25, $0xb8;
	[tilespmem:$0x1CB00] =	vst v63  }
0x64: {  	_ =	swait.ge [sflag:s24], $0x4000  }
0x65: {  	[sflag:s24] =	ssyncset.done $0x0  }
0x66: {  	[sflag:s24] =	ssyncadd.s32 $0xFFFFC000  }
0x67: {  	_ =	swait.ge [sflag:s7], $0x80  }
0x68: {  	[sflag:s7] =	ssyncset.done $0x0  }
0x69: {  	[sflag:s7] =	ssyncadd.s32 $0xFFFFFF80  }
0x6a: {  	_ =	swait.ge [sflag:s8], $0x80  }
0x6b: {  	[sflag:s8] =	ssyncset.done $0x0  }
0x6c: {  	s18 =	sadd.s32 $0x0, s21;
	[sflag:s8] =	ssyncadd.s32 $0xFFFFFF80  }
0x6d: {  	[tilespmem:s23], [sflag:$0x5] =	stream.indirect.gather [hbm4b:s4+s25], $0x80, s3, s25, $0xb8;
	[tilespmem:$0x1CB00] =	vst v63  }
0x6e: {  	s16 =	sadd.s32 $0x100, s19;
	s15 =	simm.s32 $0x20;
	s17 =	sadd.s32 $0x0, s22  }
0x6f: {  	[tilespmem:s26], [sflag:$0x3] =	stream.linear.gather [hbm4b:s18+s3], $0x80, $0x38;
	[tilespmem:$0x1CB00] =	vst v63  }
.LBB2_4:
0x70: {  	[tilespmem:s28], [sflag:$0x4] =	stream.linear.gather [hbm4b:s17+s3], $0x80, $0x38;
	[tilespmem:$0x1CB00] =	vst v63  }
0x71: {  	s17 =	smov.u32 s15  }
0x72: {  	p0 =	sne.s32 s15, $0x4A0;
	s15 =	sadd.s32 $0x20, s15;
	_ =	swait.ge [sflag:s29], $0x80  }
0x73: {  	[sflag:s29] =	ssyncset.done $0x0  }
0x74: {  	[sflag:s29] =	ssyncadd.s32 $0xFFFFFF80  }
0x75: {  	_ =	swait.ge [sflag:s30], $0x80  }
0x76: {  	[sflag:s30] =	ssyncset.done $0x0  }
0x77: {  	[sflag:s30] =	ssyncadd.s32 $0xFFFFFF80  }
0x78: {  	[tilespmem:s31], [sflag:$0x6] =	stream.indirect.gather [hbm4b:s4+s25], $0x80, s26, s25, $0xb8;
	[tilespmem:$0x1CB00] =	vst v63  }
0x79: {  	_ =	swait.ge [sflag:s0], $0x4000  }
0x7a: {  	[sflag:s0] =	ssyncset.done $0x0  }
0x7b: {  	[sflag:s0] =	ssyncadd.s32 $0xFFFFC000  }
0x7c: {  	[spmem:s1] =	stream.indirect.scatter.add.f32 [tilespmem:s23], [sflag:$0x7], $0x80, s25, s25, $0xb8;
	[tilespmem:$0x1CB00] =	vst v63  }
0x7d: {  	_ =	swait.ge [sflag:s24], $0x4000  }
0x7e: {  	s18 =	sshrl.u32 s16, $0x3;
	[sflag:s24] =	ssyncset.done $0x0  }
0x7f: {  	s18 =	sadd.s32 s5, s18;
	[sflag:s24] =	ssyncadd.s32 $0xFFFFC000  }
0x80: {  	[tilespmem:s3], [sflag:$0x1] =	stream.linear.gather [hbm4b:s18+s3], $0x80, $0x38;
	[tilespmem:$0x1CB00] =	vst v63  }
0x81: {  	s18 =	sadd.s32 s17, s20  }
0x82: {  	[tilespmem:s25], [sflag:$0x2] =	stream.linear.gather [hbm4b:s18+s3], $0x80, $0x38;
	[tilespmem:$0x1CB00] =	vst v63  }
0x83: {  	_ =	swait.ge [sflag:s2], $0x4000  }
0x84: {  	[sflag:s2] =	ssyncset.done $0x0  }
0x85: {  	[sflag:s2] =	ssyncadd.s32 $0xFFFFC000  }
0x86: {  	[spmem:s1] =	stream.indirect.scatter.add.f32 [tilespmem:s31], [sflag:$0x7], $0x80, s28, s25, $0xb8;
	[tilespmem:$0x1CB00] =	vst v63  }
0x87: {  	_ =	swait.ge [sflag:s24], $0x4000  }
0x88: {  	[sflag:s24] =	ssyncset.done $0x0  }
0x89: {  	[sflag:s24] =	ssyncadd.s32 $0xFFFFC000  }
0x8a: {  	_ =	swait.ge [sflag:s7], $0x80  }
0x8b: {  	[sflag:s7] =	ssyncset.done $0x0  }
0x8c: {  	[sflag:s7] =	ssyncadd.s32 $0xFFFFFF80  }
0x8d: {  	_ =	swait.ge [sflag:s8], $0x80  }
0x8e: {  	[sflag:s8] =	ssyncset.done $0x0  }
.Ltmp1:
0x8f: {  	[sflag:s8] =	ssyncadd.s32 $0xFFFFFF80;
	(pc) =	sbr.rel @p0 .LBB2_4-.Ltmp1, $4  }
0x90: {  	[tilespmem:s23], [sflag:$0x5] =	stream.indirect.gather [hbm4b:s4+s25], $0x80, s3, s25, $0xb8;
	[tilespmem:$0x1CB00] =	vst v63  }
0x91: {  	s18 =	sadd.s32 s17, s21  }
0x92: {  	[tilespmem:s26], [sflag:$0x3] =	stream.linear.gather [hbm4b:s18+s3], $0x80, $0x38;
	[tilespmem:$0x1CB00] =	vst v63  }
0x93: {  	s16 =	sadd.s32 $0x100, s16;
	s17 =	sadd.s32 s17, s22  }
0x94: {  	[tilespmem:s28], [sflag:$0x4] =	stream.linear.gather [hbm4b:s17+s3], $0x80, $0x38;
	[tilespmem:$0x1CB00] =	vst v63  }
0x95: {  	_ =	swait.ge [sflag:s29], $0x80  }
0x96: {  	[sflag:s29] =	ssyncset.done $0x0  }
0x97: {  	[sflag:s29] =	ssyncadd.s32 $0xFFFFFF80  }
0x98: {  	_ =	swait.ge [sflag:s30], $0x80  }
0x99: {  	[sflag:s30] =	ssyncset.done $0x0  }
0x9a: {  	[sflag:s30] =	ssyncadd.s32 $0xFFFFFF80  }
0x9b: {  	[tilespmem:s31], [sflag:$0x6] =	stream.indirect.gather [hbm4b:s4+s25], $0x80, s26, s25, $0xb8;
	[tilespmem:$0x1CB00] =	vst v63  }
0x9c: {  	_ =	swait.ge [sflag:s0], $0x4000  }
0x9d: {  	[sflag:s0] =	ssyncset.done $0x0  }
0x9e: {  	[sflag:s0] =	ssyncadd.s32 $0xFFFFC000  }
0x9f: {  	[spmem:s1] =	stream.indirect.scatter.add.f32 [tilespmem:s23], [sflag:$0x7], $0x80, s25, s25, $0xb8;
	[tilespmem:$0x1CB00] =	vst v63  }
0xa0: {  	_ =	swait.ge [sflag:s24], $0x4000  }
0xa1: {  	[sflag:s24] =	ssyncset.done $0x0  }
0xa2: {  	[sflag:s24] =	ssyncadd.s32 $0xFFFFC000  }
0xa3: {  	_ =	swait.ge [sflag:s2], $0x4000  }
0xa4: {  	[sflag:s2] =	ssyncset.done $0x0  }
0xa5: {  	[sflag:s2] =	ssyncadd.s32 $0xFFFFC000  }
0xa6: {  	[spmem:s1] =	stream.indirect.scatter.add.f32 [tilespmem:s31], [sflag:$0x7], $0x80, s28, s25, $0xb8;
	[tilespmem:$0x1CB00] =	vst v63  }
0xa7: {  	_ =	swait.ge [sflag:s24], $0x4000  }
0xa8: {  	[sflag:s24] =	ssyncset.done $0x0  }
0xa9: {  	s15 =	rddreg [dreg:$0xa];
	[sflag:s24] =	ssyncadd.s32 $0xFFFFC000  }
0xaa: {  	[tilespmem:s9], [sflag:$0x7] =	stream.linear.gather [hbm4b:s15+s3], $0x10, $0x38;
	[tilespmem:$0x1CB00] =	vst v63  }
0xab: {  	_ =	swait.ge [sflag:s24], $0x10  }
0xac: {  	[sflag:s24] =	ssyncset.done $0x0  }
0xad: {  	s16 =	rddreg [dreg:$0xb];
	[sflag:s24] =	ssyncadd.s32 $0xFFFFFFF0  }
0xae: {  	[tilespmem:s10], [sflag:$0x7] =	stream.linear.gather [hbm4b:s16+s3], $0x10, $0x38;
	[tilespmem:$0x1CB00] =	vst v63  }
0xaf: {  	_ =	swait.ge [sflag:s24], $0x10  }
0xb0: {  	[sflag:s24] =	ssyncset.done $0x0  }
0xb1: {  	[sflag:s24] =	ssyncadd.s32 $0xFFFFFFF0  }
0xb2: {  	[tilespmem:s13], [sflag:$0x5] =	stream.indirect.gather [hbm4b:s4+s12], $0x80, s9, s12, $0xb8;
	[tilespmem:$0x1CB00] =	vst v63  }
0xb3: {  	_ =	swait.ge [sflag:s0], $0x800  }
0xb4: {  	[sflag:s0] =	ssyncset.done $0x0  }
0xb5: {  	[sflag:s0] =	ssyncadd.s32 $0xFFFFF800  }
0xb6: {  	[spmem:s1] =	stream.indirect.scatter.add.f32 [tilespmem:s13], [sflag:$0x7], $0x80, s10, s12, $0xb8;
	[tilespmem:$0x1CB00] =	vst v63  }
0xb7: {  	_ =	swait.ge [sflag:s24], $0x800  }
0xb8: {  	[sflag:s24] =	ssyncset.done $0x0  }
0xb9: {  	s17 =	stileid.u32;
	[sflag:s24] =	ssyncadd.s32 $0xFFFFF800  }
0xba: {  	s15 =	sshll.u32 s17, $0x6;
	[bflag:$0x0] =	sbarrier.arrive $0xFFFF  }
0xbb: {  	s15 =	sor.u32 $0x1C07, s15;
	s16 =	sshrl.u32 s6, $0x3;
	s18 =	rddreg [dreg:$0xc]  }
0xbc: {  	[hbm:s18], [sflag:s15] =	dma.local [spmem:s16], $0x2800  }
0xbd: {  	_ =	swait.ge [sflag:s24], $0x2800  }
0xbe: {  	s14 =	sadd.s32 $0x1, s14;
	s18 =	rddreg [dreg:$0xd]  }
0xbf: {  	p0 =	sne.s32 s14, s18  }
.Ltmp2:
0xc0: {  	_ = 	snop;
	(pc) =	sbr.rel @p0 .LBB2_1-.Ltmp2, $3  }
0xc1: {  	_ =	sdelay $0x1  }
0xc2: {  	[sflag:s24] =	ssyncset.done $0x0  }
0xc3: {  	[sflag:s24] =	ssyncadd.s32 $0xFFFFD800  }
0xc4: {  	_ =	sfence.sel $0x180000  }
0xc5: {  	[bflag:$0x0] =	sbarrier.arrive $0xFFFF  }
0xc6: {  	_ =	strace $0x9000004A  }
0xc7: {  	s0 =	stileid.u32;
	[bflag:$0x2] =	sbarrier.arrive $0xFFFF  }
0xc8: {  	p0 =	sne.s32 s0, $0x0;
	s0 =	rddreg [dreg:$0x2]  }
0xc9: {  	s0 =	sadd.s32 @!p0 $0x100000, s0  }
0xca: {  	[sflag:s0] =	ssyncadd.tile.s32 @!p0 $0x1;
	_ =	shalt  }
.Lfunc_end2:
_tile_overlayer_lowered:
.L_overlay_start_2:
0xcb: {  	(tag) =	ssettag $0x2  }
0xcc: {  	s0 =	rddreg [dreg:$0x0];
	s2 =	stileid.u32  }
0xcd: {  	s1 =	rddreg [dreg:$0x1];
	p0 =	sne.s32 s2, $0x0  }
0xce: {  	s3 =	rddreg [dreg:$0x2];
	[bflag:$0x3] =	sbarrier.arrive $0xFFFF;
	s2 =	simm.s32 @!p0 $0x1C07  }
0xcf: {  	[timem:s3], [sflag:s2] =	dma.local @!p0 [hbm:s0], s1  }
0xd0: {  	s0 =	simm.s32 @!p0 $0x7  }
0xd1: {  	_ =	swait.ge @!p0 [sflag:s0], s1  }
0xd2: {  	s1 =	ssub.s32 @!p0 $0x0, s1;
	[sflag:s0] =	ssyncset.done @!p0 $0x0  }
0xd3: {  	[sflag:s0] =	ssyncadd.s32 @!p0 s1  }
0xd4: {  	[bflag:$0x3] =	sbarrier.arrive $0xFFFF  }
0xd5: {  	_ =	shalt  }

// kernel: kernel.15.cloned.1.call-start
scs
__scs_entry_jumppad:
0x0: {  	(pc) =	sbr.rel $0x88, $3  }
0x1: {  	(tag) =	ssettag $0x0;
	lr =	simm.s32 $0x1  }
0x2: {  	[smem:$0x3F8C] =	sst lr;
	_ =	strace $0xD0000000  }
0x3: {  	_ = 	snop  }
0x4: {  	_ = 	snop  }
0x5: {  	_ = 	snop  }
0x6: {  	_ = 	snop  }
0x7: {  	_ = 	snop  }
__scs_overlays_trampoline_lowered:
0x8: {  	[smem:$0x3F9B] =	sst s0  }
0x9: {  	[smem:$0x3F9C] =	sst s1  }
0xa: {  	[smem:$0x3F9D] =	sst s2  }
0xb: {  	[smem:$0x3F9E] =	sst s3  }
0xc: {  	[smem:$0x3F9F] =	sst s4  }
0xd: {  	[smem:$0x3FA0] =	sst s5  }
0xe: {  	[smem:$0x3FA1] =	sst s6  }
0xf: {  	[smem:$0x3FA2] =	sst s7  }
0x10: {  	[smem:$0x3FA3] =	sst s8  }
0x11: {  	[smem:$0x3FA4] =	sst s9;
	s0 =	simm.s32 @!p0 $0x0  }
0x12: {  	s1 =	sld [smem:$0x3F8A];
	s0 =	simm.s32 @p0 $0x1  }
0x13: {  	[smem:$0x3FA5] =	sst s0;
	s0 =	simm.s32 @!p1 $0x0  }
0x14: {  	s2 =	sld [smem:$0x3F89];
	s0 =	simm.s32 @p1 $0x1  }
0x15: {  	[smem:$0x3FA6] =	sst s0;
	s0 =	simm.s32 @!p2 $0x0  }
0x16: {  	s3 =	sld [smem:$0x3FDB];
	s0 =	simm.s32 @p2 $0x1  }
0x17: {  	s4 =	simm.s32 $0x1BF5;
	[smem:$0x3FA8] =	sst s0  }
0x18: {  	s0 =	sld [smem:$0x3F8B];
	_ =	swait.ge [sflag:s4], $0x0  }
0x19: {  	s7 =	sld [smem:$0x3F8C]  }
0x1a: {  	s8 =	sadd.s32 $0xFFFFE003, lr  }
0x1b: {  	s9 =	sadd.s32 $0xFFFFFEF7, lr;
	s5 =	simm.s32 $0xFFFFFFFF;
	p2 =	slt.u32 s8, $0xFFFFF086  }
0x1c: {  	p1 =	slt.u32 s9, $0xF7A;
	s5 =	simm.s32 @!p2 $0x0  }
0x1d: {  	s5 =	simm.s32 @p1 $0x1;
	p0 =	seq.s32 s7, s2  }
0x1e: {  	s7 =	smul.u32 @!p0 $0xF7A, s2;
	p2 =	seq.s32 @!p0 s5, $0x0  }
0x1f: {  	s9 =	smul.u32 $0xF7A, s1;
	s8 =	simm.s32 @!p0 $0x1BF5;
	p2 =	por !p2, p0  }
0x20: {  	[sflag:s8] =	ssyncset.s32 @!p0 $0xFFFFF086;
	s6 =	sadd.s32 @!p0 s3, s7;
	s7 =	simm.s32 @!p0 $0x108  }
0x21: {  	s3 =	sadd.s32 s3, s9;
	s6 =	sadd.s32 @!p0 $0x88, s6;
	s7 =	simm.s32 @p2 $0x1082  }
0x22: {  	[simem:s7], [sflag:s8] =	dma.local @!p0 [hbm:s6], $0xF7A  }
0x23: {  	s9 =	sor.u32 $0xD0000000, s2;
	s6 =	simm.s32 $0x108;
	_ =	swait.ge @!p0 [sflag:s8], $0x0  }
0x24: {  	s3 =	sadd.s32 $0x88, s3;
	s6 =	simm.s32 @!p1 $0x1082;
	[sflag:s4] =	ssyncset.s32 $0xFFFFF086  }
0x25: {  	[simem:s6], [sflag:s4] =	dma.local [hbm:s3], $0xF7A  }
0x26: {  	[smem:$0x3F8C] =	sst s1;
	(tag) =	ssettag s2;
	_ =	strace s9  }
0x27: {  	s1 =	sld [smem:$0x3F9C]  }
0x28: {  	s2 =	sld [smem:$0x3F9D]  }
0x29: {  	s4 =	sld [smem:$0x3F9F]  }
0x2a: {  	p0 =	seq.s32 s5, $0x0;
	s5 =	sld [smem:$0x3FA0]  }
0x2b: {  	s6 =	sld [smem:$0x3FA1]  }
0x2c: {  	s7 =	sld [smem:$0x3FA2]  }
0x2d: {  	s3 =	simm.s32 $0x108;
	s8 =	sld [smem:$0x3FA3]  }
0x2e: {  	s3 =	simm.s32 @!p0 $0x1082;
	s9 =	sld [smem:$0x3FA4]  }
0x2f: {  	lr =	sadd.s32 s0, s3;
	s0 =	sld [smem:$0x3F9B]  }
0x30: {  	s3 =	sld [smem:$0x3F9E]  }
0x31: {  	[smem:$0x3FA7] =	sst s10  }
0x32: {  	s10 =	sld [smem:$0x3FA5];
	_ =	sdelay $0x3  }
0x33: {  	p0 =	seq.s32 s10, $0x1;
	s10 =	sld [smem:$0x3FA7];
	_ =	sdelay $0x3  }
0x34: {  	[smem:$0x3FA7] =	sst s10  }
0x35: {  	s10 =	sld [smem:$0x3FA6];
	_ =	sdelay $0x3  }
0x36: {  	p1 =	seq.s32 s10, $0x1;
	s10 =	sld [smem:$0x3FA7];
	_ =	sdelay $0x3  }
0x37: {  	[smem:$0x3FA7] =	sst s10  }
0x38: {  	s10 =	sld [smem:$0x3FA8]  }
0x39: {  	_ = 	snop;
	(pc) =	sbr.ind lr, $3  }
0x3a: {  	_ = 	snop  }
0x3b: {  	_ = 	snop  }
0x3c: {  	p2 =	seq.s32 s10, $0x1;
	s10 =	sld [smem:$0x3FA7]  }
0x3d: {  	_ =	shalt  }
0x3e: {  	_ =	shalt  }
0x3f: {  	_ =	shalt  }
0x40: {  	_ =	shalt  }
0x41: {  	_ =	shalt  }
0x42: {  	_ =	shalt  }
0x43: {  	_ =	shalt  }
0x44: {  	_ =	shalt  }
0x45: {  	_ =	shalt  }
0x46: {  	_ =	shalt  }
0x47: {  	_ =	shalt  }
0x48: {  	_ =	shalt  }
0x49: {  	_ =	shalt  }
0x4a: {  	_ =	shalt  }
0x4b: {  	_ =	shalt  }
0x4c: {  	_ =	shalt  }
0x4d: {  	_ =	shalt  }
0x4e: {  	_ =	shalt  }
0x4f: {  	_ =	shalt  }
0x50: {  	_ =	shalt  }
0x51: {  	_ =	shalt  }
0x52: {  	_ =	shalt  }
0x53: {  	_ =	shalt  }
0x54: {  	_ =	shalt  }
0x55: {  	_ =	shalt  }
0x56: {  	_ =	shalt  }
0x57: {  	_ =	shalt  }
0x58: {  	_ =	shalt  }
0x59: {  	_ =	shalt  }
0x5a: {  	_ =	shalt  }
0x5b: {  	_ =	shalt  }
0x5c: {  	_ =	shalt  }
0x5d: {  	_ =	shalt  }
0x5e: {  	_ =	shalt  }
0x5f: {  	_ =	shalt  }
0x60: {  	_ =	shalt  }
0x61: {  	_ =	shalt  }
0x62: {  	_ =	shalt  }
0x63: {  	_ =	shalt  }
0x64: {  	_ =	shalt  }
0x65: {  	_ =	shalt  }
0x66: {  	_ =	shalt  }
0x67: {  	_ =	shalt  }
0x68: {  	_ =	shalt  }
0x69: {  	_ =	shalt  }
0x6a: {  	_ =	shalt  }
0x6b: {  	_ =	shalt  }
0x6c: {  	_ =	shalt  }
0x6d: {  	_ =	shalt  }
0x6e: {  	_ =	shalt  }
0x6f: {  	_ =	shalt  }
0x70: {  	_ =	shalt  }
0x71: {  	_ =	shalt  }
0x72: {  	_ =	shalt  }
0x73: {  	_ =	shalt  }
0x74: {  	_ =	shalt  }
0x75: {  	_ =	shalt  }
0x76: {  	_ =	shalt  }
0x77: {  	_ =	shalt  }
0x78: {  	_ =	shalt  }
0x79: {  	_ =	shalt  }
0x7a: {  	_ =	shalt  }
0x7b: {  	_ =	shalt  }
0x7c: {  	_ =	shalt  }
0x7d: {  	_ =	shalt  }
0x7e: {  	_ =	shalt  }
0x7f: {  	_ =	shalt  }
0x80: {  	_ =	shalt  }
0x81: {  	_ =	shalt  }
0x82: {  	_ =	shalt  }
0x83: {  	_ =	shalt  }
0x84: {  	_ =	shalt  }
0x85: {  	_ =	shalt  }
0x86: {  	_ =	shalt  }
0x87: {  	_ =	shalt  }
.Lfunc_end0:
.L_simem_size_0:
called_computation.2_lowered:
.L_overlay_start_0:
0x88: {  	s2 =	sld [smem:$0x3FD9]  }
0x89: {  	s3 =	sld [smem:$0x3FFE];
	_ =	sdelay $0x1  }
0x8a: {  	s1 =	srdreg.scid  }
0x8b: {  	s0 =	sand.u32 $0x1, s1  }
0x8c: {  	s16 =	sshll.u32 s0, $0xA;
	s2 =	sadd.s32 s3, s2  }
0x8d: {  	s2 =	sadd.s32 s2, s16  }
0x8e: {  	[smem:$0x3FB3] =	sst s2  }
0x8f: {  	_ = 	snop  }
0x90: {  	(tm) =	ssettm $0x1  }
0x91: {  	s17 =	sld [smem:$0x3FFB];
	_ =	sdelay $0x3  }
0x92: {  	_ =	strace s17  }
0x93: {  	s2 =	sld [smem:$0x3FFC];
	_ =	sdelay $0x3  }
0x94: {  	_ =	strace s2  }
0x95: {  	s2 =	sld [smem:$0x3FFD];
	_ =	sdelay $0x3  }
0x96: {  	_ =	strace s2  }
0x97: {  	_ =	strace $0x8FFFFFFF  }
0x98: {  	s18 =	sld [smem:$0x3FDB];
	_ =	sdelay $0x1  }
0x99: {  	s19 =	simm.s32 $_scs_section_size  }
0x9a: {  	s4 =	simm.s32 $_size__tile_overlayer_lowered;
	s5 =	simm.s32 $_tile_overlayer_lowered  }
0x9b: {  	s22 =	simm.s32 $0x1BFF;
	s21 =	sshll.u32 s5, $0x1;
	s2 =	sadd.s32 s19, s18  }
0x9c: {  	s6 =	simm.s32 $0x0;
	s20 =	sshll.u32 s4, $0x1;
	s4 =	sadd.s32 s21, s2  }
0x9d: {  	[timem:s6], [sflag:s22] =	dma.local [hbm:s4], s20  }
0x9e: {  	_ =	swait.ge [sflag:s22], s20  }
0x9f: {  	s3 =	ssub.s32 $0x0, s20;
	[sflag:s22] =	ssyncset.done $0x0  }
0xa0: {  	[sflag:s22] =	ssyncadd.s32 s3;
	_ =	sdelay $0x1  }
0xa1: {  	s23 =	simm.s32 $0x1B8B  }
0xa2: {  	_ =	swait.ge [sflag:s23], $0x1  }
0xa3: {  	[sflag:s23] =	ssyncset.done $0x0  }
0xa4: {  	s25 =	simm.s32 $0x1B8E;
	s24 =	sld [smem:$0x3FFE];
	[sflag:s23] =	ssyncadd.s32 $0xFFFFFFFF  }
0xa5: {  	s26 =	simm.s32 $execute0_lowered;
	[smem:$0x3FD2] =	sst s25  }
0xa6: {  	s4 =	sshll.u32 s26, $0x1;
	_ =	strace $0x8000004C;
	[dreg:$0x1] =	wrdreg $0xFFFFFFFF  }
0xa7: {  	s28 =	simm.s32 $_size_execute0_lowered;
	s2 =	sadd.s32 s2, s4;
	[dreg:$0x0] =	wrdreg $0x0  }
0xa8: {  	s4 =	sshll.u32 s28, $0x1;
	[dreg:$0x2] =	wrdreg s2  }
0xa9: {  	[dreg:$0x3] =	wrdreg s4  }
0xaa: {  	[dreg:$0x4] =	wrdreg $0xC0  }
0xab: {  	_ =	task [dreg:s6], $0x5FFFF  }
0xac: {  	[dreg:$0x1] =	wrdreg $0xFFFFFFFF  }
0xad: {  	[dreg:$0x0] =	wrdreg $0x60  }
0xae: {  	[dreg:$0x2] =	wrdreg s24  }
0xaf: {  	[dreg:$0x3] =	wrdreg $0x8B000  }
0xb0: {  	[dreg:$0x4] =	wrdreg $0x9  }
0xb1: {  	_ =	task.clear_ibuf [dreg:s6], $0x5FFFF;
	_ =	strace $0x9000004C  }
0xb2: {  	s29 =	simm.s32 $0x9;
	_ =	strace $0x8000004E  }
0xb3: {  	_ =	swait.ge [sflag:s29], $0x1  }
0xb4: {  	[sflag:s29] =	ssyncadd.s32 $0xFFFFFFFF  }
0xb5: {  	_ =	strace $0x9000004E  }
0xb6: {  	_ =	sfence  }
0xb7: {  	s30 =	sld [smem:$0x0];
	_ =	sdelay $0x2  }
0xb8: {  	s31 =	sshll.u32 s1, $0xD;
	s1 =	sshrl.u32 s1, $0x2  }
0xb9: {  	s3 =	sand.u32 $0x4000, s31;
	s1 =	sadd.s32 s1, s30  }
0xba: {  	s0 =	sor.u32 s3, s0;
	s1 =	sshll.u32 s1, $0x11  }
0xbb: {  	s0 =	sor.u32 s1, s0  }
0xbc: {  	s0 =	sadd.s32 $0x8F2B, s0  }
0xbd: {  	[sflag:s0] =	ssyncadd.remote.s32 $0x1  }
0xbe: {  	_ =	sfence.sel $0xFFFF  }
0xbf: {  	[dreg:$0x0] =	wrdreg $0xFFFFFFFF;
	(pc) =	sbr.abs _section_cstart, $3  }
0xc0: {  	[dreg:$0x1] =	wrdreg $0xFFFFFFFF  }
0xc1: {  	_ =	task.clear_ibuf [dreg:s6], $0x2FFFF;
	_ =	strace $0x9FFFFFFF  }
0xc2: {  	(tm) =	ssettm $0x7FFFFFFF  }
0xc3: {  	_ =	shalt  }
tec
execute0_lowered:
.L_overlay_start_1:
0x0: {  	(tag) =	ssettag $0x1  }
0x1: {  	s0 =	rddreg [dreg:$0x0]  }
0x2: {  	s1 =	rddreg [dreg:$0x1];
	s2 =	srdreg.scid  }
0x3: {  	s3 =	simm.s32 $0x0;
	s12 =	stileid.u32;
	s28 =	simm.s32 $0x180  }
0x4: {  	s29 =	simm.s32 $0x3;
	s30 =	simm.s32 $0x4;
	s6 =	smul.u32 $0x14000, s12  }
0x5: {  	s31 =	simm.s32 $0x4200;
	s2 =	sand.u32 $0x1, s2;
	s7 =	smul.u32 $0x50000, s12  }
0x6: {  	[smem:$0x7FF] =	sst s3;
	s4 =	sadd.s32 $0x1B400, s0;
	s18 =	smul.u32 $0x4E20, s12  }
0x7: {  	s26 =	sshll.u32 s12, $0x1;
	s12 =	simm.s32 $0x10;
	s5 =	smul.u32 $0x140000, s2  }
0x8: {  	_ =	strace $0x8000004D;
	s9 =	ssub.s32 $0x2, s2;
	s10 =	sor.u32 s2, s26  }
0x9: {  	s2 =	smul.u32 $0x2710, s2;
	s7 =	sshrl.u32 s7, $0x2;
	s11 =	sshrl.u32 s9, $0x1  }
0xa: {  	s10 =	smul.u32 $0x2710, s10;
	s6 =	sadd.s32 s6, s5;
	s5 =	sadd.s32 $0x7A00, s0  }
0xb: {  	s25 =	sadd.s32 s2, s18;
	s8 =	sshrl.u32 s6, $0x3;
	s6 =	sadd.s32 s7, s1  }
0xc: {  	s7 =	ssub.s32 s9, s11;
	s16 =	sshrl.u32 s10, $0x3;
	s2 =	sadd.s32 $0x4E300, s25  }
0xd: {  	s26 =	sadd.s32 $0x180, s25;
	s9 =	simm.s32 $0x8200;
	s13 =	sadd.s32 $0x4000, s6  }
0xe: {  	s10 =	simm.s32 $0x8280;
	s14 =	sadd.s32 $0x8000, s6;
	[dreg:$0x3] =	wrdreg s13  }
0xf: {  	s0 =	sadd.s32 s8, s0;
	s15 =	sadd.s32 $0xC000, s6;
	[dreg:$0x4] =	wrdreg s14  }
0x10: {  	s17 =	sadd.s32 $0x10000, s6;
	s11 =	sadd.s32 s5, s16;
	[dreg:$0x5] =	wrdreg s15  }
0x11: {  	s24 =	smax.u32 s7, $0x1;
	s2 =	sshrl.u32 s2, $0x3;
	[dreg:$0x6] =	wrdreg s17  }
0x12: {  	s7 =	sshrl.u32 s26, $0x3;
	s19 =	sadd.s32 $0x9C40, s11;
	[dreg:$0xd] =	wrdreg s24  }
0x13: {  	s26 =	simm.s32 $0x100;
	s20 =	sadd.s32 $0x10, s11;
	[dreg:$0x7] =	wrdreg s19  }
0x14: {  	s8 =	simm.s32 $0x2;
	s21 =	sadd.s32 $0x9C50, s11;
	[dreg:$0x8] =	wrdreg s20  }
0x15: {  	s22 =	sadd.s32 $0x4E0, s11;
	s23 =	sadd.s32 $0xA120, s11;
	[dreg:$0x9] =	wrdreg s21  }
0x16: {  	s0 =	sadd.s32 $0x6B400, s0;
	s24 =	simm.s32 $0x7;
	[dreg:$0xa] =	wrdreg s22  }
0x17: {  	s13 =	simm.s32 $0x8300;
	s14 =	simm.s32 $0x0;
	[dreg:$0xb] =	wrdreg s23  }
0x18: {  	[dreg:$0xc] =	wrdreg s0;
	s19 =	sadd.s32 $0x100, s25;
	s0 =	sadd.s32 $0x4E380, s25  }
0x19: {  	s20 =	sadd.s32 s2, s5;
	s21 =	sadd.s32 s7, s5;
	s23 =	simm.s32 $0x200  }
0x1a: {  	s25 =	simm.s32 $0x80;
	s2 =	simm.s32 $0x6;
	s0 =	sshrl.u32 s0, $0x3  }
0x1b: {  	v0 =	vimm.f32 $0.0e+00;
	s7 =	simm.s32 $0x1;
	s22 =	sadd.s32 s0, s5;
	s0 =	simm.s32 $0x5  }
.LBB2_1:
0x1c: {  	s15 =	simm.s32 $0x0;
	s16 =	simm.s32 $0x200  }
.LBB2_2:
0x1d: {  	p0 =	sne.s32 s16, $0xFE00;
	[tilespmem:s15+$0x270] =	vst v0  }
0x1e: {  	[tilespmem:s15+$0x200] =	vst v0  }
0x1f: {  	[tilespmem:s15+$0x210] =	vst v0  }
.Ltmp0:
0x20: {  	[tilespmem:s15+$0x220] =	vst v0;
	(pc) =	sbr.rel @p0 .LBB2_2-.Ltmp0, $4  }
0x21: {  	[tilespmem:s15+$0x230] =	vst v0  }
0x22: {  	[tilespmem:s15+$0x240] =	vst v0  }
0x23: {  	[tilespmem:s15+$0x250] =	vst v0  }
0x24: {  	[tilespmem:s15+$0x260] =	vst v0;
	s15 =	sshra.s32 s16, $0x2;
	s16 =	sadd.s32 $0x200, s16  }
0x25: {  	[tilespmem:s15+$0x270] =	vst v0  }
0x26: {  	[tilespmem:s15+$0x200] =	vst v0  }
0x27: {  	[tilespmem:s15+$0x210] =	vst v0  }
0x28: {  	[tilespmem:s15+$0x220] =	vst v0  }
0x29: {  	[tilespmem:s15+$0x230] =	vst v0  }
0x2a: {  	[tilespmem:s15+$0x240] =	vst v0  }
0x2b: {  	[tilespmem:s15+$0x250] =	vst v0  }
0x2c: {  	[tilespmem:s15+$0x260] =	vst v0  }
0x2d: {  	[spmem:s6] =	stream.linear.scatter [tilespmem:s23], [sflag:$0x7], $0x4000, $0x38;
	[tilespmem:$0x1CB00] =	vst v63  }
0x2e: {  	_ =	swait.ge [sflag:s24], $0x4000  }
0x2f: {  	[sflag:s24] =	ssyncset.done $0x0  }
0x30: {  	s16 =	rddreg [dreg:$0x3];
	[sflag:s24] =	ssyncadd.s32 $0xFFFFC000  }
0x31: {  	[spmem:s16] =	stream.linear.scatter [tilespmem:s23], [sflag:$0x7], $0x4000, $0x38;
	[tilespmem:$0x1CB00] =	vst v63  }
0x32: {  	_ =	swait.ge [sflag:s24], $0x4000  }
0x33: {  	[sflag:s24] =	ssyncset.done $0x0  }
0x34: {  	s17 =	rddreg [dreg:$0x4];
	[sflag:s24] =	ssyncadd.s32 $0xFFFFC000  }
0x35: {  	[spmem:s17] =	stream.linear.scatter [tilespmem:s23], [sflag:$0x7], $0x4000, $0x38;
	[tilespmem:$0x1CB00] =	vst v63  }
0x36: {  	_ =	swait.ge [sflag:s24], $0x4000  }
0x37: {  	[sflag:s24] =	ssyncset.done $0x0  }
0x38: {  	s18 =	rddreg [dreg:$0x5];
	[sflag:s24] =	ssyncadd.s32 $0xFFFFC000  }
0x39: {  	[spmem:s18] =	stream.linear.scatter [tilespmem:s23], [sflag:$0x7], $0x4000, $0x38;
	[tilespmem:$0x1CB00] =	vst v63  }
0x3a: {  	_ =	swait.ge [sflag:s24], $0x4000  }
0x3b: {  	[sflag:s24] =	ssyncset.done $0x0  }
0x3c: {  	s16 =	rddreg [dreg:$0x6];
	[sflag:s24] =	ssyncadd.s32 $0xFFFFC000  }
0x3d: {  	[spmem:s16] =	stream.linear.scatter [tilespmem:s23], [sflag:$0x7], $0x4000, $0x38;
	[tilespmem:$0x1CB00] =	vst v63  }
0x3e: {  	_ =	swait.ge [sflag:s24], $0x4000  }
0x3f: {  	[sflag:s24] =	ssyncset.done $0x0  }
0x40: {  	[sflag:s24] =	ssyncadd.s32 $0xFFFFC000  }
0x41: {  	s15 =	simm.s32 $0x0;
	[bflag:$0x0] =	sbarrier.arrive $0xFFFF  }
0x42: {  	[tilespmem:s15], [sflag:$0x7] =	stream.linear.gather [hbm4b:s11+s15], $0x80, $0x38;
	[tilespmem:$0x1CB00] =	vst v63  }
0x43: {  	_ =	swait.ge [sflag:s24], $0x80  }
0x44: {  	[sflag:s24] =	ssyncset.done $0x0  }
0x45: {  	s16 =	rddreg [dreg:$0x7];
	[sflag:s24] =	ssyncadd.s32 $0xFFFFFF80  }
0x46: {  	[tilespmem:s25], [sflag:$0x7] =	stream.linear.gather [hbm4b:s16+s15], $0x80, $0x38;
	[tilespmem:$0x1CB00] =	vst v63  }
0x47: {  	_ =	swait.ge [sflag:s24], $0x80  }
0x48: {  	[sflag:s24] =	ssyncset.done $0x0  }
0x49: {  	[sflag:s24] =	ssyncadd.s32 $0xFFFFFF80  }
0x4a: {  	[tilespmem:s23], [sflag:$0x5] =	stream.indirect.gather [hbm4b:s4+s25], $0x80, s15, s25, $0xb8;
	[tilespmem:$0x1CB00] =	vst v63  }
0x4b: {  	s17 =	rddreg [dreg:$0x8]  }
0x4c: {  	[tilespmem:s26], [sflag:$0x3] =	stream.linear.gather [hbm4b:s17+s15], $0x80, $0x38;
	[tilespmem:$0x1CB00] =	vst v63  }
0x4d: {  	s18 =	rddreg [dreg:$0x9]  }
0x4e: {  	[tilespmem:s28], [sflag:$0x4] =	stream.linear.gather [hbm4b:s18+s15], $0x80, $0x38;
	[tilespmem:$0x1CB00] =	vst v63  }
0x4f: {  	_ =	swait.ge [sflag:s29], $0x80  }
0x50: {  	[sflag:s29] =	ssyncset.done $0x0  }
0x51: {  	[sflag:s29] =	ssyncadd.s32 $0xFFFFFF80  }
0x52: {  	_ =	swait.ge [sflag:s30], $0x80  }
0x53: {  	[sflag:s30] =	ssyncset.done $0x0  }
0x54: {  	[sflag:s30] =	ssyncadd.s32 $0xFFFFFF80  }
0x55: {  	[tilespmem:s31], [sflag:$0x6] =	stream.indirect.gather [hbm4b:s4+s25], $0x80, s26, s25, $0xb8;
	[tilespmem:$0x1CB00] =	vst v63  }
0x56: {  	_ =	swait.ge [sflag:s0], $0x4000  }
0x57: {  	[sflag:s0] =	ssyncset.done $0x0  }
0x58: {  	[sflag:s0] =	ssyncadd.s32 $0xFFFFC000  }
0x59: {  	[spmem:s1] =	stream.indirect.scatter.add.f32 [tilespmem:s23], [sflag:$0x7], $0x80, s25, s25, $0xb8;
	[tilespmem:$0x1CB00] =	vst v63  }
0x5a: {  	_ =	swait.ge [sflag:s24], $0x4000  }
0x5b: {  	s16 =	sshrl.u32 s19, $0x3;
	[sflag:s24] =	ssyncset.done $0x0  }
0x5c: {  	s15 =	sadd.s32 s5, s16;
	[sflag:s24] =	ssyncadd.s32 $0xFFFFC000  }
0x5d: {  	[tilespmem:s3], [sflag:$0x1] =	stream.linear.gather [hbm4b:s15+s3], $0x80, $0x38;
	[tilespmem:$0x1CB00] =	vst v63  }
0x5e: {  	s17 =	sadd.s32 $0x0, s20  }
0x5f: {  	[tilespmem:s25], [sflag:$0x2] =	stream.linear.gather [hbm4b:s17+s3], $0x80, $0x38;
	[tilespmem:$0x1CB00] =	vst v63  }
0x60: {  	_ =	swait.ge [sflag:s2], $0x4000  }
0x61: {  	[sflag:s2] =	ssyncset.done $0x0  }
0x62: {  	[sflag:s2] =	ssyncadd.s32 $0xFFFFC000  }
0x63: {  	[spmem:s1] =	stream.indirect.scatter.add.f32 [tilespmem:s31], [sflag:$0x7], $0x80, s28, s25, $0xb8;
	[tilespmem:$0x1CB00] =	vst v63  }
0x64: {  	_ =	swait.ge [sflag:s24], $0x4000  }
0x65: {  	[sflag:s24] =	ssyncset.done $0x0  }
0x66: {  	[sflag:s24] =	ssyncadd.s32 $0xFFFFC000  }
0x67: {  	_ =	swait.ge [sflag:s7], $0x80  }
0x68: {  	[sflag:s7] =	ssyncset.done $0x0  }
0x69: {  	[sflag:s7] =	ssyncadd.s32 $0xFFFFFF80  }
0x6a: {  	_ =	swait.ge [sflag:s8], $0x80  }
0x6b: {  	[sflag:s8] =	ssyncset.done $0x0  }
0x6c: {  	s18 =	sadd.s32 $0x0, s21;
	[sflag:s8] =	ssyncadd.s32 $0xFFFFFF80  }
0x6d: {  	[tilespmem:s23], [sflag:$0x5] =	stream.indirect.gather [hbm4b:s4+s25], $0x80, s3, s25, $0xb8;
	[tilespmem:$0x1CB00] =	vst v63  }
0x6e: {  	s16 =	sadd.s32 $0x100, s19;
	s15 =	simm.s32 $0x20;
	s17 =	sadd.s32 $0x0, s22  }
0x6f: {  	[tilespmem:s26], [sflag:$0x3] =	stream.linear.gather [hbm4b:s18+s3], $0x80, $0x38;
	[tilespmem:$0x1CB00] =	vst v63  }
.LBB2_4:
0x70: {  	[tilespmem:s28], [sflag:$0x4] =	stream.linear.gather [hbm4b:s17+s3], $0x80, $0x38;
	[tilespmem:$0x1CB00] =	vst v63  }
0x71: {  	s17 =	smov.u32 s15  }
0x72: {  	p0 =	sne.s32 s15, $0x4A0;
	s15 =	sadd.s32 $0x20, s15;
	_ =	swait.ge [sflag:s29], $0x80  }
0x73: {  	[sflag:s29] =	ssyncset.done $0x0  }
0x74: {  	[sflag:s29] =	ssyncadd.s32 $0xFFFFFF80  }
0x75: {  	_ =	swait.ge [sflag:s30], $0x80  }
0x76: {  	[sflag:s30] =	ssyncset.done $0x0  }
0x77: {  	[sflag:s30] =	ssyncadd.s32 $0xFFFFFF80  }
0x78: {  	[tilespmem:s31], [sflag:$0x6] =	stream.indirect.gather [hbm4b:s4+s25], $0x80, s26, s25, $0xb8;
	[tilespmem:$0x1CB00] =	vst v63  }
0x79: {  	_ =	swait.ge [sflag:s0], $0x4000  }
0x7a: {  	[sflag:s0] =	ssyncset.done $0x0  }
0x7b: {  	[sflag:s0] =	ssyncadd.s32 $0xFFFFC000  }
0x7c: {  	[spmem:s1] =	stream.indirect.scatter.add.f32 [tilespmem:s23], [sflag:$0x7], $0x80, s25, s25, $0xb8;
	[tilespmem:$0x1CB00] =	vst v63  }
0x7d: {  	_ =	swait.ge [sflag:s24], $0x4000  }
0x7e: {  	s18 =	sshrl.u32 s16, $0x3;
	[sflag:s24] =	ssyncset.done $0x0  }
0x7f: {  	s18 =	sadd.s32 s5, s18;
	[sflag:s24] =	ssyncadd.s32 $0xFFFFC000  }
0x80: {  	[tilespmem:s3], [sflag:$0x1] =	stream.linear.gather [hbm4b:s18+s3], $0x80, $0x38;
	[tilespmem:$0x1CB00] =	vst v63  }
0x81: {  	s18 =	sadd.s32 s17, s20  }
0x82: {  	[tilespmem:s25], [sflag:$0x2] =	stream.linear.gather [hbm4b:s18+s3], $0x80, $0x38;
	[tilespmem:$0x1CB00] =	vst v63  }
0x83: {  	_ =	swait.ge [sflag:s2], $0x4000  }
0x84: {  	[sflag:s2] =	ssyncset.done $0x0  }
0x85: {  	[sflag:s2] =	ssyncadd.s32 $0xFFFFC000  }
0x86: {  	[spmem:s1] =	stream.indirect.scatter.add.f32 [tilespmem:s31], [sflag:$0x7], $0x80, s28, s25, $0xb8;
	[tilespmem:$0x1CB00] =	vst v63  }
0x87: {  	_ =	swait.ge [sflag:s24], $0x4000  }
0x88: {  	[sflag:s24] =	ssyncset.done $0x0  }
0x89: {  	[sflag:s24] =	ssyncadd.s32 $0xFFFFC000  }
0x8a: {  	_ =	swait.ge [sflag:s7], $0x80  }
0x8b: {  	[sflag:s7] =	ssyncset.done $0x0  }
0x8c: {  	[sflag:s7] =	ssyncadd.s32 $0xFFFFFF80  }
0x8d: {  	_ =	swait.ge [sflag:s8], $0x80  }
0x8e: {  	[sflag:s8] =	ssyncset.done $0x0  }
.Ltmp1:
0x8f: {  	[sflag:s8] =	ssyncadd.s32 $0xFFFFFF80;
	(pc) =	sbr.rel @p0 .LBB2_4-.Ltmp1, $4  }
0x90: {  	[tilespmem:s23], [sflag:$0x5] =	stream.indirect.gather [hbm4b:s4+s25], $0x80, s3, s25, $0xb8;
	[tilespmem:$0x1CB00] =	vst v63  }
0x91: {  	s18 =	sadd.s32 s17, s21  }
0x92: {  	[tilespmem:s26], [sflag:$0x3] =	stream.linear.gather [hbm4b:s18+s3], $0x80, $0x38;
	[tilespmem:$0x1CB00] =	vst v63  }
0x93: {  	s16 =	sadd.s32 $0x100, s16;
	s17 =	sadd.s32 s17, s22  }
0x94: {  	[tilespmem:s28], [sflag:$0x4] =	stream.linear.gather [hbm4b:s17+s3], $0x80, $0x38;
	[tilespmem:$0x1CB00] =	vst v63  }
0x95: {  	_ =	swait.ge [sflag:s29], $0x80  }
0x96: {  	[sflag:s29] =	ssyncset.done $0x0  }
0x97: {  	[sflag:s29] =	ssyncadd.s32 $0xFFFFFF80  }
0x98: {  	_ =	swait.ge [sflag:s30], $0x80  }
0x99: {  	[sflag:s30] =	ssyncset.done $0x0  }
0x9a: {  	[sflag:s30] =	ssyncadd.s32 $0xFFFFFF80  }
0x9b: {  	[tilespmem:s31], [sflag:$0x6] =	stream.indirect.gather [hbm4b:s4+s25], $0x80, s26, s25, $0xb8;
	[tilespmem:$0x1CB00] =	vst v63  }
0x9c: {  	_ =	swait.ge [sflag:s0], $0x4000  }
0x9d: {  	[sflag:s0] =	ssyncset.done $0x0  }
0x9e: {  	[sflag:s0] =	ssyncadd.s32 $0xFFFFC000  }
0x9f: {  	[spmem:s1] =	stream.indirect.scatter.add.f32 [tilespmem:s23], [sflag:$0x7], $0x80, s25, s25, $0xb8;
	[tilespmem:$0x1CB00] =	vst v63  }
0xa0: {  	_ =	swait.ge [sflag:s24], $0x4000  }
0xa1: {  	[sflag:s24] =	ssyncset.done $0x0  }
0xa2: {  	[sflag:s24] =	ssyncadd.s32 $0xFFFFC000  }
0xa3: {  	_ =	swait.ge [sflag:s2], $0x4000  }
0xa4: {  	[sflag:s2] =	ssyncset.done $0x0  }
0xa5: {  	[sflag:s2] =	ssyncadd.s32 $0xFFFFC000  }
0xa6: {  	[spmem:s1] =	stream.indirect.scatter.add.f32 [tilespmem:s31], [sflag:$0x7], $0x80, s28, s25, $0xb8;
	[tilespmem:$0x1CB00] =	vst v63  }
0xa7: {  	_ =	swait.ge [sflag:s24], $0x4000  }
0xa8: {  	[sflag:s24] =	ssyncset.done $0x0  }
0xa9: {  	s15 =	rddreg [dreg:$0xa];
	[sflag:s24] =	ssyncadd.s32 $0xFFFFC000  }
0xaa: {  	[tilespmem:s9], [sflag:$0x7] =	stream.linear.gather [hbm4b:s15+s3], $0x10, $0x38;
	[tilespmem:$0x1CB00] =	vst v63  }
0xab: {  	_ =	swait.ge [sflag:s24], $0x10  }
0xac: {  	[sflag:s24] =	ssyncset.done $0x0  }
0xad: {  	s16 =	rddreg [dreg:$0xb];
	[sflag:s24] =	ssyncadd.s32 $0xFFFFFFF0  }
0xae: {  	[tilespmem:s10], [sflag:$0x7] =	stream.linear.gather [hbm4b:s16+s3], $0x10, $0x38;
	[tilespmem:$0x1CB00] =	vst v63  }
0xaf: {  	_ =	swait.ge [sflag:s24], $0x10  }
0xb0: {  	[sflag:s24] =	ssyncset.done $0x0  }
0xb1: {  	[sflag:s24] =	ssyncadd.s32 $0xFFFFFFF0  }
0xb2: {  	[tilespmem:s13], [sflag:$0x5] =	stream.indirect.gather [hbm4b:s4+s12], $0x80, s9, s12, $0xb8;
	[tilespmem:$0x1CB00] =	vst v63  }
0xb3: {  	_ =	swait.ge [sflag:s0], $0x800  }
0xb4: {  	[sflag:s0] =	ssyncset.done $0x0  }
0xb5: {  	[sflag:s0] =	ssyncadd.s32 $0xFFFFF800  }
0xb6: {  	[spmem:s1] =	stream.indirect.scatter.add.f32 [tilespmem:s13], [sflag:$0x7], $0x80, s10, s12, $0xb8;
	[tilespmem:$0x1CB00] =	vst v63  }
0xb7: {  	_ =	swait.ge [sflag:s24], $0x800  }
0xb8: {  	[sflag:s24] =	ssyncset.done $0x0  }
0xb9: {  	s17 =	stileid.u32;
	[sflag:s24] =	ssyncadd.s32 $0xFFFFF800  }
0xba: {  	s15 =	sshll.u32 s17, $0x6;
	[bflag:$0x0] =	sbarrier.arrive $0xFFFF  }
0xbb: {  	s15 =	sor.u32 $0x1C07, s15;
	s16 =	sshrl.u32 s6, $0x3;
	s18 =	rddreg [dreg:$0xc]  }
0xbc: {  	[hbm:s18], [sflag:s15] =	dma.local [spmem:s16], $0x2800  }
0xbd: {  	_ =	swait.ge [sflag:s24], $0x2800  }
0xbe: {  	s14 =	sadd.s32 $0x1, s14;
	s18 =	rddreg [dreg:$0xd]  }
0xbf: {  	p0 =	sne.s32 s14, s18  }
.Ltmp2:
0xc0: {  	_ = 	snop;
	(pc) =	sbr.rel @p0 .LBB2_1-.Ltmp2, $3  }
0xc1: {  	_ =	sdelay $0x1  }
0xc2: {  	[sflag:s24] =	ssyncset.done $0x0  }
0xc3: {  	[sflag:s24] =	ssyncadd.s32 $0xFFFFD800  }
0xc4: {  	_ =	sfence.sel $0x180000  }
0xc5: {  	[bflag:$0x0] =	sbarrier.arrive $0xFFFF  }
0xc6: {  	_ =	strace $0x9000004D  }
0xc7: {  	s0 =	stileid.u32;
	[bflag:$0x2] =	sbarrier.arrive $0xFFFF  }
0xc8: {  	p0 =	sne.s32 s0, $0x0;
	s0 =	rddreg [dreg:$0x2]  }
0xc9: {  	s0 =	sadd.s32 @!p0 $0x100000, s0  }
0xca: {  	[sflag:s0] =	ssyncadd.tile.s32 @!p0 $0x1;
	_ =	shalt  }
.Lfunc_end2:
_tile_overlayer_lowered:
.L_overlay_start_2:
0xcb: {  	(tag) =	ssettag $0x2  }
0xcc: {  	s0 =	rddreg [dreg:$0x0];
	s2 =	stileid.u32  }
0xcd: {  	s1 =	rddreg [dreg:$0x1];
	p0 =	sne.s32 s2, $0x0  }
0xce: {  	s3 =	rddreg [dreg:$0x2];
	[bflag:$0x3] =	sbarrier.arrive $0xFFFF;
	s2 =	simm.s32 @!p0 $0x1C07  }
0xcf: {  	[timem:s3], [sflag:s2] =	dma.local @!p0 [hbm:s0], s1  }
0xd0: {  	s0 =	simm.s32 @!p0 $0x7  }
0xd1: {  	_ =	swait.ge @!p0 [sflag:s0], s1  }
0xd2: {  	s1 =	ssub.s32 @!p0 $0x0, s1;
	[sflag:s0] =	ssyncset.done @!p0 $0x0  }
0xd3: {  	[sflag:s0] =	ssyncadd.s32 @!p0 s1  }
0xd4: {  	[bflag:$0x3] =	sbarrier.arrive $0xFFFF  }
0xd5: {  	_ =	shalt  }

// kernel: kernel.9.cloned.1.call-start
scs
__scs_entry_jumppad:
0x0: {  	(pc) =	sbr.rel $0x88, $3  }
0x1: {  	(tag) =	ssettag $0x0;
	lr =	simm.s32 $0x1  }
0x2: {  	[smem:$0x3F8C] =	sst lr;
	_ =	strace $0xD0000000  }
0x3: {  	_ = 	snop  }
0x4: {  	_ = 	snop  }
0x5: {  	_ = 	snop  }
0x6: {  	_ = 	snop  }
0x7: {  	_ = 	snop  }
__scs_overlays_trampoline_lowered:
0x8: {  	[smem:$0x3F9B] =	sst s0  }
0x9: {  	[smem:$0x3F9C] =	sst s1  }
0xa: {  	[smem:$0x3F9D] =	sst s2  }
0xb: {  	[smem:$0x3F9E] =	sst s3  }
0xc: {  	[smem:$0x3F9F] =	sst s4  }
0xd: {  	[smem:$0x3FA0] =	sst s5  }
0xe: {  	[smem:$0x3FA1] =	sst s6  }
0xf: {  	[smem:$0x3FA2] =	sst s7  }
0x10: {  	[smem:$0x3FA3] =	sst s8  }
0x11: {  	[smem:$0x3FA4] =	sst s9;
	s0 =	simm.s32 @!p0 $0x0  }
0x12: {  	s1 =	sld [smem:$0x3F8A];
	s0 =	simm.s32 @p0 $0x1  }
0x13: {  	[smem:$0x3FA5] =	sst s0;
	s0 =	simm.s32 @!p1 $0x0  }
0x14: {  	s2 =	sld [smem:$0x3F89];
	s0 =	simm.s32 @p1 $0x1  }
0x15: {  	[smem:$0x3FA6] =	sst s0;
	s0 =	simm.s32 @!p2 $0x0  }
0x16: {  	s3 =	sld [smem:$0x3FDB];
	s0 =	simm.s32 @p2 $0x1  }
0x17: {  	s4 =	simm.s32 $0x1BF5;
	[smem:$0x3FA8] =	sst s0  }
0x18: {  	s0 =	sld [smem:$0x3F8B];
	_ =	swait.ge [sflag:s4], $0x0  }
0x19: {  	s7 =	sld [smem:$0x3F8C]  }
0x1a: {  	s8 =	sadd.s32 $0xFFFFE003, lr  }
0x1b: {  	s9 =	sadd.s32 $0xFFFFFEF7, lr;
	s5 =	simm.s32 $0xFFFFFFFF;
	p2 =	slt.u32 s8, $0xFFFFF086  }
0x1c: {  	p1 =	slt.u32 s9, $0xF7A;
	s5 =	simm.s32 @!p2 $0x0  }
0x1d: {  	s5 =	simm.s32 @p1 $0x1;
	p0 =	seq.s32 s7, s2  }
0x1e: {  	s7 =	smul.u32 @!p0 $0xF7A, s2;
	p2 =	seq.s32 @!p0 s5, $0x0  }
0x1f: {  	s9 =	smul.u32 $0xF7A, s1;
	s8 =	simm.s32 @!p0 $0x1BF5;
	p2 =	por !p2, p0  }
0x20: {  	[sflag:s8] =	ssyncset.s32 @!p0 $0xFFFFF086;
	s6 =	sadd.s32 @!p0 s3, s7;
	s7 =	simm.s32 @!p0 $0x108  }
0x21: {  	s3 =	sadd.s32 s3, s9;
	s6 =	sadd.s32 @!p0 $0x88, s6;
	s7 =	simm.s32 @p2 $0x1082  }
0x22: {  	[simem:s7], [sflag:s8] =	dma.local @!p0 [hbm:s6], $0xF7A  }
0x23: {  	s9 =	sor.u32 $0xD0000000, s2;
	s6 =	simm.s32 $0x108;
	_ =	swait.ge @!p0 [sflag:s8], $0x0  }
0x24: {  	s3 =	sadd.s32 $0x88, s3;
	s6 =	simm.s32 @!p1 $0x1082;
	[sflag:s4] =	ssyncset.s32 $0xFFFFF086  }
0x25: {  	[simem:s6], [sflag:s4] =	dma.local [hbm:s3], $0xF7A  }
0x26: {  	[smem:$0x3F8C] =	sst s1;
	(tag) =	ssettag s2;
	_ =	strace s9  }
0x27: {  	s1 =	sld [smem:$0x3F9C]  }
0x28: {  	s2 =	sld [smem:$0x3F9D]  }
0x29: {  	s4 =	sld [smem:$0x3F9F]  }
0x2a: {  	p0 =	seq.s32 s5, $0x0;
	s5 =	sld [smem:$0x3FA0]  }
0x2b: {  	s6 =	sld [smem:$0x3FA1]  }
0x2c: {  	s7 =	sld [smem:$0x3FA2]  }
0x2d: {  	s3 =	simm.s32 $0x108;
	s8 =	sld [smem:$0x3FA3]  }
0x2e: {  	s3 =	simm.s32 @!p0 $0x1082;
	s9 =	sld [smem:$0x3FA4]  }
0x2f: {  	lr =	sadd.s32 s0, s3;
	s0 =	sld [smem:$0x3F9B]  }
0x30: {  	s3 =	sld [smem:$0x3F9E]  }
0x31: {  	[smem:$0x3FA7] =	sst s10  }
0x32: {  	s10 =	sld [smem:$0x3FA5];
	_ =	sdelay $0x3  }
0x33: {  	p0 =	seq.s32 s10, $0x1;
	s10 =	sld [smem:$0x3FA7];
	_ =	sdelay $0x3  }
0x34: {  	[smem:$0x3FA7] =	sst s10  }
0x35: {  	s10 =	sld [smem:$0x3FA6];
	_ =	sdelay $0x3  }
0x36: {  	p1 =	seq.s32 s10, $0x1;
	s10 =	sld [smem:$0x3FA7];
	_ =	sdelay $0x3  }
0x37: {  	[smem:$0x3FA7] =	sst s10  }
0x38: {  	s10 =	sld [smem:$0x3FA8]  }
0x39: {  	_ = 	snop;
	(pc) =	sbr.ind lr, $3  }
0x3a: {  	_ = 	snop  }
0x3b: {  	_ = 	snop  }
0x3c: {  	p2 =	seq.s32 s10, $0x1;
	s10 =	sld [smem:$0x3FA7]  }
0x3d: {  	_ =	shalt  }
0x3e: {  	_ =	shalt  }
0x3f: {  	_ =	shalt  }
0x40: {  	_ =	shalt  }
0x41: {  	_ =	shalt  }
0x42: {  	_ =	shalt  }
0x43: {  	_ =	shalt  }
0x44: {  	_ =	shalt  }
0x45: {  	_ =	shalt  }
0x46: {  	_ =	shalt  }
0x47: {  	_ =	shalt  }
0x48: {  	_ =	shalt  }
0x49: {  	_ =	shalt  }
0x4a: {  	_ =	shalt  }
0x4b: {  	_ =	shalt  }
0x4c: {  	_ =	shalt  }
0x4d: {  	_ =	shalt  }
0x4e: {  	_ =	shalt  }
0x4f: {  	_ =	shalt  }
0x50: {  	_ =	shalt  }
0x51: {  	_ =	shalt  }
0x52: {  	_ =	shalt  }
0x53: {  	_ =	shalt  }
0x54: {  	_ =	shalt  }
0x55: {  	_ =	shalt  }
0x56: {  	_ =	shalt  }
0x57: {  	_ =	shalt  }
0x58: {  	_ =	shalt  }
0x59: {  	_ =	shalt  }
0x5a: {  	_ =	shalt  }
0x5b: {  	_ =	shalt  }
0x5c: {  	_ =	shalt  }
0x5d: {  	_ =	shalt  }
0x5e: {  	_ =	shalt  }
0x5f: {  	_ =	shalt  }
0x60: {  	_ =	shalt  }
0x61: {  	_ =	shalt  }
0x62: {  	_ =	shalt  }
0x63: {  	_ =	shalt  }
0x64: {  	_ =	shalt  }
0x65: {  	_ =	shalt  }
0x66: {  	_ =	shalt  }
0x67: {  	_ =	shalt  }
0x68: {  	_ =	shalt  }
0x69: {  	_ =	shalt  }
0x6a: {  	_ =	shalt  }
0x6b: {  	_ =	shalt  }
0x6c: {  	_ =	shalt  }
0x6d: {  	_ =	shalt  }
0x6e: {  	_ =	shalt  }
0x6f: {  	_ =	shalt  }
0x70: {  	_ =	shalt  }
0x71: {  	_ =	shalt  }
0x72: {  	_ =	shalt  }
0x73: {  	_ =	shalt  }
0x74: {  	_ =	shalt  }
0x75: {  	_ =	shalt  }
0x76: {  	_ =	shalt  }
0x77: {  	_ =	shalt  }
0x78: {  	_ =	shalt  }
0x79: {  	_ =	shalt  }
0x7a: {  	_ =	shalt  }
0x7b: {  	_ =	shalt  }
0x7c: {  	_ =	shalt  }
0x7d: {  	_ =	shalt  }
0x7e: {  	_ =	shalt  }
0x7f: {  	_ =	shalt  }
0x80: {  	_ =	shalt  }
0x81: {  	_ =	shalt  }
0x82: {  	_ =	shalt  }
0x83: {  	_ =	shalt  }
0x84: {  	_ =	shalt  }
0x85: {  	_ =	shalt  }
0x86: {  	_ =	shalt  }
0x87: {  	_ =	shalt  }
.Lfunc_end0:
.L_simem_size_0:
called_computation_lowered:
.L_overlay_start_0:
0x88: {  	s2 =	sld [smem:$0x3FD9]  }
0x89: {  	s3 =	sld [smem:$0x3FFE];
	_ =	sdelay $0x1  }
0x8a: {  	s1 =	srdreg.scid  }
0x8b: {  	s0 =	sand.u32 $0x1, s1  }
0x8c: {  	s16 =	sshll.u32 s0, $0xA;
	s2 =	sadd.s32 s3, s2  }
0x8d: {  	s2 =	sadd.s32 s2, s16  }
0x8e: {  	[smem:$0x3FB3] =	sst s2  }
0x8f: {  	_ = 	snop  }
0x90: {  	(tm) =	ssettm $0x1  }
0x91: {  	s17 =	sld [smem:$0x3FFB];
	_ =	sdelay $0x3  }
0x92: {  	_ =	strace s17  }
0x93: {  	s2 =	sld [smem:$0x3FFC];
	_ =	sdelay $0x3  }
0x94: {  	_ =	strace s2  }
0x95: {  	s2 =	sld [smem:$0x3FFD];
	_ =	sdelay $0x3  }
0x96: {  	_ =	strace s2  }
0x97: {  	_ =	strace $0x8FFFFFFF  }
0x98: {  	s18 =	sld [smem:$0x3FDB];
	_ =	sdelay $0x1  }
0x99: {  	s19 =	simm.s32 $_scs_section_size  }
0x9a: {  	s4 =	simm.s32 $_size__tile_overlayer_lowered;
	s5 =	simm.s32 $_tile_overlayer_lowered  }
0x9b: {  	s22 =	simm.s32 $0x1BFF;
	s21 =	sshll.u32 s5, $0x1;
	s2 =	sadd.s32 s19, s18  }
0x9c: {  	s6 =	simm.s32 $0x0;
	s20 =	sshll.u32 s4, $0x1;
	s4 =	sadd.s32 s21, s2  }
0x9d: {  	[timem:s6], [sflag:s22] =	dma.local [hbm:s4], s20  }
0x9e: {  	_ =	swait.ge [sflag:s22], s20  }
0x9f: {  	s3 =	ssub.s32 $0x0, s20;
	[sflag:s22] =	ssyncset.done $0x0  }
0xa0: {  	[sflag:s22] =	ssyncadd.s32 s3;
	_ =	sdelay $0x1  }
0xa1: {  	s23 =	simm.s32 $0x1B8B  }
0xa2: {  	_ =	swait.ge [sflag:s23], $0x1  }
0xa3: {  	[sflag:s23] =	ssyncset.done $0x0  }
0xa4: {  	s25 =	simm.s32 $0x1B8E;
	s24 =	sld [smem:$0x3FFE];
	[sflag:s23] =	ssyncadd.s32 $0xFFFFFFFF  }
0xa5: {  	s26 =	simm.s32 $execute0_lowered;
	[smem:$0x3FD2] =	sst s25  }
0xa6: {  	s4 =	sshll.u32 s26, $0x1;
	_ =	strace $0x80000046;
	[dreg:$0x1] =	wrdreg $0xFFFFFFFF  }
0xa7: {  	s28 =	simm.s32 $_size_execute0_lowered;
	s2 =	sadd.s32 s2, s4;
	[dreg:$0x0] =	wrdreg $0x0  }
0xa8: {  	s4 =	sshll.u32 s28, $0x1;
	[dreg:$0x2] =	wrdreg s2  }
0xa9: {  	[dreg:$0x3] =	wrdreg s4  }
0xaa: {  	[dreg:$0x4] =	wrdreg $0xC0  }
0xab: {  	_ =	task [dreg:s6], $0x5FFFF  }
0xac: {  	[dreg:$0x1] =	wrdreg $0xFFFFFFFF  }
0xad: {  	[dreg:$0x0] =	wrdreg $0x60  }
0xae: {  	[dreg:$0x2] =	wrdreg s24  }
0xaf: {  	[dreg:$0x3] =	wrdreg $0x4800  }
0xb0: {  	[dreg:$0x4] =	wrdreg $0x9  }
0xb1: {  	_ =	task.clear_ibuf [dreg:s6], $0x5FFFF;
	_ =	strace $0x90000046  }
0xb2: {  	s29 =	simm.s32 $0x9;
	_ =	strace $0x80000048  }
0xb3: {  	_ =	swait.ge [sflag:s29], $0x1  }
0xb4: {  	[sflag:s29] =	ssyncadd.s32 $0xFFFFFFFF  }
0xb5: {  	_ =	strace $0x90000048  }
0xb6: {  	_ =	sfence  }
0xb7: {  	s30 =	sld [smem:$0x0];
	_ =	sdelay $0x2  }
0xb8: {  	s31 =	sshll.u32 s1, $0xD;
	s1 =	sshrl.u32 s1, $0x2  }
0xb9: {  	s3 =	sand.u32 $0x4000, s31;
	s1 =	sadd.s32 s1, s30  }
0xba: {  	s0 =	sor.u32 s3, s0;
	s1 =	sshll.u32 s1, $0x11  }
0xbb: {  	s0 =	sor.u32 s1, s0  }
0xbc: {  	s0 =	sadd.s32 $0x8F2B, s0  }
0xbd: {  	[sflag:s0] =	ssyncadd.remote.s32 $0x1  }
0xbe: {  	_ =	sfence.sel $0xFFFF  }
0xbf: {  	[dreg:$0x0] =	wrdreg $0xFFFFFFFF;
	(pc) =	sbr.abs _section_cstart, $3  }
0xc0: {  	[dreg:$0x1] =	wrdreg $0xFFFFFFFF  }
0xc1: {  	_ =	task.clear_ibuf [dreg:s6], $0x2FFFF;
	_ =	strace $0x9FFFFFFF  }
0xc2: {  	(tm) =	ssettm $0x7FFFFFFF  }
0xc3: {  	_ =	shalt  }
tec
execute0_lowered:
.L_overlay_start_1:
0x0: {  	(tag) =	ssettag $0x1  }
0x1: {  	s4 =	rddreg [dreg:$0x0]  }
0x2: {  	s2 =	rddreg [dreg:$0x1]  }
0x3: {  	s0 =	rddreg [dreg:$0x2]  }
0x4: {  	s5 =	srdreg.scid;
	s1 =	stileid.u32  }
0x5: {  	s3 =	simm.s32 $0x0;
	s14 =	simm.s32 $0x80;
	s15 =	simm.s32 $0x100  }
0x6: {  	s16 =	simm.s32 $0x2;
	s17 =	simm.s32 $0x1;
	s18 =	simm.s32 $0x400  }
0x7: {  	s19 =	simm.s32 $0x10;
	s22 =	simm.s32 $0x20;
	s23 =	simm.s32 $0x0  }
0x8: {  	s5 =	sand.u32 $0x1, s5;
	s6 =	smul.u32 $0x500, s1;
	[smem:$0x7FF] =	sst s3  }
0x9: {  	s8 =	sshll.u32 s1, $0x1;
	s11 =	sadd.s32 $0x7A00, s4;
	s31 =	smul.u32 $0xA00, s1  }
0xa: {  	s10 =	smul.u32 $0x4E20, s1;
	s20 =	sshll.u32 s1, $0x6;
	s7 =	sshll.u32 s5, $0x7  }
0xb: {  	_ =	strace $0x80000047;
	s28 =	sor.u32 s5, s8;
	s30 =	ssub.s32 $0x2, s5  }
0xc: {  	s12 =	smul.u32 $0x2710, s5;
	s20 =	sor.u32 $0x1C03, s20;
	s6 =	sor.u32 s7, s6  }
0xd: {  	s7 =	smul.u32 $0x2710, s28;
	s9 =	sshrl.u32 s30, $0x1;
	s6 =	sshrl.u32 s6, $0x3  }
0xe: {  	s9 =	ssub.s32 s30, s9;
	s10 =	sadd.s32 s12, s10;
	s29 =	sadd.s32 s6, s4  }
0xf: {  	s7 =	sshrl.u32 s7, $0x3;
	s6 =	sshrl.u32 s31, $0x2;
	s12 =	sadd.s32 $0x4E380, s10  }
0x10: {  	s10 =	sadd.s32 $0x4E300, s10;
	s9 =	smax.u32 s9, $0x1;
	s7 =	sadd.s32 s11, s7  }
0x11: {  	s4 =	sadd.s32 s6, s2;
	s8 =	sadd.s32 $0x1B400, s29;
	s12 =	sshrl.u32 s12, $0x3  }
0x12: {  	s13 =	sshrl.u32 s10, $0x3;
	s5 =	sadd.s32 $0x9C40, s7;
	s6 =	sadd.s32 $0x9C50, s7  }
0x13: {  	s7 =	sadd.s32 $0xA120, s7;
	s10 =	sadd.s32 s12, s11;
	s11 =	sadd.s32 s13, s11  }
0x14: {  	v0 =	vimm.f32 $0.0e+00;
	v1 =	vimm.f32 $1.000000000e+00;
	s12 =	simm.s32 $0x180;
	s13 =	simm.s32 $0x3;
	s21 =	sshrl.u32 s4, $0x3  }
.LBB2_1:
0x15: {  	[tilespmem:$0x180] =	vst v0  }
0x16: {  	[tilespmem:$0x190] =	vst v0  }
0x17: {  	[tilespmem:$0x1A0] =	vst v0  }
0x18: {  	[tilespmem:$0x1B0] =	vst v0  }
0x19: {  	[tilespmem:$0x1C0] =	vst v0  }
0x1a: {  	[tilespmem:$0x1D0] =	vst v0  }
0x1b: {  	[tilespmem:$0x1E0] =	vst v0  }
0x1c: {  	[tilespmem:$0x1F0] =	vst v0  }
0x1d: {  	[tilespmem:$0x200] =	vst v0  }
0x1e: {  	[tilespmem:$0x210] =	vst v0  }
0x1f: {  	[tilespmem:$0x220] =	vst v0  }
0x20: {  	[tilespmem:$0x230] =	vst v0  }
0x21: {  	[tilespmem:$0x240] =	vst v0  }
0x22: {  	[tilespmem:$0x250] =	vst v0  }
0x23: {  	[tilespmem:$0x260] =	vst v0  }
0x24: {  	[tilespmem:$0x270] =	vst v0  }
0x25: {  	[tilespmem:$0x280] =	vst v0  }
0x26: {  	[tilespmem:$0x290] =	vst v0  }
0x27: {  	[tilespmem:$0x2A0] =	vst v0  }
0x28: {  	[tilespmem:$0x2B0] =	vst v0  }
0x29: {  	[tilespmem:$0x2C0] =	vst v0  }
0x2a: {  	[tilespmem:$0x2D0] =	vst v0  }
0x2b: {  	[tilespmem:$0x2E0] =	vst v0  }
0x2c: {  	[tilespmem:$0x2F0] =	vst v0  }
0x2d: {  	[tilespmem:$0x300] =	vst v0  }
0x2e: {  	[tilespmem:$0x310] =	vst v0  }
0x2f: {  	[tilespmem:$0x320] =	vst v0  }
0x30: {  	[tilespmem:$0x330] =	vst v0  }
0x31: {  	[tilespmem:$0x340] =	vst v0  }
0x32: {  	[tilespmem:$0x350] =	vst v0  }
0x33: {  	[tilespmem:$0x360] =	vst v0  }
0x34: {  	[tilespmem:$0x370] =	vst v0  }
0x35: {  	[tilespmem:$0x380] =	vst v0  }
0x36: {  	[tilespmem:$0x390] =	vst v0  }
0x37: {  	[tilespmem:$0x3A0] =	vst v0  }
0x38: {  	[tilespmem:$0x3B0] =	vst v0  }
0x39: {  	[tilespmem:$0x3C0] =	vst v0  }
0x3a: {  	[tilespmem:$0x3D0] =	vst v0  }
0x3b: {  	[tilespmem:$0x3E0] =	vst v0  }
0x3c: {  	[tilespmem:$0x3F0] =	vst v0  }
0x3d: {  	[tilespmem:$0x100] =	vst v1  }
0x3e: {  	[tilespmem:$0x110] =	vst v1  }
0x3f: {  	[tilespmem:$0x120] =	vst v1  }
0x40: {  	[tilespmem:$0x130] =	vst v1  }
0x41: {  	[tilespmem:$0x140] =	vst v1  }
0x42: {  	[tilespmem:$0x150] =	vst v1  }
0x43: {  	[tilespmem:$0x160] =	vst v1  }
0x44: {  	[tilespmem:$0x170] =	vst v1  }
0x45: {  	[spmem:s4] =	stream.linear.scatter [tilespmem:s12], [sflag:$0x3], $0x280, $0x38;
	[tilespmem:$0x700] =	vst v63  }
0x46: {  	_ =	swait.ge [sflag:s13], $0x280  }
0x47: {  	[sflag:s13] =	ssyncset.done $0x0  }
0x48: {  	[sflag:s13] =	ssyncadd.s32 $0xFFFFFD80  }
0x49: {  	[bflag:$0x0] =	sbarrier.arrive $0xFFFF  }
0x4a: {  	[tilespmem:s3], [sflag:$0x3] =	stream.linear.gather [hbm4b:s5+s3], $0x80, $0x38;
	[tilespmem:$0x700] =	vst v63  }
0x4b: {  	_ =	swait.ge [sflag:s13], $0x80  }
0x4c: {  	[sflag:s13] =	ssyncset.done $0x0  }
0x4d: {  	[sflag:s13] =	ssyncadd.s32 $0xFFFFFF80  }
0x4e: {  	[tilespmem:s14], [sflag:$0x2] =	stream.linear.gather [hbm4b:s6+s3], $0x80, $0x38;
	[tilespmem:$0x700] =	vst v63  }
0x4f: {  	_ = 	snop  }
0x50: {  	[spmem:s2] =	stream.indirect.scatter.add.f32 [tilespmem:s15], [sflag:$0x3], $0x1, s3, s14, $0xb8;
	[tilespmem:$0x700] =	vst v63  }
0x51: {  	_ =	swait.ge [sflag:s13], $0x80  }
0x52: {  	[sflag:s13] =	ssyncset.done $0x0  }
0x53: {  	s24 =	sadd.s32 $0x0, s11;
	[sflag:s13] =	ssyncadd.s32 $0xFFFFFF80  }
0x54: {  	[tilespmem:s3], [sflag:$0x1] =	stream.linear.gather [hbm4b:s24+s3], $0x80, $0x38;
	[tilespmem:$0x700] =	vst v63  }
0x55: {  	_ =	swait.ge [sflag:s16], $0x80  }
0x56: {  	[sflag:s16] =	ssyncset.done $0x0  }
0x57: {  	[sflag:s16] =	ssyncadd.s32 $0xFFFFFF80  }
0x58: {  	[spmem:s2] =	stream.indirect.scatter.add.f32 [tilespmem:s15], [sflag:$0x3], $0x1, s14, s14, $0xb8;
	[tilespmem:$0x700] =	vst v63  }
0x59: {  	_ =	swait.ge [sflag:s13], $0x80  }
0x5a: {  	[sflag:s13] =	ssyncset.done $0x0  }
0x5b: {  	s31 =	sadd.s32 $0x0, s10;
	[sflag:s13] =	ssyncadd.s32 $0xFFFFFF80  }
0x5c: {  	[tilespmem:s14], [sflag:$0x2] =	stream.linear.gather [hbm4b:s31+s3], $0x80, $0x38;
	[tilespmem:$0x700] =	vst v63  }
0x5d: {  	_ =	swait.ge [sflag:s17], $0x80  }
0x5e: {  	s24 =	simm.s32 $0x20;
	[sflag:s17] =	ssyncset.done $0x0  }
.LBB2_2:
0x5f: {  	p0 =	sne.s32 s24, $0x4A0  }
0x60: {  	[sflag:s17] =	ssyncadd.s32 $0xFFFFFF80;
	s25 =	smov.u32 s24;
	s24 =	sadd.s32 $0x20, s24  }
0x61: {  	[spmem:s2] =	stream.indirect.scatter.add.f32 [tilespmem:s15], [sflag:$0x3], $0x1, s3, s14, $0xb8;
	[tilespmem:$0x700] =	vst v63  }
0x62: {  	_ =	swait.ge [sflag:s13], $0x80  }
0x63: {  	[sflag:s13] =	ssyncset.done $0x0  }
0x64: {  	s26 =	sadd.s32 s25, s11;
	[sflag:s13] =	ssyncadd.s32 $0xFFFFFF80  }
0x65: {  	[tilespmem:s3], [sflag:$0x1] =	stream.linear.gather [hbm4b:s26+s3], $0x80, $0x38;
	[tilespmem:$0x700] =	vst v63  }
0x66: {  	_ =	swait.ge [sflag:s16], $0x80  }
0x67: {  	[sflag:s16] =	ssyncset.done $0x0  }
0x68: {  	[sflag:s16] =	ssyncadd.s32 $0xFFFFFF80  }
0x69: {  	[spmem:s2] =	stream.indirect.scatter.add.f32 [tilespmem:s15], [sflag:$0x3], $0x1, s14, s14, $0xb8;
	[tilespmem:$0x700] =	vst v63  }
0x6a: {  	_ =	swait.ge [sflag:s13], $0x80  }
.Ltmp0:
0x6b: {  	[sflag:s13] =	ssyncset.done $0x0;
	(pc) =	sbr.rel @p0 .LBB2_2-.Ltmp0, $4  }
0x6c: {  	s25 =	sadd.s32 s25, s10;
	[sflag:s13] =	ssyncadd.s32 $0xFFFFFF80  }
0x6d: {  	[tilespmem:s14], [sflag:$0x2] =	stream.linear.gather [hbm4b:s25+s3], $0x80, $0x38;
	[tilespmem:$0x700] =	vst v63  }
0x6e: {  	_ =	swait.ge [sflag:s17], $0x80  }
0x6f: {  	[sflag:s17] =	ssyncset.done $0x0  }
0x70: {  	[sflag:s17] =	ssyncadd.s32 $0xFFFFFF80  }
0x71: {  	[spmem:s2] =	stream.indirect.scatter.add.f32 [tilespmem:s15], [sflag:$0x3], $0x1, s3, s14, $0xb8;
	[tilespmem:$0x700] =	vst v63  }
0x72: {  	_ =	swait.ge [sflag:s13], $0x80  }
0x73: {  	[sflag:s13] =	ssyncset.done $0x0  }
0x74: {  	[sflag:s13] =	ssyncadd.s32 $0xFFFFFF80  }
0x75: {  	_ =	swait.ge [sflag:s16], $0x80  }
0x76: {  	[sflag:s16] =	ssyncset.done $0x0  }
0x77: {  	[sflag:s16] =	ssyncadd.s32 $0xFFFFFF80  }
0x78: {  	[spmem:s2] =	stream.indirect.scatter.add.f32 [tilespmem:s15], [sflag:$0x3], $0x1, s14, s14, $0xb8;
	[tilespmem:$0x700] =	vst v63  }
0x79: {  	_ =	swait.ge [sflag:s13], $0x80  }
0x7a: {  	[sflag:s13] =	ssyncset.done $0x0  }
0x7b: {  	[sflag:s13] =	ssyncadd.s32 $0xFFFFFF80  }
0x7c: {  	[tilespmem:s18], [sflag:$0x3] =	stream.linear.gather [hbm4b:s7+s3], $0x10, $0x38;
	[tilespmem:$0x700] =	vst v63  }
0x7d: {  	_ =	swait.ge [sflag:s13], $0x10  }
0x7e: {  	[sflag:s13] =	ssyncset.done $0x0  }
0x7f: {  	[sflag:s13] =	ssyncadd.s32 $0xFFFFFFF0  }
0x80: {  	[spmem:s2] =	stream.indirect.scatter.add.f32 [tilespmem:s15], [sflag:$0x3], $0x1, s18, s19, $0xb8;
	[tilespmem:$0x700] =	vst v63  }
0x81: {  	_ =	swait.ge [sflag:s13], $0x10  }
0x82: {  	s23 =	sadd.s32 $0x1, s23;
	[sflag:s13] =	ssyncset.done $0x0  }
0x83: {  	p0 =	sne.s32 s23, s9;
	[sflag:s13] =	ssyncadd.s32 $0xFFFFFFF0  }
.Ltmp1:
0x84: {  	[bflag:$0x0] =	sbarrier.arrive $0xFFFF;
	(pc) =	sbr.rel @p0 .LBB2_1-.Ltmp1, $4  }
0x85: {  	[hbm:s8@s22], [sflag:s20] =	dma.strided [spmem:s21@s19], $0x50, s17, $0x10   }
0x86: {  	_ =	swait.ge [sflag:s13], $0x50  }
0x87: {  	[sflag:s13] =	ssyncset.done $0x0  }
0x88: {  	[sflag:s13] =	ssyncadd.s32 $0xFFFFFFB0  }
0x89: {  	_ =	sfence.sel $0x180000  }
0x8a: {  	[bflag:$0x0] =	sbarrier.arrive $0xFFFF  }
0x8b: {  	p0 =	sne.s32 s1, $0x0;
	_ =	strace $0x90000047  }
0x8c: {  	s0 =	sadd.s32 @!p0 $0x100000, s0;
	[bflag:$0x2] =	sbarrier.arrive $0xFFFF  }
0x8d: {  	[sflag:s0] =	ssyncadd.tile.s32 @!p0 $0x1;
	_ =	shalt  }
.Lfunc_end2:
_tile_overlayer_lowered:
.L_overlay_start_2:
0x8e: {  	(tag) =	ssettag $0x2  }
0x8f: {  	s0 =	rddreg [dreg:$0x0];
	s2 =	stileid.u32  }
0x90: {  	s1 =	rddreg [dreg:$0x1];
	p0 =	sne.s32 s2, $0x0  }
0x91: {  	s3 =	rddreg [dreg:$0x2];
	[bflag:$0x3] =	sbarrier.arrive $0xFFFF;
	s2 =	simm.s32 @!p0 $0x1C03  }
0x92: {  	[timem:s3], [sflag:s2] =	dma.local @!p0 [hbm:s0], s1  }
0x93: {  	s0 =	simm.s32 @!p0 $0x3  }
0x94: {  	_ =	swait.ge @!p0 [sflag:s0], s1  }
0x95: {  	s1 =	ssub.s32 @!p0 $0x0, s1;
	[sflag:s0] =	ssyncset.done @!p0 $0x0  }
0x96: {  	[sflag:s0] =	ssyncadd.s32 @!p0 s1  }
0x97: {  	[bflag:$0x3] =	sbarrier.arrive $0xFFFF  }
0x98: {  	_ =	shalt  }

</sc_bundles>
